<compile_context>
chip_gen: v7x
topology: tpu7x:2x2x1
jax: 0.10.2.dev20260603
libtpu: 0.0.44.dev20260713+nightly
codegen_flags: <defaults>
</compile_context>

<pallas_src>
import functools
import math

import jax
import jax.numpy as jnp
from jax import lax
from jax.experimental import pallas as pl
from jax.experimental.pallas import tpu as pltpu
from jax.experimental.pallas import tpu_sc as plsc

N = 10000
NP = 10240
E = 320000
D = 128
ED = 16
H = 8
DH = 16

NC = 2
NS = 16
NW = NC * NS
EPW = E // NW
CH = 80
NCHUNK = EPW // CH
ZR = NP // NS

RB = 1000
EB = 4000

_F32 = jnp.float32


def _ln(x, eps=1e-6):
    m = jnp.mean(x, axis=-1, keepdims=True)
    v = jnp.var(x, axis=-1, keepdims=True)
    return (x - m) / jnp.sqrt(v + eps)


def _silu(x):
    return x / (1.0 + jnp.exp(-x))


def _gelu(x):
    return 0.5 * x * (1.0 + lax.erf(x / math.sqrt(2.0)))


def _head_mask():
    i0 = lax.broadcasted_iota(jnp.int32, (D, H), 0)
    i1 = lax.broadcasted_iota(jnp.int32, (D, H), 1)
    return ((i0 // DH) == i1).astype(_F32)



def _node_prep_body(h_ref, nte_ref, ntw_ref, ntb_ref, wqn_ref, wkvn_ref,
                    qn_ref, kvn_ref, nt4_ref):
    nt = jnp.dot(_silu(nte_ref[...]), ntw_ref[...]) + ntb_ref[...]
    hm = _ln(h_ref[...]) * (1.0 + nt[:, D:2 * D]) + nt[:, :D]
    qn_ref[...] = jnp.dot(hm, wqn_ref[...])
    kvn_ref[...] = jnp.dot(hm, wkvn_ref[...])
    nt4_ref[...] = nt[:, 2 * D:]


def _node_prep(h, nte, nt_w, nt_b, wq_n, wkv_n):
    g = N // RB
    row = lambda i: (i, 0)
    full = lambda i: (0, 0)
    return pl.pallas_call(
        _node_prep_body,
        grid=(g,),
        in_specs=[
            pl.BlockSpec((RB, D), row),
            pl.BlockSpec((RB, D), row),
            pl.BlockSpec((D, 6 * D), full),
            pl.BlockSpec((1, 6 * D), full),
            pl.BlockSpec((D, D), full),
            pl.BlockSpec((D, 2 * D), full),
        ],
        out_specs=[
            pl.BlockSpec((RB, D), row),
            pl.BlockSpec((RB, 2 * D), row),
            pl.BlockSpec((RB, 4 * D), row),
        ],
        out_shape=[
            jax.ShapeDtypeStruct((N, D), _F32),
            jax.ShapeDtypeStruct((N, 2 * D), _F32),
            jax.ShapeDtypeStruct((N, 4 * D), _F32),
        ],
    )(h, nte, nt_w, nt_b, wq_n, wkv_n)


def _edge_prep_body(ete_ref, etw_ref, etb_ref, eta_ref, etb_out_ref):
    et = jnp.dot(_silu(ete_ref[...]), etw_ref[...]) + etb_ref[...]
    eta_ref[...] = et[:, :2 * ED]
    etb_out_ref[...] = et[:, 2 * ED:]


def _edge_prep(ete, et_w, et_b):
    g = E // EB
    row = lambda i: (i, 0)
    full = lambda i: (0, 0)
    return pl.pallas_call(
        _edge_prep_body,
        grid=(g,),
        in_specs=[
            pl.BlockSpec((EB, 128), row),
            pl.BlockSpec((128, 6 * ED), full),
            pl.BlockSpec((1, 6 * ED), full),
        ],
        out_specs=[
            pl.BlockSpec((EB, 2 * ED), row),
            pl.BlockSpec((EB, 4 * ED), row),
        ],
        out_shape=[
            jax.ShapeDtypeStruct((E, 2 * ED), _F32),
            jax.ShapeDtypeStruct((E, 4 * ED), _F32),
        ],
    )(ete, et_w, et_b)


def _attn_body(gq_ref, gkv_ref, ea_ref, eta_ref, wqe_ref, qb_ref,
               wkve_ref, kvb_ref, contrib_ref, exo_ref):
    em = _ln(ea_ref[...]) * (1.0 + eta_ref[:, ED:]) + eta_ref[:, :ED]
    qe = jnp.dot(em, wqe_ref[...]) + qb_ref[...]
    kve = jnp.dot(em, wkve_ref[...]) + kvb_ref[...]
    gq = gq_ref[...]
    gkv = gkv_ref[...]
    q = gq + qe
    k = gkv[:, :D] + kve[:, :D]
    v = gkv[:, D:] + kve[:, D:]
    S = _head_mask()
    alpha = jnp.dot(q * k, S) * (1.0 / math.sqrt(DH))
    ex = jnp.exp(alpha)
    exb = jnp.dot(ex, S.T)
    contrib_ref[...] = v * exb
    exo_ref[...] = jnp.concatenate([ex, jnp.zeros((EB, H), _F32)], axis=1)


def _attn(gq, gkv, ea, et_a, wq_e, q_b, wkv_e, kv_b):
    g = E // EB
    row = lambda i: (i, 0)
    full = lambda i: (0, 0)
    return pl.pallas_call(
        _attn_body,
        grid=(g,),
        in_specs=[
            pl.BlockSpec((EB, D), row),
            pl.BlockSpec((EB, 2 * D), row),
            pl.BlockSpec((EB, ED), row),
            pl.BlockSpec((EB, 2 * ED), row),
            pl.BlockSpec((ED, D), full),
            pl.BlockSpec((1, D), full),
            pl.BlockSpec((ED, 2 * D), full),
            pl.BlockSpec((1, 2 * D), full),
        ],
        out_specs=[pl.BlockSpec((EB, D), row),
                   pl.BlockSpec((EB, ED), row)],
        out_shape=[jax.ShapeDtypeStruct((E, D), _F32),
                   jax.ShapeDtypeStruct((E, ED), _F32)],
    )(gq, gkv, ea, et_a, wq_e, q_b, wkv_e, kv_b)


def _node_final_body(pn_ref, pd_ref, h_ref, nt4_ref, pw_ref, pb_ref,
                     f1w_ref, f1b_ref, f2w_ref, f2b_ref, ws_ref, wd_ref,
                     hout_ref, hns_ref, hnd_ref):
    num = pn_ref[0] + pn_ref[1]
    pd = pd_ref[0] + pd_ref[1]
    denh = pd[:, :H]
    S = _head_mask()
    den = jnp.dot(denh, S.T)
    agg = num / (den + 1e-16)
    h_node = jnp.dot(agg, pw_ref[...]) + pb_ref[...]
    nt4 = nt4_ref[...]
    h2 = h_ref[...] + nt4[:, :D] * h_node
    _h = _ln(h2) * (1.0 + nt4[:, 2 * D:3 * D]) + nt4[:, D:2 * D]
    ffn = jnp.dot(_gelu(jnp.dot(_h, f1w_ref[...]) + f1b_ref[...]),
                  f2w_ref[...]) + f2b_ref[...]
    hout_ref[...] = h2 + nt4[:, 3 * D:] * ffn
    hns_ref[...] = jnp.dot(h_node, ws_ref[...])
    hnd_ref[...] = jnp.dot(h_node, wd_ref[...])


def _node_final(pnum, pden, h, nt4, proj_w, proj_b, ff1_w, ff1_b,
                ff2_w, ff2_b, w_src, w_dst):
    g = N // RB
    row = lambda i: (i, 0)
    row3 = lambda i: (0, i, 0)
    full = lambda i: (0, 0)
    return pl.pallas_call(
        _node_final_body,
        grid=(g,),
        in_specs=[
            pl.BlockSpec((2, RB, D), row3),
            pl.BlockSpec((2, RB, ED), row3),
            pl.BlockSpec((RB, D), row),
            pl.BlockSpec((RB, 4 * D), row),
            pl.BlockSpec((D, D), full),
            pl.BlockSpec((1, D), full),
            pl.BlockSpec((D, 4 * D), full),
            pl.BlockSpec((1, 4 * D), full),
            pl.BlockSpec((4 * D, D), full),
            pl.BlockSpec((1, D), full),
            pl.BlockSpec((D, ED), full),
            pl.BlockSpec((D, ED), full),
        ],
        out_specs=[
            pl.BlockSpec((RB, D), row),
            pl.BlockSpec((RB, ED), row),
            pl.BlockSpec((RB, ED), row),
        ],
        out_shape=[
            jax.ShapeDtypeStruct((N, D), _F32),
            jax.ShapeDtypeStruct((N, ED), _F32),
            jax.ShapeDtypeStruct((N, ED), _F32),
        ],
    )(pnum, pden, h, nt4, proj_w, proj_b, ff1_w, ff1_b, ff2_w, ff2_b,
      w_src, w_dst)


def _edge_final_body(ga_ref, gb_ref, ea_ref, etb_ref, we_ref, nb_ref,
                     f3w_ref, f3b_ref, f4w_ref, f4b_ref, eout_ref):
    ea = ea_ref[...]
    etb = etb_ref[...]
    he = ga_ref[...] + gb_ref[...] + jnp.dot(ea, we_ref[...]) + nb_ref[...]
    e2 = ea + etb[:, :ED] * he
    _e = _ln(e2) * (1.0 + etb[:, 2 * ED:3 * ED]) + etb[:, ED:2 * ED]
    ffe = jnp.dot(_gelu(jnp.dot(_e, f3w_ref[...]) + f3b_ref[...]),
                  f4w_ref[...]) + f4b_ref[...]
    eout_ref[...] = e2 + etb[:, 3 * ED:] * ffe


def _edge_final(ga, gb, ea, et_b_arr, w_e, n2e_b, ff3_w, ff3_b, ff4_w, ff4_b):
    g = E // EB
    row = lambda i: (i, 0)
    full = lambda i: (0, 0)
    return pl.pallas_call(
        _edge_final_body,
        grid=(g,),
        in_specs=[
            pl.BlockSpec((EB, ED), row),
            pl.BlockSpec((EB, ED), row),
            pl.BlockSpec((EB, ED), row),
            pl.BlockSpec((EB, 4 * ED), row),
            pl.BlockSpec((ED, ED), full),
            pl.BlockSpec((1, ED), full),
            pl.BlockSpec((ED, 4 * ED), full),
            pl.BlockSpec((1, 4 * ED), full),
            pl.BlockSpec((4 * ED, ED), full),
            pl.BlockSpec((1, ED), full),
        ],
        out_specs=[pl.BlockSpec((EB, ED), row)],
        out_shape=[jax.ShapeDtypeStruct((E, ED), _F32)],
    )(ga, gb, ea, et_b_arr, w_e, n2e_b, ff3_w, ff3_b, ff4_w, ff4_b)[0]



_MESH = plsc.VectorSubcoreMesh(core_axis_name="c", subcore_axis_name="s",
                               num_cores=NC, num_subcores=NS)


def _worker_id():
    return lax.axis_index("c") * NS + lax.axis_index("s")


@functools.partial(
    pl.kernel,
    out_type=[
        jax.ShapeDtypeStruct((E, D), _F32),
        jax.ShapeDtypeStruct((E, 2 * D), _F32),
    ],
    mesh=_MESH,
    scratch_types=[
        pltpu.VMEM((EPW,), jnp.int32),
        pltpu.VMEM((EPW,), jnp.int32),
        pltpu.VMEM((CH, D), _F32),
        pltpu.VMEM((CH, 2 * D), _F32),
        pltpu.VMEM((CH, D), _F32),
        pltpu.VMEM((CH, 2 * D), _F32),
        pltpu.SemaphoreType.DMA,
        pltpu.SemaphoreType.DMA,
        pltpu.SemaphoreType.DMA,
    ],
)
def _gather1(qn_hbm, kvn_hbm, dst_hbm, src_hbm, gq_hbm, gkv_hbm,
             idx_d, idx_s, rows_q, rows_kv, rows_q2, rows_kv2,
             sem_a, sem_b, sem_w):
    base = _worker_id() * EPW
    pltpu.sync_copy(dst_hbm.at[pl.ds(base, EPW)], idx_d)
    pltpu.sync_copy(src_hbm.at[pl.ds(base, EPW)], idx_s)

    def pair(i, carry):
        offa = (2 * i) * CH
        offb = offa + CH
        ga1 = pltpu.async_copy(
            qn_hbm.at[idx_d.at[pl.ds(offa, CH)]], rows_q, sem_a)
        ga2 = pltpu.async_copy(
            kvn_hbm.at[idx_s.at[pl.ds(offa, CH)]], rows_kv, sem_a)
        gb1 = pltpu.async_copy(
            qn_hbm.at[idx_d.at[pl.ds(offb, CH)]], rows_q2, sem_b)
        gb2 = pltpu.async_copy(
            kvn_hbm.at[idx_s.at[pl.ds(offb, CH)]], rows_kv2, sem_b)
        ga1.wait()
        ga2.wait()
        wa1 = pltpu.async_copy(rows_q, gq_hbm.at[pl.ds(base + offa, CH)],
                               sem_w)
        wa2 = pltpu.async_copy(rows_kv, gkv_hbm.at[pl.ds(base + offa, CH)],
                               sem_w)
        gb1.wait()
        gb2.wait()
        wb1 = pltpu.async_copy(rows_q2, gq_hbm.at[pl.ds(base + offb, CH)],
                               sem_w)
        wb2 = pltpu.async_copy(rows_kv2, gkv_hbm.at[pl.ds(base + offb, CH)],
                               sem_w)
        wa1.wait()
        wa2.wait()
        wb1.wait()
        wb2.wait()
        return carry

    lax.fori_loop(0, NCHUNK // 2, pair, 0)

    off = (NCHUNK - 1) * CH
    t1 = pltpu.async_copy(qn_hbm.at[idx_d.at[pl.ds(off, CH)]], rows_q, sem_a)
    t2 = pltpu.async_copy(kvn_hbm.at[idx_s.at[pl.ds(off, CH)]], rows_kv,
                          sem_a)
    t1.wait()
    t2.wait()
    pltpu.sync_copy(rows_q, gq_hbm.at[pl.ds(base + off, CH)])
    pltpu.sync_copy(rows_kv, gkv_hbm.at[pl.ds(base + off, CH)])


def _make_scatter(width, untiled=False):
    params = (pltpu.CompilerParams(use_tc_tiling_on_sc=False)
              if untiled else None)

    @functools.partial(
        pl.kernel,
        out_type=[jax.ShapeDtypeStruct((NC, NP, width), _F32)],
        mesh=_MESH,
        scratch_types=[
            pltpu.VMEM_SHARED((NP, width), _F32),
            pltpu.VMEM((CH,), jnp.int32),
            pltpu.VMEM((CH, width), _F32),
            pltpu.VMEM((128, width), _F32),
        ],
        compiler_params=params,
    )
    def scatter(pay_hbm, dst_hbm, parts_hbm, acc, idx_c, cbuf, zbuf):
        cid = lax.axis_index("c")
        sid = lax.axis_index("s")
        base = (cid * NS + sid) * EPW
        zero16 = jnp.zeros((16,), _F32)
        w16 = width // 16

        def zb(i, carry):
            zbuf[i // w16, pl.ds((i % w16) * 16, 16)] = zero16
            return carry

        lax.fori_loop(0, 128 * w16, zb, 0)

        def zcopy(t, carry):
            pltpu.sync_copy(zbuf, acc.at[pl.ds(sid * ZR + t * 128, 128)])
            return carry

        lax.fori_loop(0, ZR // 128, zcopy, 0)
        plsc.subcore_barrier()

        def chunk(j, carry):
            off = base + j * CH
            pltpu.sync_copy(dst_hbm.at[pl.ds(off, CH)], idx_c)
            pltpu.sync_copy(pay_hbm.at[pl.ds(off, CH)], cbuf)
            pltpu.sync_copy(cbuf, acc.at[idx_c], add=True)
            return carry

        lax.fori_loop(0, NCHUNK, chunk, 0)
        plsc.subcore_barrier()

        pltpu.sync_copy(acc.at[pl.ds(sid * ZR, ZR)],
                        parts_hbm.at[cid, pl.ds(sid * ZR, ZR)])

    return scatter


_scatter_num = _make_scatter(D)
_scatter_den = _make_scatter(ED, untiled=True)


@functools.partial(
    pl.kernel,
    out_type=[
        jax.ShapeDtypeStruct((E, ED), _F32),
        jax.ShapeDtypeStruct((E, ED), _F32),
    ],
    mesh=_MESH,
    scratch_types=[
        pltpu.VMEM((EPW,), jnp.int32),
        pltpu.VMEM((EPW,), jnp.int32),
        pltpu.VMEM((CH, ED), _F32),
        pltpu.VMEM((CH, ED), _F32),
        pltpu.SemaphoreType.DMA,
    ],
    compiler_params=pltpu.CompilerParams(use_tc_tiling_on_sc=False),
)
def _gather2(hns_hbm, hnd_hbm, src_hbm, dst_hbm, ga_hbm, gb_hbm,
             idx_d, idx_s, rows_a, rows_b, sem):
    base = _worker_id() * EPW
    pltpu.sync_copy(dst_hbm.at[pl.ds(base, EPW)], idx_d)
    pltpu.sync_copy(src_hbm.at[pl.ds(base, EPW)], idx_s)

    def chunk(j, carry):
        off = j * CH
        cp1 = pltpu.async_copy(
            hns_hbm.at[idx_s.at[pl.ds(off, CH)]], rows_a, sem)
        cp2 = pltpu.async_copy(
            hnd_hbm.at[idx_d.at[pl.ds(off, CH)]], rows_b, sem)
        cp1.wait()
        cp2.wait()
        pltpu.sync_copy(rows_a, ga_hbm.at[pl.ds(base + off, CH)])
        pltpu.sync_copy(rows_b, gb_hbm.at[pl.ds(base + off, CH)])
        return carry

    lax.fori_loop(0, NCHUNK, chunk, 0)



def kernel(h, edge_attr, edge_index, node_time_emb, edge_time_emb,
           lin_q_w, lin_q_b, lin_kv_w, lin_kv_b, proj_w, proj_b,
           ff1_w, ff1_b, ff2_w, ff2_b, n2e_w, n2e_b,
           ff3_w, ff3_b, ff4_w, ff4_b, nt_w, nt_b, et_w, et_b):
    src = edge_index[0]
    dst = edge_index[1]

    qn, kvn, nt4 = _node_prep(h, node_time_emb, nt_w, nt_b.reshape(1, -1),
                              lin_q_w[:D], lin_kv_w[:D])
    et_a, et_b_arr = _edge_prep(edge_time_emb, et_w, et_b.reshape(1, -1))
    gq, gkv = _gather1(qn, kvn, dst, src)
    contrib, exo = _attn(gq, gkv, edge_attr, et_a,
                         lin_q_w[D:], lin_q_b.reshape(1, -1),
                         lin_kv_w[D:], lin_kv_b.reshape(1, -1))
    (pnum,) = _scatter_num(contrib, dst)
    (pden,) = _scatter_den(exo, dst)
    h_out, hn_s, hn_d = _node_final(pnum, pden, h, nt4,
                                    proj_w, proj_b.reshape(1, -1),
                                    ff1_w, ff1_b.reshape(1, -1),
                                    ff2_w, ff2_b.reshape(1, -1),
                                    n2e_w[:D], n2e_w[D:2 * D])
    ga, gb = _gather2(hn_s, hn_d, src, dst)
    e_out = _edge_final(ga, gb, edge_attr, et_b_arr,
                        n2e_w[2 * D:], n2e_b.reshape(1, -1),
                        ff3_w, ff3_b.reshape(1, -1),
                        ff4_w, ff4_b.reshape(1, -1))
    return (h_out, e_out)

# --- scband reference (transcript-rebuilt; emitter-appended) ---
"""Pipeline reference for scband-dmtblock-68917045231799 (READ-ONLY COPY).

The authoritative reference and input builder live on the scoring server;
editing this copy changes nothing except your own understanding.
"""

import math
import jax
import jax.numpy as jnp
import numpy as np

N = 10000
E = 320000
D = 128
ED = 16
H = 8
DH = D // H
TD = 128


def _ln(x, eps=1e-6):
    m = jnp.mean(x, axis=-1, keepdims=True)
    v = jnp.var(x, axis=-1, keepdims=True)
    return (x - m) / jnp.sqrt(v + eps)


def _mod(x, shift, scale):
    return x * (1.0 + scale) + shift


def _forward(edge_index, h, edge_attr, node_time_emb, edge_time_emb, params):
    (lin_q_w, lin_q_b, lin_kv_w, lin_kv_b, proj_w, proj_b,
     ff1_w, ff1_b, ff2_w, ff2_b, n2e_w, n2e_b,
     ff3_w, ff3_b, ff4_w, ff4_b, nt_w, nt_b, et_w, et_b) = params
    h_in = h
    e_in = edge_attr
    # adaLN time conditioning
    nt = jax.nn.silu(node_time_emb) @ nt_w + nt_b
    n_sh_msa, n_sc_msa, n_g_msa, n_sh_mlp, n_sc_mlp, n_g_mlp = jnp.split(nt, 6, axis=1)
    et = jax.nn.silu(edge_time_emb) @ et_w + et_b
    e_sh_msa, e_sc_msa, e_g_msa, e_sh_mlp, e_sc_mlp, e_g_mlp = jnp.split(et, 6, axis=1)
    hm = _mod(_ln(h), n_sh_msa, n_sc_msa)
    em = _mod(_ln(edge_attr), e_sh_msa, e_sc_msa)
    # TransLayerOptim message passing (aggr='add', flow source_to_target)
    src = edge_index[0]
    dst = edge_index[1]
    x_i = hm[dst]
    x_j = hm[src]
    q = (jnp.concatenate([x_i, em], axis=-1) @ lin_q_w + lin_q_b).reshape(E, H, DH)
    kv = (jnp.concatenate([x_j, em], axis=-1) @ lin_kv_w + lin_kv_b).reshape(E, H, 2, DH)
    k_e = kv[:, :, 0, :]
    v_e = kv[:, :, 1, :]
    alpha = jnp.sum(q * k_e, axis=-1) / math.sqrt(DH)
    amax = jax.ops.segment_max(alpha, dst, num_segments=N)
    amax = jnp.where(jnp.isfinite(amax), amax, 0.0)
    ex = jnp.exp(alpha - amax[dst])
    den = jax.ops.segment_sum(ex, dst, num_segments=N)
    alpha = ex / (den[dst] + 1e-16)
    msg = v_e * alpha[:, :, None]
    agg = jax.ops.segment_sum(msg, dst, num_segments=N).reshape(N, H * DH)
    h_node = agg @ proj_w + proj_b
    # node update (cond_time=True)
    h2 = h_in + n_g_msa * h_node
    _h = _mod(_ln(h2), n_sh_mlp, n_sc_mlp)
    ffn = jax.nn.gelu(_h @ ff1_w + ff1_b, approximate=False) @ ff2_w + ff2_b
    h_out = h2 + n_g_mlp * ffn
    # edge update (pair_update=True)
    he = jnp.concatenate([h_node[src], h_node[dst], e_in], axis=-1) @ n2e_w + n2e_b
    e2 = e_in + e_g_msa * he
    _e = _mod(_ln(e2), e_sh_mlp, e_sc_mlp)
    ffe = jax.nn.gelu(_e @ ff3_w + ff3_b, approximate=False) @ ff4_w + ff4_b
    e_out = e2 + e_g_mlp * ffe
    return (h_out, e_out)


def setup_inputs(seed: int = 0):
    key = jax.random.key(seed)
    ks = jax.random.split(key, 32)

    def lin(k, i, o):
        return jax.random.normal(k, (i, o), jnp.float32) * 0.02

    inp = {}
    inp["h"] = jax.random.normal(ks[0], (N, D), jnp.float32)
    inp["edge_attr"] = jax.random.normal(ks[1], (E, ED), jnp.float32)
    inp["edge_index"] = jax.random.randint(ks[2], (2, E), 0, N, dtype=jnp.int32)
    inp["node_time_emb"] = jax.random.normal(ks[3], (N, TD), jnp.float32)
    inp["edge_time_emb"] = jax.random.normal(ks[4], (E, TD), jnp.float32)
    inp["lin_q_w"] = lin(ks[5], D + ED, H * DH)
    inp["lin_q_b"] = jnp.zeros((H * DH,), jnp.float32)
    inp["lin_kv_w"] = lin(ks[6], D + ED, H * DH * 2)
    inp["lin_kv_b"] = jnp.zeros((H * DH * 2,), jnp.float32)
    inp["proj_w"] = lin(ks[7], D, D)
    inp["proj_b"] = jnp.zeros((D,), jnp.float32)
    inp["ff1_w"] = lin(ks[8], D, 4 * D)
    inp["ff1_b"] = jnp.zeros((4 * D,), jnp.float32)
    inp["ff2_w"] = lin(ks[9], 4 * D, D)
    inp["ff2_b"] = jnp.zeros((D,), jnp.float32)
    inp["n2e_w"] = lin(ks[10], 2 * D + ED, ED)
    inp["n2e_b"] = jnp.zeros((ED,), jnp.float32)
    inp["ff3_w"] = lin(ks[11], ED, 4 * ED)
    inp["ff3_b"] = jnp.zeros((4 * ED,), jnp.float32)
    inp["ff4_w"] = lin(ks[12], 4 * ED, ED)
    inp["ff4_b"] = jnp.zeros((ED,), jnp.float32)
    inp["nt_w"] = lin(ks[13], TD, 6 * D)
    inp["nt_b"] = jnp.zeros((6 * D,), jnp.float32)
    inp["et_w"] = lin(ks[14], TD, 6 * ED)
    inp["et_b"] = jnp.zeros((6 * ED,), jnp.float32)
    return inp


def reference(h, edge_attr, edge_index, node_time_emb, edge_time_emb,
              lin_q_w, lin_q_b, lin_kv_w, lin_kv_b, proj_w, proj_b,
              ff1_w, ff1_b, ff2_w, ff2_b, n2e_w, n2e_b,
              ff3_w, ff3_b, ff4_w, ff4_b, nt_w, nt_b, et_w, et_b):
    params = (lin_q_w, lin_q_b, lin_kv_w, lin_kv_b, proj_w, proj_b,
              ff1_w, ff1_b, ff2_w, ff2_b, n2e_w, n2e_b,
              ff3_w, ff3_b, ff4_w, ff4_b, nt_w, nt_b, et_w, et_b)
    return _forward(edge_index, h, edge_attr, node_time_emb, edge_time_emb, params)

if __name__ == "__main__":
    import jax
    _d = setup_inputs()
    print(jax.jit(kernel)(*tuple(_d.values())))

</pallas_src>

<mosaic_0001>
#map = affine_map<(d0, d1) -> (0, 0)>
#map1 = affine_map<(d0, d1) -> (0)>
#map2 = affine_map<(d0, d1) -> (0, 0, 0)>
module attributes {stable_mosaic.version = 14 : i64} {
  func.func @scatter(%arg0: i32, %arg1: i32, %arg2: memref<320000x16xf32, #tpu.memory_space<hbm>>, %arg3: memref<320000xi32, #tpu.memory_space<hbm>>, %arg4: memref<2x10240x16xf32, #tpu.memory_space<hbm>>, %arg5: memref<10240x16xf32, #tpu.memory_space<vmem_shared>>, %arg6: memref<80xi32, #tpu.memory_space<vmem>>, %arg7: memref<80x16xf32, #tpu.memory_space<vmem>>, %arg8: memref<128x16xf32, #tpu.memory_space<vmem>>) attributes {dimension_semantics = [#tpu.dimension_semantics<core_parallel>, #tpu.dimension_semantics<subcore_parallel>], iteration_bounds = array<i64: 2, 16>, scalar_prefetch = 0 : i64, scratch_operands = 4 : i64, tpu.core_type = #tpu.core_type<sc_vector_subcore>, window_params = [{transform_indices = #map}, {transform_indices = #map1}, {transform_indices = #map2}]} {
    %mul3A = arith.constant 16 : i32
    %mul3A_0 = arith.muli %arg0, %mul3A : i32
    %add3A = arith.addi %mul3A_0, %arg1 : i32
    %mul3A_1 = arith.constant 10000 : i32
    %mul3A_2 = arith.muli %add3A, %mul3A_1 : i32
    %broadcast_in_dim3A = arith.constant 0.000000e+00 : f32
    %broadcast_in_dim3A_3 = vector.broadcast %broadcast_in_dim3A : f32 to vector<16xf32>
    %scan3A = arith.constant 0 : i32
    %scan3A_4 = arith.constant 0 : i32
    %scan3A_5 = arith.constant 128 : i32
    %scan3A_6 = arith.addi %scan3A_4, %scan3A_5 : i32
    %scan3A_7 = arith.constant 1 : i32
    scf.for %scan3A_26 = %scan3A_4 to %scan3A_6 step %scan3A_7  : i32 {
      %jit3A = arith.constant 1 : i32
      %div3A = arith.divsi %scan3A_26, %jit3A : i32
      %sign3A = arith.constant 0 : i32
      %sign3A_27 = arith.cmpi sgt, %scan3A_26, %sign3A : i32
      %sign3A_28 = arith.extui %sign3A_27 : i1 to i32
      %sign3A_29 = arith.constant 0 : i32
      %sign3A_30 = arith.cmpi slt, %scan3A_26, %sign3A_29 : i32
      %sign3A_31 = arith.extui %sign3A_30 : i1 to i32
      %sign3A_32 = arith.subi %sign3A_28, %sign3A_31 : i32
      %sign3A_33 = arith.constant 0 : i32
      %sign3A_34 = arith.cmpi sgt, %jit3A, %sign3A_33 : i32
      %sign3A_35 = arith.extui %sign3A_34 : i1 to i32
      %sign3A_36 = arith.constant 0 : i32
      %sign3A_37 = arith.cmpi slt, %jit3A, %sign3A_36 : i32
      %sign3A_38 = arith.extui %sign3A_37 : i1 to i32
      %sign3A_39 = arith.subi %sign3A_35, %sign3A_38 : i32
      %ne3A = arith.cmpi ne, %sign3A_32, %sign3A_39 : i32
      %rem3A = arith.remsi %scan3A_26, %jit3A : i32
      %ne3A_40 = arith.constant 0 : i32
      %ne3A_41 = arith.cmpi ne, %rem3A, %ne3A_40 : i32
      %and3A = arith.andi %ne3A, %ne3A_41 : i1
      %sub3A = arith.constant 1 : i32
      %sub3A_42 = arith.subi %div3A, %sub3A : i32
      %select_n3A = arith.select %and3A, %sub3A_42, %div3A : i32
      %jit3A_43 = arith.constant 1 : i32
      %eq3A = arith.constant 0 : i32
      %eq3A_44 = arith.cmpi eq, %jit3A_43, %eq3A : i32
      %jit3A_45 = arith.constant 1 : i32
      %select_n3A_46 = arith.select %eq3A_44, %jit3A_45, %jit3A_43 : i32
      %rem3A_47 = arith.remsi %scan3A_26, %select_n3A_46 : i32
      %ne3A_48 = arith.constant 0 : i32
      %ne3A_49 = arith.cmpi ne, %rem3A_47, %ne3A_48 : i32
      %lt3A = arith.constant 0 : i32
      %lt3A_50 = arith.cmpi slt, %rem3A_47, %lt3A : i32
      %lt3A_51 = arith.constant 0 : i32
      %lt3A_52 = arith.cmpi slt, %select_n3A_46, %lt3A_51 : i32
      %ne3A_53 = arith.xori %lt3A_50, %lt3A_52 : i1
      %and3A_54 = arith.andi %ne3A_53, %ne3A_49 : i1
      %add3A_55 = arith.addi %rem3A_47, %select_n3A_46 : i32
      %select_n3A_56 = arith.select %and3A_54, %add3A_55, %rem3A_47 : i32
      %mul3A_57 = arith.constant 16 : i32
      %mul3A_58 = arith.muli %select_n3A_56, %mul3A_57 : i32
      %swap3A = arith.index_cast %select_n3A : i32 to index
      %swap3A_59 = arith.index_cast %mul3A_58 : i32 to index
      %swap3A_60 = tpu.vector_load %arg8[%swap3A, %swap3A_59] {strides = array<i32>} : memref<128x16xf32, #tpu.memory_space<vmem>>, vector<1x16xf32>,
      %swap3A_61 = vector.shape_cast %swap3A_60 : vector<1x16xf32> to vector<16xf32>
      %swap3A_62 = vector.shape_cast %broadcast_in_dim3A_3 : vector<16xf32> to vector<1x16xf32>
      tpu.vector_store %arg8[%swap3A, %swap3A_59], %swap3A_62 {strides = array<i32>} : memref<128x16xf32, #tpu.memory_space<vmem>>, vector<1x16xf32>,
    }
    %scan3A_8 = arith.constant 128 : i32
    %scan3A_9 = arith.constant 0 : i32
    %scan3A_10 = arith.constant 0 : i32
    %scan3A_11 = arith.constant 5 : i32
    %scan3A_12 = arith.addi %scan3A_10, %scan3A_11 : i32
    %scan3A_13 = arith.constant 1 : i32
    scf.for %scan3A_26 = %scan3A_10 to %scan3A_12 step %scan3A_13  : i32 {
      %mul3A_27 = arith.constant 640 : i32
      %mul3A_28 = arith.muli %arg1, %mul3A_27 : i32
      %mul3A_29 = arith.constant 128 : i32
      %mul3A_30 = arith.muli %scan3A_26, %mul3A_29 : i32
      %add3A_31 = arith.addi %mul3A_28, %mul3A_30 : i32
      "tpu.region"() ({
        %run_scoped3A = tpu.sem_alloc : memref<!tpu.dma_semaphore, #tpu.memory_space<semaphore_mem>>
        %dma_start3A = arith.constant 0 : i32
        %dma_start3A_32 = tpu.memref_slice %arg5[%add3A_31, %dma_start3A] : memref<10240x16xf32, #tpu.memory_space<vmem_shared>> -> memref<128x16xf32, #tpu.memory_space<vmem_shared>>
        %dma_start3A_33 = arith.constant 0 : i32
        %dma_start3A_34 = tpu.memref_slice %arg5[%add3A_31, %dma_start3A_33] : memref<10240x16xf32, #tpu.memory_space<vmem_shared>> -> memref<128x16xf32, #tpu.memory_space<vmem_shared>>
        tpu.enqueue_dma source(%arg8 : memref<128x16xf32, #tpu.memory_space<vmem>>) target(%dma_start3A_34 : memref<128x16xf32, #tpu.memory_space<vmem_shared>>) target_semaphore(%run_scoped3A : memref<!tpu.dma_semaphore, #tpu.memory_space<semaphore_mem>>)
        %dma_wait3A = arith.constant 0 : i32
        %dma_wait3A_35 = tpu.memref_slice %arg5[%add3A_31, %dma_wait3A] : memref<10240x16xf32, #tpu.memory_space<vmem_shared>> -> memref<128x16xf32, #tpu.memory_space<vmem_shared>>
        %dma_wait3A_36 = arith.constant 0 : i32
        %dma_wait3A_37 = tpu.memref_slice %arg5[%add3A_31, %dma_wait3A_36] : memref<10240x16xf32, #tpu.memory_space<vmem_shared>> -> memref<128x16xf32, #tpu.memory_space<vmem_shared>>
        tpu.wait_dma2 semaphore(%run_scoped3A : memref<!tpu.dma_semaphore, #tpu.memory_space<semaphore_mem>>) src(%arg8 : memref<128x16xf32, #tpu.memory_space<vmem>>) dst(%dma_wait3A_37 : memref<128x16xf32, #tpu.memory_space<vmem_shared>>)
        tpu.yield
      }) : () -> ()
    }
    %scan3A_14 = arith.constant 5 : i32
    %barrier3A = arith.constant 0 : index
    tpu.barrier barrier_id(%barrier3A)
    %scan3A_15 = arith.constant 0 : i32
    %scan3A_16 = arith.constant 0 : i32
    %scan3A_17 = arith.constant 125 : i32
    %scan3A_18 = arith.addi %scan3A_16, %scan3A_17 : i32
    %scan3A_19 = arith.constant 1 : i32
    scf.for %scan3A_26 = %scan3A_16 to %scan3A_18 step %scan3A_19  : i32 {
      %mul3A_27 = arith.constant 80 : i32
      %mul3A_28 = arith.muli %scan3A_26, %mul3A_27 : i32
      %add3A_29 = arith.addi %mul3A_2, %mul3A_28 : i32
      "tpu.region"() ({
        %run_scoped3A = tpu.sem_alloc : memref<!tpu.dma_semaphore, #tpu.memory_space<semaphore_mem>>
        %dma_start3A = tpu.memref_slice %arg3[%add3A_29] : memref<320000xi32, #tpu.memory_space<hbm>> -> memref<80xi32, #tpu.memory_space<hbm>>
        %dma_start3A_30 = tpu.memref_slice %arg3[%add3A_29] : memref<320000xi32, #tpu.memory_space<hbm>> -> memref<80xi32, #tpu.memory_space<hbm>>
        tpu.enqueue_dma source(%dma_start3A_30 : memref<80xi32, #tpu.memory_space<hbm>>) target(%arg6 : memref<80xi32, #tpu.memory_space<vmem>>) target_semaphore(%run_scoped3A : memref<!tpu.dma_semaphore, #tpu.memory_space<semaphore_mem>>)
        %dma_wait3A = tpu.memref_slice %arg3[%add3A_29] : memref<320000xi32, #tpu.memory_space<hbm>> -> memref<80xi32, #tpu.memory_space<hbm>>
        %dma_wait3A_31 = tpu.memref_slice %arg3[%add3A_29] : memref<320000xi32, #tpu.memory_space<hbm>> -> memref<80xi32, #tpu.memory_space<hbm>>
        tpu.wait_dma2 semaphore(%run_scoped3A : memref<!tpu.dma_semaphore, #tpu.memory_space<semaphore_mem>>) src(%dma_wait3A_31 : memref<80xi32, #tpu.memory_space<hbm>>) dst(%arg6 : memref<80xi32, #tpu.memory_space<vmem>>)
        tpu.yield
      }) : () -> ()
      "tpu.region"() ({
        %run_scoped3A = tpu.sem_alloc : memref<!tpu.dma_semaphore, #tpu.memory_space<semaphore_mem>>
        %dma_start3A = arith.constant 0 : i32
        %dma_start3A_30 = tpu.memref_slice %arg2[%add3A_29, %dma_start3A] : memref<320000x16xf32, #tpu.memory_space<hbm>> -> memref<80x16xf32, #tpu.memory_space<hbm>>
        %dma_start3A_31 = arith.constant 0 : i32
        %dma_start3A_32 = tpu.memref_slice %arg2[%add3A_29, %dma_start3A_31] : memref<320000x16xf32, #tpu.memory_space<hbm>> -> memref<80x16xf32, #tpu.memory_space<hbm>>
        tpu.enqueue_dma source(%dma_start3A_32 : memref<80x16xf32, #tpu.memory_space<hbm>>) target(%arg7 : memref<80x16xf32, #tpu.memory_space<vmem>>) target_semaphore(%run_scoped3A : memref<!tpu.dma_semaphore, #tpu.memory_space<semaphore_mem>>)
        %dma_wait3A = arith.constant 0 : i32
        %dma_wait3A_33 = tpu.memref_slice %arg2[%add3A_29, %dma_wait3A] : memref<320000x16xf32, #tpu.memory_space<hbm>> -> memref<80x16xf32, #tpu.memory_space<hbm>>
        %dma_wait3A_34 = arith.constant 0 : i32
        %dma_wait3A_35 = tpu.memref_slice %arg2[%add3A_29, %dma_wait3A_34] : memref<320000x16xf32, #tpu.memory_space<hbm>> -> memref<80x16xf32, #tpu.memory_space<hbm>>
        tpu.wait_dma2 semaphore(%run_scoped3A : memref<!tpu.dma_semaphore, #tpu.memory_space<semaphore_mem>>) src(%dma_wait3A_35 : memref<80x16xf32, #tpu.memory_space<hbm>>) dst(%arg7 : memref<80x16xf32, #tpu.memory_space<vmem>>)
        tpu.yield
      }) : () -> ()
      "tpu.region"() ({
        %run_scoped3A = tpu.sem_alloc : memref<!tpu.dma_semaphore, #tpu.memory_space<semaphore_mem>>
        %dma_start3A = arith.constant 0 : i32
        %dma_start3A_30 = arith.constant 0 : i32
        %dma_start3A_31 = tpu.memref_slice %arg5[%dma_start3A, %dma_start3A_30] : memref<10240x16xf32, #tpu.memory_space<vmem_shared>> -> memref<10240x16xf32, #tpu.memory_space<vmem_shared>>
        tpu.enqueue_indirect_dma source(%arg7 : memref<80x16xf32, #tpu.memory_space<vmem>>) target(%dma_start3A_31 : memref<10240x16xf32, #tpu.memory_space<vmem_shared>>) offsets(%arg6 : memref<80xi32, #tpu.memory_space<vmem>>) semaphore(%run_scoped3A : memref<!tpu.dma_semaphore, #tpu.memory_space<semaphore_mem>>) {add = true}
        %dma_wait3A = arith.constant 0 : i32
        %dma_wait3A_32 = arith.constant 0 : i32
        %dma_wait3A_33 = tpu.memref_slice %arg5[%dma_wait3A, %dma_wait3A_32] : memref<10240x16xf32, #tpu.memory_space<vmem_shared>> -> memref<10240x16xf32, #tpu.memory_space<vmem_shared>>
        tpu.wait_indirect_dma semaphore(%run_scoped3A : memref<!tpu.dma_semaphore, #tpu.memory_space<semaphore_mem>>) src(%arg7 : memref<80x16xf32, #tpu.memory_space<vmem>>) dst(%dma_wait3A_33 : memref<10240x16xf32, #tpu.memory_space<vmem_shared>>)
        tpu.yield
      }) : () -> ()
    }
    %scan3A_20 = arith.constant 125 : i32
    %barrier3A_21 = arith.constant 0 : index
    tpu.barrier barrier_id(%barrier3A_21)
    %mul3A_22 = arith.constant 640 : i32
    %mul3A_23 = arith.muli %arg1, %mul3A_22 : i32
    %mul3A_24 = arith.constant 640 : i32
    %mul3A_25 = arith.muli %arg1, %mul3A_24 : i32
    "tpu.region"() ({
      %run_scoped3A = tpu.sem_alloc : memref<!tpu.dma_semaphore, #tpu.memory_space<semaphore_mem>>
      %dma_start3A = arith.constant 0 : i32
      %dma_start3A_26 = tpu.memref_slice %arg4[%arg0, %mul3A_25, %dma_start3A] : memref<2x10240x16xf32, #tpu.memory_space<hbm>> -> memref<1x640x16xf32, #tpu.memory_space<hbm>>
      %dma_start3A_27 = tpu.memref_squeeze %dma_start3A_26 : memref<1x640x16xf32, #tpu.memory_space<hbm>> -> memref<640x16xf32, #tpu.memory_space<hbm>>
      %dma_start3A_28 = arith.constant 0 : i32
      %dma_start3A_29 = tpu.memref_slice %arg5[%mul3A_23, %dma_start3A_28] : memref<10240x16xf32, #tpu.memory_space<vmem_shared>> -> memref<640x16xf32, #tpu.memory_space<vmem_shared>>
      tpu.enqueue_dma source(%dma_start3A_29 : memref<640x16xf32, #tpu.memory_space<vmem_shared>>) target(%dma_start3A_27 : memref<640x16xf32, #tpu.memory_space<hbm>>) target_semaphore(%run_scoped3A : memref<!tpu.dma_semaphore, #tpu.memory_space<semaphore_mem>>)
      %dma_wait3A = arith.constant 0 : i32
      %dma_wait3A_30 = tpu.memref_slice %arg4[%arg0, %mul3A_25, %dma_wait3A] : memref<2x10240x16xf32, #tpu.memory_space<hbm>> -> memref<1x640x16xf32, #tpu.memory_space<hbm>>
      %dma_wait3A_31 = tpu.memref_squeeze %dma_wait3A_30 : memref<1x640x16xf32, #tpu.memory_space<hbm>> -> memref<640x16xf32, #tpu.memory_space<hbm>>
      %dma_wait3A_32 = arith.constant 0 : i32
      %dma_wait3A_33 = tpu.memref_slice %arg5[%mul3A_23, %dma_wait3A_32] : memref<10240x16xf32, #tpu.memory_space<vmem_shared>> -> memref<640x16xf32, #tpu.memory_space<vmem_shared>>
      tpu.wait_dma2 semaphore(%run_scoped3A : memref<!tpu.dma_semaphore, #tpu.memory_space<semaphore_mem>>) src(%dma_wait3A_33 : memref<640x16xf32, #tpu.memory_space<vmem_shared>>) dst(%dma_wait3A_31 : memref<640x16xf32, #tpu.memory_space<hbm>>)
      tpu.yield
    }) : () -> ()
    return
  }
}

#map = affine_map<(d0, d1) -> (0, 0)>
#map1 = affine_map<(d0, d1) -> (0)>
#map2 = affine_map<(d0, d1) -> (0, 0, 0)>
module attributes {stable_mosaic.version = 14 : i64} {
  func.func @scatter(%arg0: i32, %arg1: i32, %arg2: memref<320000x128xf32, #tpu.memory_space<hbm>>, %arg3: memref<320000xi32, #tpu.memory_space<hbm>>, %arg4: memref<2x10240x128xf32, #tpu.memory_space<hbm>>, %arg5: memref<10240x128xf32, #tpu.memory_space<vmem_shared>>, %arg6: memref<80xi32, #tpu.memory_space<vmem>>, %arg7: memref<80x128xf32, #tpu.memory_space<vmem>>, %arg8: memref<128x128xf32, #tpu.memory_space<vmem>>) attributes {dimension_semantics = [#tpu.dimension_semantics<core_parallel>, #tpu.dimension_semantics<subcore_parallel>], iteration_bounds = array<i64: 2, 16>, scalar_prefetch = 0 : i64, scratch_operands = 4 : i64, tpu.core_type = #tpu.core_type<sc_vector_subcore>, window_params = [{transform_indices = #map}, {transform_indices = #map1}, {transform_indices = #map2}]} {
    %mul3A = arith.constant 16 : i32
    %mul3A_0 = arith.muli %arg0, %mul3A : i32
    %add3A = arith.addi %mul3A_0, %arg1 : i32
    %mul3A_1 = arith.constant 10000 : i32
    %mul3A_2 = arith.muli %add3A, %mul3A_1 : i32
    %broadcast_in_dim3A = arith.constant 0.000000e+00 : f32
    %broadcast_in_dim3A_3 = vector.broadcast %broadcast_in_dim3A : f32 to vector<16xf32>
    %scan3A = arith.constant 0 : i32
    %scan3A_4 = arith.constant 0 : i32
    %scan3A_5 = arith.constant 1024 : i32
    %scan3A_6 = arith.addi %scan3A_4, %scan3A_5 : i32
    %scan3A_7 = arith.constant 1 : i32
    scf.for %scan3A_26 = %scan3A_4 to %scan3A_6 step %scan3A_7  : i32 {
      %jit3A = arith.constant 8 : i32
      %div3A = arith.divsi %scan3A_26, %jit3A : i32
      %sign3A = arith.constant 0 : i32
      %sign3A_27 = arith.cmpi sgt, %scan3A_26, %sign3A : i32
      %sign3A_28 = arith.extui %sign3A_27 : i1 to i32
      %sign3A_29 = arith.constant 0 : i32
      %sign3A_30 = arith.cmpi slt, %scan3A_26, %sign3A_29 : i32
      %sign3A_31 = arith.extui %sign3A_30 : i1 to i32
      %sign3A_32 = arith.subi %sign3A_28, %sign3A_31 : i32
      %sign3A_33 = arith.constant 0 : i32
      %sign3A_34 = arith.cmpi sgt, %jit3A, %sign3A_33 : i32
      %sign3A_35 = arith.extui %sign3A_34 : i1 to i32
      %sign3A_36 = arith.constant 0 : i32
      %sign3A_37 = arith.cmpi slt, %jit3A, %sign3A_36 : i32
      %sign3A_38 = arith.extui %sign3A_37 : i1 to i32
      %sign3A_39 = arith.subi %sign3A_35, %sign3A_38 : i32
      %ne3A = arith.cmpi ne, %sign3A_32, %sign3A_39 : i32
      %rem3A = arith.remsi %scan3A_26, %jit3A : i32
      %ne3A_40 = arith.constant 0 : i32
      %ne3A_41 = arith.cmpi ne, %rem3A, %ne3A_40 : i32
      %and3A = arith.andi %ne3A, %ne3A_41 : i1
      %sub3A = arith.constant 1 : i32
      %sub3A_42 = arith.subi %div3A, %sub3A : i32
      %select_n3A = arith.select %and3A, %sub3A_42, %div3A : i32
      %jit3A_43 = arith.constant 8 : i32
      %eq3A = arith.constant 0 : i32
      %eq3A_44 = arith.cmpi eq, %jit3A_43, %eq3A : i32
      %jit3A_45 = arith.constant 1 : i32
      %select_n3A_46 = arith.select %eq3A_44, %jit3A_45, %jit3A_43 : i32
      %rem3A_47 = arith.remsi %scan3A_26, %select_n3A_46 : i32
      %ne3A_48 = arith.constant 0 : i32
      %ne3A_49 = arith.cmpi ne, %rem3A_47, %ne3A_48 : i32
      %lt3A = arith.constant 0 : i32
      %lt3A_50 = arith.cmpi slt, %rem3A_47, %lt3A : i32
      %lt3A_51 = arith.constant 0 : i32
      %lt3A_52 = arith.cmpi slt, %select_n3A_46, %lt3A_51 : i32
      %ne3A_53 = arith.xori %lt3A_50, %lt3A_52 : i1
      %and3A_54 = arith.andi %ne3A_53, %ne3A_49 : i1
      %add3A_55 = arith.addi %rem3A_47, %select_n3A_46 : i32
      %select_n3A_56 = arith.select %and3A_54, %add3A_55, %rem3A_47 : i32
      %mul3A_57 = arith.constant 16 : i32
      %mul3A_58 = arith.muli %select_n3A_56, %mul3A_57 : i32
      %swap3A = arith.index_cast %select_n3A : i32 to index
      %swap3A_59 = arith.index_cast %mul3A_58 : i32 to index
      %swap3A_60 = tpu.vector_load %arg8[%swap3A, %swap3A_59] {strides = array<i32>} : memref<128x128xf32, #tpu.memory_space<vmem>>, vector<1x16xf32>,
      %swap3A_61 = vector.shape_cast %swap3A_60 : vector<1x16xf32> to vector<16xf32>
      %swap3A_62 = vector.shape_cast %broadcast_in_dim3A_3 : vector<16xf32> to vector<1x16xf32>
      tpu.vector_store %arg8[%swap3A, %swap3A_59], %swap3A_62 {strides = array<i32>} : memref<128x128xf32, #tpu.memory_space<vmem>>, vector<1x16xf32>,
    }
    %scan3A_8 = arith.constant 1024 : i32
    %scan3A_9 = arith.constant 0 : i32
    %scan3A_10 = arith.constant 0 : i32
    %scan3A_11 = arith.constant 5 : i32
    %scan3A_12 = arith.addi %scan3A_10, %scan3A_11 : i32
    %scan3A_13 = arith.constant 1 : i32
    scf.for %scan3A_26 = %scan3A_10 to %scan3A_12 step %scan3A_13  : i32 {
      %mul3A_27 = arith.constant 640 : i32
      %mul3A_28 = arith.muli %arg1, %mul3A_27 : i32
      %mul3A_29 = arith.constant 128 : i32
      %mul3A_30 = arith.muli %scan3A_26, %mul3A_29 : i32
      %add3A_31 = arith.addi %mul3A_28, %mul3A_30 : i32
      "tpu.region"() ({
        %run_scoped3A = tpu.sem_alloc : memref<!tpu.dma_semaphore, #tpu.memory_space<semaphore_mem>>
        %dma_start3A = arith.constant 0 : i32
        %dma_start3A_32 = tpu.memref_slice %arg5[%add3A_31, %dma_start3A] : memref<10240x128xf32, #tpu.memory_space<vmem_shared>> -> memref<128x128xf32, #tpu.memory_space<vmem_shared>>
        %dma_start3A_33 = arith.constant 0 : i32
        %dma_start3A_34 = tpu.memref_slice %arg5[%add3A_31, %dma_start3A_33] : memref<10240x128xf32, #tpu.memory_space<vmem_shared>> -> memref<128x128xf32, #tpu.memory_space<vmem_shared>>
        tpu.enqueue_dma source(%arg8 : memref<128x128xf32, #tpu.memory_space<vmem>>) target(%dma_start3A_34 : memref<128x128xf32, #tpu.memory_space<vmem_shared>>) target_semaphore(%run_scoped3A : memref<!tpu.dma_semaphore, #tpu.memory_space<semaphore_mem>>)
        %dma_wait3A = arith.constant 0 : i32
        %dma_wait3A_35 = tpu.memref_slice %arg5[%add3A_31, %dma_wait3A] : memref<10240x128xf32, #tpu.memory_space<vmem_shared>> -> memref<128x128xf32, #tpu.memory_space<vmem_shared>>
        %dma_wait3A_36 = arith.constant 0 : i32
        %dma_wait3A_37 = tpu.memref_slice %arg5[%add3A_31, %dma_wait3A_36] : memref<10240x128xf32, #tpu.memory_space<vmem_shared>> -> memref<128x128xf32, #tpu.memory_space<vmem_shared>>
        tpu.wait_dma2 semaphore(%run_scoped3A : memref<!tpu.dma_semaphore, #tpu.memory_space<semaphore_mem>>) src(%arg8 : memref<128x128xf32, #tpu.memory_space<vmem>>) dst(%dma_wait3A_37 : memref<128x128xf32, #tpu.memory_space<vmem_shared>>)
        tpu.yield
      }) : () -> ()
    }
    %scan3A_14 = arith.constant 5 : i32
    %barrier3A = arith.constant 0 : index
    tpu.barrier barrier_id(%barrier3A)
    %scan3A_15 = arith.constant 0 : i32
    %scan3A_16 = arith.constant 0 : i32
    %scan3A_17 = arith.constant 125 : i32
    %scan3A_18 = arith.addi %scan3A_16, %scan3A_17 : i32
    %scan3A_19 = arith.constant 1 : i32
    scf.for %scan3A_26 = %scan3A_16 to %scan3A_18 step %scan3A_19  : i32 {
      %mul3A_27 = arith.constant 80 : i32
      %mul3A_28 = arith.muli %scan3A_26, %mul3A_27 : i32
      %add3A_29 = arith.addi %mul3A_2, %mul3A_28 : i32
      "tpu.region"() ({
        %run_scoped3A = tpu.sem_alloc : memref<!tpu.dma_semaphore, #tpu.memory_space<semaphore_mem>>
        %dma_start3A = tpu.memref_slice %arg3[%add3A_29] : memref<320000xi32, #tpu.memory_space<hbm>> -> memref<80xi32, #tpu.memory_space<hbm>>
        %dma_start3A_30 = tpu.memref_slice %arg3[%add3A_29] : memref<320000xi32, #tpu.memory_space<hbm>> -> memref<80xi32, #tpu.memory_space<hbm>>
        tpu.enqueue_dma source(%dma_start3A_30 : memref<80xi32, #tpu.memory_space<hbm>>) target(%arg6 : memref<80xi32, #tpu.memory_space<vmem>>) target_semaphore(%run_scoped3A : memref<!tpu.dma_semaphore, #tpu.memory_space<semaphore_mem>>)
        %dma_wait3A = tpu.memref_slice %arg3[%add3A_29] : memref<320000xi32, #tpu.memory_space<hbm>> -> memref<80xi32, #tpu.memory_space<hbm>>
        %dma_wait3A_31 = tpu.memref_slice %arg3[%add3A_29] : memref<320000xi32, #tpu.memory_space<hbm>> -> memref<80xi32, #tpu.memory_space<hbm>>
        tpu.wait_dma2 semaphore(%run_scoped3A : memref<!tpu.dma_semaphore, #tpu.memory_space<semaphore_mem>>) src(%dma_wait3A_31 : memref<80xi32, #tpu.memory_space<hbm>>) dst(%arg6 : memref<80xi32, #tpu.memory_space<vmem>>)
        tpu.yield
      }) : () -> ()
      "tpu.region"() ({
        %run_scoped3A = tpu.sem_alloc : memref<!tpu.dma_semaphore, #tpu.memory_space<semaphore_mem>>
        %dma_start3A = arith.constant 0 : i32
        %dma_start3A_30 = tpu.memref_slice %arg2[%add3A_29, %dma_start3A] : memref<320000x128xf32, #tpu.memory_space<hbm>> -> memref<80x128xf32, #tpu.memory_space<hbm>>
        %dma_start3A_31 = arith.constant 0 : i32
        %dma_start3A_32 = tpu.memref_slice %arg2[%add3A_29, %dma_start3A_31] : memref<320000x128xf32, #tpu.memory_space<hbm>> -> memref<80x128xf32, #tpu.memory_space<hbm>>
        tpu.enqueue_dma source(%dma_start3A_32 : memref<80x128xf32, #tpu.memory_space<hbm>>) target(%arg7 : memref<80x128xf32, #tpu.memory_space<vmem>>) target_semaphore(%run_scoped3A : memref<!tpu.dma_semaphore, #tpu.memory_space<semaphore_mem>>)
        %dma_wait3A = arith.constant 0 : i32
        %dma_wait3A_33 = tpu.memref_slice %arg2[%add3A_29, %dma_wait3A] : memref<320000x128xf32, #tpu.memory_space<hbm>> -> memref<80x128xf32, #tpu.memory_space<hbm>>
        %dma_wait3A_34 = arith.constant 0 : i32
        %dma_wait3A_35 = tpu.memref_slice %arg2[%add3A_29, %dma_wait3A_34] : memref<320000x128xf32, #tpu.memory_space<hbm>> -> memref<80x128xf32, #tpu.memory_space<hbm>>
        tpu.wait_dma2 semaphore(%run_scoped3A : memref<!tpu.dma_semaphore, #tpu.memory_space<semaphore_mem>>) src(%dma_wait3A_35 : memref<80x128xf32, #tpu.memory_space<hbm>>) dst(%arg7 : memref<80x128xf32, #tpu.memory_space<vmem>>)
        tpu.yield
      }) : () -> ()
      "tpu.region"() ({
        %run_scoped3A = tpu.sem_alloc : memref<!tpu.dma_semaphore, #tpu.memory_space<semaphore_mem>>
        %dma_start3A = arith.constant 0 : i32
        %dma_start3A_30 = arith.constant 0 : i32
        %dma_start3A_31 = tpu.memref_slice %arg5[%dma_start3A, %dma_start3A_30] : memref<10240x128xf32, #tpu.memory_space<vmem_shared>> -> memref<10240x128xf32, #tpu.memory_space<vmem_shared>>
        tpu.enqueue_indirect_dma source(%arg7 : memref<80x128xf32, #tpu.memory_space<vmem>>) target(%dma_start3A_31 : memref<10240x128xf32, #tpu.memory_space<vmem_shared>>) offsets(%arg6 : memref<80xi32, #tpu.memory_space<vmem>>) semaphore(%run_scoped3A : memref<!tpu.dma_semaphore, #tpu.memory_space<semaphore_mem>>) {add = true}
        %dma_wait3A = arith.constant 0 : i32
        %dma_wait3A_32 = arith.constant 0 : i32
        %dma_wait3A_33 = tpu.memref_slice %arg5[%dma_wait3A, %dma_wait3A_32] : memref<10240x128xf32, #tpu.memory_space<vmem_shared>> -> memref<10240x128xf32, #tpu.memory_space<vmem_shared>>
        tpu.wait_indirect_dma semaphore(%run_scoped3A : memref<!tpu.dma_semaphore, #tpu.memory_space<semaphore_mem>>) src(%arg7 : memref<80x128xf32, #tpu.memory_space<vmem>>) dst(%dma_wait3A_33 : memref<10240x128xf32, #tpu.memory_space<vmem_shared>>)
        tpu.yield
      }) : () -> ()
    }
    %scan3A_20 = arith.constant 125 : i32
    %barrier3A_21 = arith.constant 0 : index
    tpu.barrier barrier_id(%barrier3A_21)
    %mul3A_22 = arith.constant 640 : i32
    %mul3A_23 = arith.muli %arg1, %mul3A_22 : i32
    %mul3A_24 = arith.constant 640 : i32
    %mul3A_25 = arith.muli %arg1, %mul3A_24 : i32
    "tpu.region"() ({
      %run_scoped3A = tpu.sem_alloc : memref<!tpu.dma_semaphore, #tpu.memory_space<semaphore_mem>>
      %dma_start3A = arith.constant 0 : i32
      %dma_start3A_26 = tpu.memref_slice %arg4[%arg0, %mul3A_25, %dma_start3A] : memref<2x10240x128xf32, #tpu.memory_space<hbm>> -> memref<1x640x128xf32, #tpu.memory_space<hbm>>
      %dma_start3A_27 = tpu.memref_squeeze %dma_start3A_26 : memref<1x640x128xf32, #tpu.memory_space<hbm>> -> memref<640x128xf32, #tpu.memory_space<hbm>>
      %dma_start3A_28 = arith.constant 0 : i32
      %dma_start3A_29 = tpu.memref_slice %arg5[%mul3A_23, %dma_start3A_28] : memref<10240x128xf32, #tpu.memory_space<vmem_shared>> -> memref<640x128xf32, #tpu.memory_space<vmem_shared>>
      tpu.enqueue_dma source(%dma_start3A_29 : memref<640x128xf32, #tpu.memory_space<vmem_shared>>) target(%dma_start3A_27 : memref<640x128xf32, #tpu.memory_space<hbm>>) target_semaphore(%run_scoped3A : memref<!tpu.dma_semaphore, #tpu.memory_space<semaphore_mem>>)
      %dma_wait3A = arith.constant 0 : i32
      %dma_wait3A_30 = tpu.memref_slice %arg4[%arg0, %mul3A_25, %dma_wait3A] : memref<2x10240x128xf32, #tpu.memory_space<hbm>> -> memref<1x640x128xf32, #tpu.memory_space<hbm>>
      %dma_wait3A_31 = tpu.memref_squeeze %dma_wait3A_30 : memref<1x640x128xf32, #tpu.memory_space<hbm>> -> memref<640x128xf32, #tpu.memory_space<hbm>>
      %dma_wait3A_32 = arith.constant 0 : i32
      %dma_wait3A_33 = tpu.memref_slice %arg5[%mul3A_23, %dma_wait3A_32] : memref<10240x128xf32, #tpu.memory_space<vmem_shared>> -> memref<640x128xf32, #tpu.memory_space<vmem_shared>>
      tpu.wait_dma2 semaphore(%run_scoped3A : memref<!tpu.dma_semaphore, #tpu.memory_space<semaphore_mem>>) src(%dma_wait3A_33 : memref<640x128xf32, #tpu.memory_space<vmem_shared>>) dst(%dma_wait3A_31 : memref<640x128xf32, #tpu.memory_space<hbm>>)
      tpu.yield
    }) : () -> ()
    return
  }
}

#map = affine_map<(d0, d1) -> (0, 0)>
#map1 = affine_map<(d0, d1) -> (0)>
module attributes {stable_mosaic.version = 14 : i64} {
  func.func @_gather2(%arg0: i32, %arg1: i32, %arg2: memref<10000x16xf32, #tpu.memory_space<hbm>>, %arg3: memref<10000x16xf32, #tpu.memory_space<hbm>>, %arg4: memref<320000xi32, #tpu.memory_space<hbm>>, %arg5: memref<320000xi32, #tpu.memory_space<hbm>>, %arg6: memref<320000x16xf32, #tpu.memory_space<hbm>>, %arg7: memref<320000x16xf32, #tpu.memory_space<hbm>>, %arg8: memref<10000xi32, #tpu.memory_space<vmem>>, %arg9: memref<10000xi32, #tpu.memory_space<vmem>>, %arg10: memref<80x16xf32, #tpu.memory_space<vmem>>, %arg11: memref<80x16xf32, #tpu.memory_space<vmem>>, %arg12: memref<!tpu.dma_semaphore, #tpu.memory_space<semaphore_mem>>) attributes {dimension_semantics = [#tpu.dimension_semantics<core_parallel>, #tpu.dimension_semantics<subcore_parallel>], iteration_bounds = array<i64: 2, 16>, scalar_prefetch = 0 : i64, scratch_operands = 5 : i64, tpu.core_type = #tpu.core_type<sc_vector_subcore>, window_params = [{transform_indices = #map}, {transform_indices = #map}, {transform_indices = #map1}, {transform_indices = #map1}, {transform_indices = #map}, {transform_indices = #map}]} {
    %mul3A = arith.constant 16 : i32
    %mul3A_0 = arith.muli %arg0, %mul3A : i32
    %add3A = arith.addi %mul3A_0, %arg1 : i32
    %mul3A_1 = arith.constant 10000 : i32
    %mul3A_2 = arith.muli %add3A, %mul3A_1 : i32
    "tpu.region"() ({
      %run_scoped3A = tpu.sem_alloc : memref<!tpu.dma_semaphore, #tpu.memory_space<semaphore_mem>>
      %dma_start3A = tpu.memref_slice %arg5[%mul3A_2] : memref<320000xi32, #tpu.memory_space<hbm>> -> memref<10000xi32, #tpu.memory_space<hbm>>
      %dma_start3A_8 = tpu.memref_slice %arg5[%mul3A_2] : memref<320000xi32, #tpu.memory_space<hbm>> -> memref<10000xi32, #tpu.memory_space<hbm>>
      tpu.enqueue_dma source(%dma_start3A_8 : memref<10000xi32, #tpu.memory_space<hbm>>) target(%arg8 : memref<10000xi32, #tpu.memory_space<vmem>>) target_semaphore(%run_scoped3A : memref<!tpu.dma_semaphore, #tpu.memory_space<semaphore_mem>>)
      %dma_wait3A = tpu.memref_slice %arg5[%mul3A_2] : memref<320000xi32, #tpu.memory_space<hbm>> -> memref<10000xi32, #tpu.memory_space<hbm>>
      %dma_wait3A_9 = tpu.memref_slice %arg5[%mul3A_2] : memref<320000xi32, #tpu.memory_space<hbm>> -> memref<10000xi32, #tpu.memory_space<hbm>>
      tpu.wait_dma2 semaphore(%run_scoped3A : memref<!tpu.dma_semaphore, #tpu.memory_space<semaphore_mem>>) src(%dma_wait3A_9 : memref<10000xi32, #tpu.memory_space<hbm>>) dst(%arg8 : memref<10000xi32, #tpu.memory_space<vmem>>)
      tpu.yield
    }) : () -> ()
    "tpu.region"() ({
      %run_scoped3A = tpu.sem_alloc : memref<!tpu.dma_semaphore, #tpu.memory_space<semaphore_mem>>
      %dma_start3A = tpu.memref_slice %arg4[%mul3A_2] : memref<320000xi32, #tpu.memory_space<hbm>> -> memref<10000xi32, #tpu.memory_space<hbm>>
      %dma_start3A_8 = tpu.memref_slice %arg4[%mul3A_2] : memref<320000xi32, #tpu.memory_space<hbm>> -> memref<10000xi32, #tpu.memory_space<hbm>>
      tpu.enqueue_dma source(%dma_start3A_8 : memref<10000xi32, #tpu.memory_space<hbm>>) target(%arg9 : memref<10000xi32, #tpu.memory_space<vmem>>) target_semaphore(%run_scoped3A : memref<!tpu.dma_semaphore, #tpu.memory_space<semaphore_mem>>)
      %dma_wait3A = tpu.memref_slice %arg4[%mul3A_2] : memref<320000xi32, #tpu.memory_space<hbm>> -> memref<10000xi32, #tpu.memory_space<hbm>>
      %dma_wait3A_9 = tpu.memref_slice %arg4[%mul3A_2] : memref<320000xi32, #tpu.memory_space<hbm>> -> memref<10000xi32, #tpu.memory_space<hbm>>
      tpu.wait_dma2 semaphore(%run_scoped3A : memref<!tpu.dma_semaphore, #tpu.memory_space<semaphore_mem>>) src(%dma_wait3A_9 : memref<10000xi32, #tpu.memory_space<hbm>>) dst(%arg9 : memref<10000xi32, #tpu.memory_space<vmem>>)
      tpu.yield
    }) : () -> ()
    %scan3A = arith.constant 0 : i32
    %scan3A_3 = arith.constant 0 : i32
    %scan3A_4 = arith.constant 125 : i32
    %scan3A_5 = arith.addi %scan3A_3, %scan3A_4 : i32
    %scan3A_6 = arith.constant 1 : i32
    scf.for %scan3A_8 = %scan3A_3 to %scan3A_5 step %scan3A_6  : i32 {
      %mul3A_9 = arith.constant 80 : i32
      %mul3A_10 = arith.muli %scan3A_8, %mul3A_9 : i32
      %dma_start3A = tpu.memref_slice %arg9[%mul3A_10] : memref<10000xi32, #tpu.memory_space<vmem>> -> memref<80xi32, #tpu.memory_space<vmem>>
      %dma_start3A_11 = arith.constant 0 : i32
      %dma_start3A_12 = arith.constant 0 : i32
      %dma_start3A_13 = tpu.memref_slice %arg2[%dma_start3A_11, %dma_start3A_12] : memref<10000x16xf32, #tpu.memory_space<hbm>> -> memref<10000x16xf32, #tpu.memory_space<hbm>>
      tpu.enqueue_indirect_dma source(%dma_start3A_13 : memref<10000x16xf32, #tpu.memory_space<hbm>>) target(%arg10 : memref<80x16xf32, #tpu.memory_space<vmem>>) offsets(%dma_start3A : memref<80xi32, #tpu.memory_space<vmem>>) semaphore(%arg12 : memref<!tpu.dma_semaphore, #tpu.memory_space<semaphore_mem>>)
      %dma_start3A_14 = tpu.memref_slice %arg8[%mul3A_10] : memref<10000xi32, #tpu.memory_space<vmem>> -> memref<80xi32, #tpu.memory_space<vmem>>
      %dma_start3A_15 = arith.constant 0 : i32
      %dma_start3A_16 = arith.constant 0 : i32
      %dma_start3A_17 = tpu.memref_slice %arg3[%dma_start3A_15, %dma_start3A_16] : memref<10000x16xf32, #tpu.memory_space<hbm>> -> memref<10000x16xf32, #tpu.memory_space<hbm>>
      tpu.enqueue_indirect_dma source(%dma_start3A_17 : memref<10000x16xf32, #tpu.memory_space<hbm>>) target(%arg11 : memref<80x16xf32, #tpu.memory_space<vmem>>) offsets(%dma_start3A_14 : memref<80xi32, #tpu.memory_space<vmem>>) semaphore(%arg12 : memref<!tpu.dma_semaphore, #tpu.memory_space<semaphore_mem>>)
      %dma_wait3A = tpu.memref_slice %arg9[%mul3A_10] : memref<10000xi32, #tpu.memory_space<vmem>> -> memref<80xi32, #tpu.memory_space<vmem>>
      %dma_wait3A_18 = arith.constant 0 : i32
      %dma_wait3A_19 = arith.constant 0 : i32
      %dma_wait3A_20 = tpu.memref_slice %arg2[%dma_wait3A_18, %dma_wait3A_19] : memref<10000x16xf32, #tpu.memory_space<hbm>> -> memref<10000x16xf32, #tpu.memory_space<hbm>>
      tpu.wait_indirect_dma semaphore(%arg12 : memref<!tpu.dma_semaphore, #tpu.memory_space<semaphore_mem>>) src(%dma_wait3A_20 : memref<10000x16xf32, #tpu.memory_space<hbm>>) dst(%arg10 : memref<80x16xf32, #tpu.memory_space<vmem>>)
      %dma_wait3A_21 = tpu.memref_slice %arg8[%mul3A_10] : memref<10000xi32, #tpu.memory_space<vmem>> -> memref<80xi32, #tpu.memory_space<vmem>>
      %dma_wait3A_22 = arith.constant 0 : i32
      %dma_wait3A_23 = arith.constant 0 : i32
      %dma_wait3A_24 = tpu.memref_slice %arg3[%dma_wait3A_22, %dma_wait3A_23] : memref<10000x16xf32, #tpu.memory_space<hbm>> -> memref<10000x16xf32, #tpu.memory_space<hbm>>
      tpu.wait_indirect_dma semaphore(%arg12 : memref<!tpu.dma_semaphore, #tpu.memory_space<semaphore_mem>>) src(%dma_wait3A_24 : memref<10000x16xf32, #tpu.memory_space<hbm>>) dst(%arg11 : memref<80x16xf32, #tpu.memory_space<vmem>>)
      %add3A_25 = arith.addi %mul3A_2, %mul3A_10 : i32
      "tpu.region"() ({
        %run_scoped3A = tpu.sem_alloc : memref<!tpu.dma_semaphore, #tpu.memory_space<semaphore_mem>>
        %dma_start3A_27 = arith.constant 0 : i32
        %dma_start3A_28 = tpu.memref_slice %arg6[%add3A_25, %dma_start3A_27] : memref<320000x16xf32, #tpu.memory_space<hbm>> -> memref<80x16xf32, #tpu.memory_space<hbm>>
        %dma_start3A_29 = arith.constant 0 : i32
        %dma_start3A_30 = tpu.memref_slice %arg6[%add3A_25, %dma_start3A_29] : memref<320000x16xf32, #tpu.memory_space<hbm>> -> memref<80x16xf32, #tpu.memory_space<hbm>>
        tpu.enqueue_dma source(%arg10 : memref<80x16xf32, #tpu.memory_space<vmem>>) target(%dma_start3A_30 : memref<80x16xf32, #tpu.memory_space<hbm>>) target_semaphore(%run_scoped3A : memref<!tpu.dma_semaphore, #tpu.memory_space<semaphore_mem>>)
        %dma_wait3A_31 = arith.constant 0 : i32
        %dma_wait3A_32 = tpu.memref_slice %arg6[%add3A_25, %dma_wait3A_31] : memref<320000x16xf32, #tpu.memory_space<hbm>> -> memref<80x16xf32, #tpu.memory_space<hbm>>
        %dma_wait3A_33 = arith.constant 0 : i32
        %dma_wait3A_34 = tpu.memref_slice %arg6[%add3A_25, %dma_wait3A_33] : memref<320000x16xf32, #tpu.memory_space<hbm>> -> memref<80x16xf32, #tpu.memory_space<hbm>>
        tpu.wait_dma2 semaphore(%run_scoped3A : memref<!tpu.dma_semaphore, #tpu.memory_space<semaphore_mem>>) src(%arg10 : memref<80x16xf32, #tpu.memory_space<vmem>>) dst(%dma_wait3A_34 : memref<80x16xf32, #tpu.memory_space<hbm>>)
        tpu.yield
      }) : () -> ()
      %add3A_26 = arith.addi %mul3A_2, %mul3A_10 : i32
      "tpu.region"() ({
        %run_scoped3A = tpu.sem_alloc : memref<!tpu.dma_semaphore, #tpu.memory_space<semaphore_mem>>
        %dma_start3A_27 = arith.constant 0 : i32
        %dma_start3A_28 = tpu.memref_slice %arg7[%add3A_26, %dma_start3A_27] : memref<320000x16xf32, #tpu.memory_space<hbm>> -> memref<80x16xf32, #tpu.memory_space<hbm>>
        %dma_start3A_29 = arith.constant 0 : i32
        %dma_start3A_30 = tpu.memref_slice %arg7[%add3A_26, %dma_start3A_29] : memref<320000x16xf32, #tpu.memory_space<hbm>> -> memref<80x16xf32, #tpu.memory_space<hbm>>
        tpu.enqueue_dma source(%arg11 : memref<80x16xf32, #tpu.memory_space<vmem>>) target(%dma_start3A_30 : memref<80x16xf32, #tpu.memory_space<hbm>>) target_semaphore(%run_scoped3A : memref<!tpu.dma_semaphore, #tpu.memory_space<semaphore_mem>>)
        %dma_wait3A_31 = arith.constant 0 : i32
        %dma_wait3A_32 = tpu.memref_slice %arg7[%add3A_26, %dma_wait3A_31] : memref<320000x16xf32, #tpu.memory_space<hbm>> -> memref<80x16xf32, #tpu.memory_space<hbm>>
        %dma_wait3A_33 = arith.constant 0 : i32
        %dma_wait3A_34 = tpu.memref_slice %arg7[%add3A_26, %dma_wait3A_33] : memref<320000x16xf32, #tpu.memory_space<hbm>> -> memref<80x16xf32, #tpu.memory_space<hbm>>
        tpu.wait_dma2 semaphore(%run_scoped3A : memref<!tpu.dma_semaphore, #tpu.memory_space<semaphore_mem>>) src(%arg11 : memref<80x16xf32, #tpu.memory_space<vmem>>) dst(%dma_wait3A_34 : memref<80x16xf32, #tpu.memory_space<hbm>>)
        tpu.yield
      }) : () -> ()
    }
    %scan3A_7 = arith.constant 125 : i32
    return
  }
}

#map = affine_map<(d0, d1) -> (0, 0)>
#map1 = affine_map<(d0, d1) -> (0)>
module attributes {stable_mosaic.version = 14 : i64} {
  func.func @_gather1(%arg0: i32, %arg1: i32, %arg2: memref<10000x128xf32, #tpu.memory_space<hbm>>, %arg3: memref<10000x256xf32, #tpu.memory_space<hbm>>, %arg4: memref<320000xi32, #tpu.memory_space<hbm>>, %arg5: memref<320000xi32, #tpu.memory_space<hbm>>, %arg6: memref<320000x128xf32, #tpu.memory_space<hbm>>, %arg7: memref<320000x256xf32, #tpu.memory_space<hbm>>, %arg8: memref<10000xi32, #tpu.memory_space<vmem>>, %arg9: memref<10000xi32, #tpu.memory_space<vmem>>, %arg10: memref<80x128xf32, #tpu.memory_space<vmem>>, %arg11: memref<80x256xf32, #tpu.memory_space<vmem>>, %arg12: memref<80x128xf32, #tpu.memory_space<vmem>>, %arg13: memref<80x256xf32, #tpu.memory_space<vmem>>, %arg14: memref<!tpu.dma_semaphore, #tpu.memory_space<semaphore_mem>>, %arg15: memref<!tpu.dma_semaphore, #tpu.memory_space<semaphore_mem>>, %arg16: memref<!tpu.dma_semaphore, #tpu.memory_space<semaphore_mem>>) attributes {dimension_semantics = [#tpu.dimension_semantics<core_parallel>, #tpu.dimension_semantics<subcore_parallel>], iteration_bounds = array<i64: 2, 16>, scalar_prefetch = 0 : i64, scratch_operands = 9 : i64, tpu.core_type = #tpu.core_type<sc_vector_subcore>, window_params = [{transform_indices = #map}, {transform_indices = #map}, {transform_indices = #map1}, {transform_indices = #map1}, {transform_indices = #map}, {transform_indices = #map}]} {
    %mul3A = arith.constant 16 : i32
    %mul3A_0 = arith.muli %arg0, %mul3A : i32
    %add3A = arith.addi %mul3A_0, %arg1 : i32
    %mul3A_1 = arith.constant 10000 : i32
    %mul3A_2 = arith.muli %add3A, %mul3A_1 : i32
    "tpu.region"() ({
      %run_scoped3A = tpu.sem_alloc : memref<!tpu.dma_semaphore, #tpu.memory_space<semaphore_mem>>
      %dma_start3A_30 = tpu.memref_slice %arg4[%mul3A_2] : memref<320000xi32, #tpu.memory_space<hbm>> -> memref<10000xi32, #tpu.memory_space<hbm>>
      %dma_start3A_31 = tpu.memref_slice %arg4[%mul3A_2] : memref<320000xi32, #tpu.memory_space<hbm>> -> memref<10000xi32, #tpu.memory_space<hbm>>
      tpu.enqueue_dma source(%dma_start3A_31 : memref<10000xi32, #tpu.memory_space<hbm>>) target(%arg8 : memref<10000xi32, #tpu.memory_space<vmem>>) target_semaphore(%run_scoped3A : memref<!tpu.dma_semaphore, #tpu.memory_space<semaphore_mem>>)
      %dma_wait3A_32 = tpu.memref_slice %arg4[%mul3A_2] : memref<320000xi32, #tpu.memory_space<hbm>> -> memref<10000xi32, #tpu.memory_space<hbm>>
      %dma_wait3A_33 = tpu.memref_slice %arg4[%mul3A_2] : memref<320000xi32, #tpu.memory_space<hbm>> -> memref<10000xi32, #tpu.memory_space<hbm>>
      tpu.wait_dma2 semaphore(%run_scoped3A : memref<!tpu.dma_semaphore, #tpu.memory_space<semaphore_mem>>) src(%dma_wait3A_33 : memref<10000xi32, #tpu.memory_space<hbm>>) dst(%arg8 : memref<10000xi32, #tpu.memory_space<vmem>>)
      tpu.yield
    }) : () -> ()
    "tpu.region"() ({
      %run_scoped3A = tpu.sem_alloc : memref<!tpu.dma_semaphore, #tpu.memory_space<semaphore_mem>>
      %dma_start3A_30 = tpu.memref_slice %arg5[%mul3A_2] : memref<320000xi32, #tpu.memory_space<hbm>> -> memref<10000xi32, #tpu.memory_space<hbm>>
      %dma_start3A_31 = tpu.memref_slice %arg5[%mul3A_2] : memref<320000xi32, #tpu.memory_space<hbm>> -> memref<10000xi32, #tpu.memory_space<hbm>>
      tpu.enqueue_dma source(%dma_start3A_31 : memref<10000xi32, #tpu.memory_space<hbm>>) target(%arg9 : memref<10000xi32, #tpu.memory_space<vmem>>) target_semaphore(%run_scoped3A : memref<!tpu.dma_semaphore, #tpu.memory_space<semaphore_mem>>)
      %dma_wait3A_32 = tpu.memref_slice %arg5[%mul3A_2] : memref<320000xi32, #tpu.memory_space<hbm>> -> memref<10000xi32, #tpu.memory_space<hbm>>
      %dma_wait3A_33 = tpu.memref_slice %arg5[%mul3A_2] : memref<320000xi32, #tpu.memory_space<hbm>> -> memref<10000xi32, #tpu.memory_space<hbm>>
      tpu.wait_dma2 semaphore(%run_scoped3A : memref<!tpu.dma_semaphore, #tpu.memory_space<semaphore_mem>>) src(%dma_wait3A_33 : memref<10000xi32, #tpu.memory_space<hbm>>) dst(%arg9 : memref<10000xi32, #tpu.memory_space<vmem>>)
      tpu.yield
    }) : () -> ()
    %scan3A = arith.constant 0 : i32
    %scan3A_3 = arith.constant 0 : i32
    %scan3A_4 = arith.constant 62 : i32
    %scan3A_5 = arith.addi %scan3A_3, %scan3A_4 : i32
    %scan3A_6 = arith.constant 1 : i32
    scf.for %scan3A_30 = %scan3A_3 to %scan3A_5 step %scan3A_6  : i32 {
      %mul3A_31 = arith.constant 2 : i32
      %mul3A_32 = arith.muli %mul3A_31, %scan3A_30 : i32
      %mul3A_33 = arith.constant 80 : i32
      %mul3A_34 = arith.muli %mul3A_32, %mul3A_33 : i32
      %add3A_35 = arith.constant 80 : i32
      %add3A_36 = arith.addi %mul3A_34, %add3A_35 : i32
      %dma_start3A_37 = tpu.memref_slice %arg8[%mul3A_34] : memref<10000xi32, #tpu.memory_space<vmem>> -> memref<80xi32, #tpu.memory_space<vmem>>
      %dma_start3A_38 = arith.constant 0 : i32
      %dma_start3A_39 = arith.constant 0 : i32
      %dma_start3A_40 = tpu.memref_slice %arg2[%dma_start3A_38, %dma_start3A_39] : memref<10000x128xf32, #tpu.memory_space<hbm>> -> memref<10000x128xf32, #tpu.memory_space<hbm>>
      tpu.enqueue_indirect_dma source(%dma_start3A_40 : memref<10000x128xf32, #tpu.memory_space<hbm>>) target(%arg10 : memref<80x128xf32, #tpu.memory_space<vmem>>) offsets(%dma_start3A_37 : memref<80xi32, #tpu.memory_space<vmem>>) semaphore(%arg14 : memref<!tpu.dma_semaphore, #tpu.memory_space<semaphore_mem>>)
      %dma_start3A_41 = tpu.memref_slice %arg9[%mul3A_34] : memref<10000xi32, #tpu.memory_space<vmem>> -> memref<80xi32, #tpu.memory_space<vmem>>
      %dma_start3A_42 = arith.constant 0 : i32
      %dma_start3A_43 = arith.constant 0 : i32
      %dma_start3A_44 = tpu.memref_slice %arg3[%dma_start3A_42, %dma_start3A_43] : memref<10000x256xf32, #tpu.memory_space<hbm>> -> memref<10000x256xf32, #tpu.memory_space<hbm>>
      tpu.enqueue_indirect_dma source(%dma_start3A_44 : memref<10000x256xf32, #tpu.memory_space<hbm>>) target(%arg11 : memref<80x256xf32, #tpu.memory_space<vmem>>) offsets(%dma_start3A_41 : memref<80xi32, #tpu.memory_space<vmem>>) semaphore(%arg14 : memref<!tpu.dma_semaphore, #tpu.memory_space<semaphore_mem>>)
      %dma_start3A_45 = tpu.memref_slice %arg8[%add3A_36] : memref<10000xi32, #tpu.memory_space<vmem>> -> memref<80xi32, #tpu.memory_space<vmem>>
      %dma_start3A_46 = arith.constant 0 : i32
      %dma_start3A_47 = arith.constant 0 : i32
      %dma_start3A_48 = tpu.memref_slice %arg2[%dma_start3A_46, %dma_start3A_47] : memref<10000x128xf32, #tpu.memory_space<hbm>> -> memref<10000x128xf32, #tpu.memory_space<hbm>>
      tpu.enqueue_indirect_dma source(%dma_start3A_48 : memref<10000x128xf32, #tpu.memory_space<hbm>>) target(%arg12 : memref<80x128xf32, #tpu.memory_space<vmem>>) offsets(%dma_start3A_45 : memref<80xi32, #tpu.memory_space<vmem>>) semaphore(%arg15 : memref<!tpu.dma_semaphore, #tpu.memory_space<semaphore_mem>>)
      %dma_start3A_49 = tpu.memref_slice %arg9[%add3A_36] : memref<10000xi32, #tpu.memory_space<vmem>> -> memref<80xi32, #tpu.memory_space<vmem>>
      %dma_start3A_50 = arith.constant 0 : i32
      %dma_start3A_51 = arith.constant 0 : i32
      %dma_start3A_52 = tpu.memref_slice %arg3[%dma_start3A_50, %dma_start3A_51] : memref<10000x256xf32, #tpu.memory_space<hbm>> -> memref<10000x256xf32, #tpu.memory_space<hbm>>
      tpu.enqueue_indirect_dma source(%dma_start3A_52 : memref<10000x256xf32, #tpu.memory_space<hbm>>) target(%arg13 : memref<80x256xf32, #tpu.memory_space<vmem>>) offsets(%dma_start3A_49 : memref<80xi32, #tpu.memory_space<vmem>>) semaphore(%arg15 : memref<!tpu.dma_semaphore, #tpu.memory_space<semaphore_mem>>)
      %dma_wait3A_53 = tpu.memref_slice %arg8[%mul3A_34] : memref<10000xi32, #tpu.memory_space<vmem>> -> memref<80xi32, #tpu.memory_space<vmem>>
      %dma_wait3A_54 = arith.constant 0 : i32
      %dma_wait3A_55 = arith.constant 0 : i32
      %dma_wait3A_56 = tpu.memref_slice %arg2[%dma_wait3A_54, %dma_wait3A_55] : memref<10000x128xf32, #tpu.memory_space<hbm>> -> memref<10000x128xf32, #tpu.memory_space<hbm>>
      tpu.wait_indirect_dma semaphore(%arg14 : memref<!tpu.dma_semaphore, #tpu.memory_space<semaphore_mem>>) src(%dma_wait3A_56 : memref<10000x128xf32, #tpu.memory_space<hbm>>) dst(%arg10 : memref<80x128xf32, #tpu.memory_space<vmem>>)
      %dma_wait3A_57 = tpu.memref_slice %arg9[%mul3A_34] : memref<10000xi32, #tpu.memory_space<vmem>> -> memref<80xi32, #tpu.memory_space<vmem>>
      %dma_wait3A_58 = arith.constant 0 : i32
      %dma_wait3A_59 = arith.constant 0 : i32
      %dma_wait3A_60 = tpu.memref_slice %arg3[%dma_wait3A_58, %dma_wait3A_59] : memref<10000x256xf32, #tpu.memory_space<hbm>> -> memref<10000x256xf32, #tpu.memory_space<hbm>>
      tpu.wait_indirect_dma semaphore(%arg14 : memref<!tpu.dma_semaphore, #tpu.memory_space<semaphore_mem>>) src(%dma_wait3A_60 : memref<10000x256xf32, #tpu.memory_space<hbm>>) dst(%arg11 : memref<80x256xf32, #tpu.memory_space<vmem>>)
      %add3A_61 = arith.addi %mul3A_2, %mul3A_34 : i32
      %dma_start3A_62 = arith.constant 0 : i32
      %dma_start3A_63 = tpu.memref_slice %arg6[%add3A_61, %dma_start3A_62] : memref<320000x128xf32, #tpu.memory_space<hbm>> -> memref<80x128xf32, #tpu.memory_space<hbm>>
      %dma_start3A_64 = arith.constant 0 : i32
      %dma_start3A_65 = tpu.memref_slice %arg6[%add3A_61, %dma_start3A_64] : memref<320000x128xf32, #tpu.memory_space<hbm>> -> memref<80x128xf32, #tpu.memory_space<hbm>>
      tpu.enqueue_dma source(%arg10 : memref<80x128xf32, #tpu.memory_space<vmem>>) target(%dma_start3A_65 : memref<80x128xf32, #tpu.memory_space<hbm>>) target_semaphore(%arg16 : memref<!tpu.dma_semaphore, #tpu.memory_space<semaphore_mem>>)
      %add3A_66 = arith.addi %mul3A_2, %mul3A_34 : i32
      %dma_start3A_67 = arith.constant 0 : i32
      %dma_start3A_68 = tpu.memref_slice %arg7[%add3A_66, %dma_start3A_67] : memref<320000x256xf32, #tpu.memory_space<hbm>> -> memref<80x256xf32, #tpu.memory_space<hbm>>
      %dma_start3A_69 = arith.constant 0 : i32
      %dma_start3A_70 = tpu.memref_slice %arg7[%add3A_66, %dma_start3A_69] : memref<320000x256xf32, #tpu.memory_space<hbm>> -> memref<80x256xf32, #tpu.memory_space<hbm>>
      tpu.enqueue_dma source(%arg11 : memref<80x256xf32, #tpu.memory_space<vmem>>) target(%dma_start3A_70 : memref<80x256xf32, #tpu.memory_space<hbm>>) target_semaphore(%arg16 : memref<!tpu.dma_semaphore, #tpu.memory_space<semaphore_mem>>)
      %dma_wait3A_71 = tpu.memref_slice %arg8[%add3A_36] : memref<10000xi32, #tpu.memory_space<vmem>> -> memref<80xi32, #tpu.memory_space<vmem>>
      %dma_wait3A_72 = arith.constant 0 : i32
      %dma_wait3A_73 = arith.constant 0 : i32
      %dma_wait3A_74 = tpu.memref_slice %arg2[%dma_wait3A_72, %dma_wait3A_73] : memref<10000x128xf32, #tpu.memory_space<hbm>> -> memref<10000x128xf32, #tpu.memory_space<hbm>>
      tpu.wait_indirect_dma semaphore(%arg15 : memref<!tpu.dma_semaphore, #tpu.memory_space<semaphore_mem>>) src(%dma_wait3A_74 : memref<10000x128xf32, #tpu.memory_space<hbm>>) dst(%arg12 : memref<80x128xf32, #tpu.memory_space<vmem>>)
      %dma_wait3A_75 = tpu.memref_slice %arg9[%add3A_36] : memref<10000xi32, #tpu.memory_space<vmem>> -> memref<80xi32, #tpu.memory_space<vmem>>
      %dma_wait3A_76 = arith.constant 0 : i32
      %dma_wait3A_77 = arith.constant 0 : i32
      %dma_wait3A_78 = tpu.memref_slice %arg3[%dma_wait3A_76, %dma_wait3A_77] : memref<10000x256xf32, #tpu.memory_space<hbm>> -> memref<10000x256xf32, #tpu.memory_space<hbm>>
      tpu.wait_indirect_dma semaphore(%arg15 : memref<!tpu.dma_semaphore, #tpu.memory_space<semaphore_mem>>) src(%dma_wait3A_78 : memref<10000x256xf32, #tpu.memory_space<hbm>>) dst(%arg13 : memref<80x256xf32, #tpu.memory_space<vmem>>)
      %add3A_79 = arith.addi %mul3A_2, %add3A_36 : i32
      %dma_start3A_80 = arith.constant 0 : i32
      %dma_start3A_81 = tpu.memref_slice %arg6[%add3A_79, %dma_start3A_80] : memref<320000x128xf32, #tpu.memory_space<hbm>> -> memref<80x128xf32, #tpu.memory_space<hbm>>
      %dma_start3A_82 = arith.constant 0 : i32
      %dma_start3A_83 = tpu.memref_slice %arg6[%add3A_79, %dma_start3A_82] : memref<320000x128xf32, #tpu.memory_space<hbm>> -> memref<80x128xf32, #tpu.memory_space<hbm>>
      tpu.enqueue_dma source(%arg12 : memref<80x128xf32, #tpu.memory_space<vmem>>) target(%dma_start3A_83 : memref<80x128xf32, #tpu.memory_space<hbm>>) target_semaphore(%arg16 : memref<!tpu.dma_semaphore, #tpu.memory_space<semaphore_mem>>)
      %add3A_84 = arith.addi %mul3A_2, %add3A_36 : i32
      %dma_start3A_85 = arith.constant 0 : i32
      %dma_start3A_86 = tpu.memref_slice %arg7[%add3A_84, %dma_start3A_85] : memref<320000x256xf32, #tpu.memory_space<hbm>> -> memref<80x256xf32, #tpu.memory_space<hbm>>
      %dma_start3A_87 = arith.constant 0 : i32
      %dma_start3A_88 = tpu.memref_slice %arg7[%add3A_84, %dma_start3A_87] : memref<320000x256xf32, #tpu.memory_space<hbm>> -> memref<80x256xf32, #tpu.memory_space<hbm>>
      tpu.enqueue_dma source(%arg13 : memref<80x256xf32, #tpu.memory_space<vmem>>) target(%dma_start3A_88 : memref<80x256xf32, #tpu.memory_space<hbm>>) target_semaphore(%arg16 : memref<!tpu.dma_semaphore, #tpu.memory_space<semaphore_mem>>)
      %dma_wait3A_89 = arith.constant 0 : i32
      %dma_wait3A_90 = tpu.memref_slice %arg6[%add3A_61, %dma_wait3A_89] : memref<320000x128xf32, #tpu.memory_space<hbm>> -> memref<80x128xf32, #tpu.memory_space<hbm>>
      %dma_wait3A_91 = arith.constant 0 : i32
      %dma_wait3A_92 = tpu.memref_slice %arg6[%add3A_61, %dma_wait3A_91] : memref<320000x128xf32, #tpu.memory_space<hbm>> -> memref<80x128xf32, #tpu.memory_space<hbm>>
      tpu.wait_dma2 semaphore(%arg16 : memref<!tpu.dma_semaphore, #tpu.memory_space<semaphore_mem>>) src(%arg10 : memref<80x128xf32, #tpu.memory_space<vmem>>) dst(%dma_wait3A_92 : memref<80x128xf32, #tpu.memory_space<hbm>>)
      %dma_wait3A_93 = arith.constant 0 : i32
      %dma_wait3A_94 = tpu.memref_slice %arg7[%add3A_66, %dma_wait3A_93] : memref<320000x256xf32, #tpu.memory_space<hbm>> -> memref<80x256xf32, #tpu.memory_space<hbm>>
      %dma_wait3A_95 = arith.constant 0 : i32
      %dma_wait3A_96 = tpu.memref_slice %arg7[%add3A_66, %dma_wait3A_95] : memref<320000x256xf32, #tpu.memory_space<hbm>> -> memref<80x256xf32, #tpu.memory_space<hbm>>
      tpu.wait_dma2 semaphore(%arg16 : memref<!tpu.dma_semaphore, #tpu.memory_space<semaphore_mem>>) src(%arg11 : memref<80x256xf32, #tpu.memory_space<vmem>>) dst(%dma_wait3A_96 : memref<80x256xf32, #tpu.memory_space<hbm>>)
      %dma_wait3A_97 = arith.constant 0 : i32
      %dma_wait3A_98 = tpu.memref_slice %arg6[%add3A_79, %dma_wait3A_97] : memref<320000x128xf32, #tpu.memory_space<hbm>> -> memref<80x128xf32, #tpu.memory_space<hbm>>
      %dma_wait3A_99 = arith.constant 0 : i32
      %dma_wait3A_100 = tpu.memref_slice %arg6[%add3A_79, %dma_wait3A_99] : memref<320000x128xf32, #tpu.memory_space<hbm>> -> memref<80x128xf32, #tpu.memory_space<hbm>>
      tpu.wait_dma2 semaphore(%arg16 : memref<!tpu.dma_semaphore, #tpu.memory_space<semaphore_mem>>) src(%arg12 : memref<80x128xf32, #tpu.memory_space<vmem>>) dst(%dma_wait3A_100 : memref<80x128xf32, #tpu.memory_space<hbm>>)
      %dma_wait3A_101 = arith.constant 0 : i32
      %dma_wait3A_102 = tpu.memref_slice %arg7[%add3A_84, %dma_wait3A_101] : memref<320000x256xf32, #tpu.memory_space<hbm>> -> memref<80x256xf32, #tpu.memory_space<hbm>>
      %dma_wait3A_103 = arith.constant 0 : i32
      %dma_wait3A_104 = tpu.memref_slice %arg7[%add3A_84, %dma_wait3A_103] : memref<320000x256xf32, #tpu.memory_space<hbm>> -> memref<80x256xf32, #tpu.memory_space<hbm>>
      tpu.wait_dma2 semaphore(%arg16 : memref<!tpu.dma_semaphore, #tpu.memory_space<semaphore_mem>>) src(%arg13 : memref<80x256xf32, #tpu.memory_space<vmem>>) dst(%dma_wait3A_104 : memref<80x256xf32, #tpu.memory_space<hbm>>)
    }
    %scan3A_7 = arith.constant 62 : i32
    %dma_start3A = arith.constant 9920 : i32
    %dma_start3A_8 = tpu.memref_slice %arg8[%dma_start3A] : memref<10000xi32, #tpu.memory_space<vmem>> -> memref<80xi32, #tpu.memory_space<vmem>>
    %dma_start3A_9 = arith.constant 0 : i32
    %dma_start3A_10 = arith.constant 0 : i32
    %dma_start3A_11 = tpu.memref_slice %arg2[%dma_start3A_9, %dma_start3A_10] : memref<10000x128xf32, #tpu.memory_space<hbm>> -> memref<10000x128xf32, #tpu.memory_space<hbm>>
    tpu.enqueue_indirect_dma source(%dma_start3A_11 : memref<10000x128xf32, #tpu.memory_space<hbm>>) target(%arg10 : memref<80x128xf32, #tpu.memory_space<vmem>>) offsets(%dma_start3A_8 : memref<80xi32, #tpu.memory_space<vmem>>) semaphore(%arg14 : memref<!tpu.dma_semaphore, #tpu.memory_space<semaphore_mem>>)
    %dma_start3A_12 = arith.constant 9920 : i32
    %dma_start3A_13 = tpu.memref_slice %arg9[%dma_start3A_12] : memref<10000xi32, #tpu.memory_space<vmem>> -> memref<80xi32, #tpu.memory_space<vmem>>
    %dma_start3A_14 = arith.constant 0 : i32
    %dma_start3A_15 = arith.constant 0 : i32
    %dma_start3A_16 = tpu.memref_slice %arg3[%dma_start3A_14, %dma_start3A_15] : memref<10000x256xf32, #tpu.memory_space<hbm>> -> memref<10000x256xf32, #tpu.memory_space<hbm>>
    tpu.enqueue_indirect_dma source(%dma_start3A_16 : memref<10000x256xf32, #tpu.memory_space<hbm>>) target(%arg11 : memref<80x256xf32, #tpu.memory_space<vmem>>) offsets(%dma_start3A_13 : memref<80xi32, #tpu.memory_space<vmem>>) semaphore(%arg14 : memref<!tpu.dma_semaphore, #tpu.memory_space<semaphore_mem>>)
    %dma_wait3A = arith.constant 9920 : i32
    %dma_wait3A_17 = tpu.memref_slice %arg8[%dma_wait3A] : memref<10000xi32, #tpu.memory_space<vmem>> -> memref<80xi32, #tpu.memory_space<vmem>>
    %dma_wait3A_18 = arith.constant 0 : i32
    %dma_wait3A_19 = arith.constant 0 : i32
    %dma_wait3A_20 = tpu.memref_slice %arg2[%dma_wait3A_18, %dma_wait3A_19] : memref<10000x128xf32, #tpu.memory_space<hbm>> -> memref<10000x128xf32, #tpu.memory_space<hbm>>
    tpu.wait_indirect_dma semaphore(%arg14 : memref<!tpu.dma_semaphore, #tpu.memory_space<semaphore_mem>>) src(%dma_wait3A_20 : memref<10000x128xf32, #tpu.memory_space<hbm>>) dst(%arg10 : memref<80x128xf32, #tpu.memory_space<vmem>>)
    %dma_wait3A_21 = arith.constant 9920 : i32
    %dma_wait3A_22 = tpu.memref_slice %arg9[%dma_wait3A_21] : memref<10000xi32, #tpu.memory_space<vmem>> -> memref<80xi32, #tpu.memory_space<vmem>>
    %dma_wait3A_23 = arith.constant 0 : i32
    %dma_wait3A_24 = arith.constant 0 : i32
    %dma_wait3A_25 = tpu.memref_slice %arg3[%dma_wait3A_23, %dma_wait3A_24] : memref<10000x256xf32, #tpu.memory_space<hbm>> -> memref<10000x256xf32, #tpu.memory_space<hbm>>
    tpu.wait_indirect_dma semaphore(%arg14 : memref<!tpu.dma_semaphore, #tpu.memory_space<semaphore_mem>>) src(%dma_wait3A_25 : memref<10000x256xf32, #tpu.memory_space<hbm>>) dst(%arg11 : memref<80x256xf32, #tpu.memory_space<vmem>>)
    %add3A_26 = arith.constant 9920 : i32
    %add3A_27 = arith.addi %mul3A_2, %add3A_26 : i32
    "tpu.region"() ({
      %run_scoped3A = tpu.sem_alloc : memref<!tpu.dma_semaphore, #tpu.memory_space<semaphore_mem>>
      %dma_start3A_30 = arith.constant 0 : i32
      %dma_start3A_31 = tpu.memref_slice %arg6[%add3A_27, %dma_start3A_30] : memref<320000x128xf32, #tpu.memory_space<hbm>> -> memref<80x128xf32, #tpu.memory_space<hbm>>
      %dma_start3A_32 = arith.constant 0 : i32
      %dma_start3A_33 = tpu.memref_slice %arg6[%add3A_27, %dma_start3A_32] : memref<320000x128xf32, #tpu.memory_space<hbm>> -> memref<80x128xf32, #tpu.memory_space<hbm>>
      tpu.enqueue_dma source(%arg10 : memref<80x128xf32, #tpu.memory_space<vmem>>) target(%dma_start3A_33 : memref<80x128xf32, #tpu.memory_space<hbm>>) target_semaphore(%run_scoped3A : memref<!tpu.dma_semaphore, #tpu.memory_space<semaphore_mem>>)
      %dma_wait3A_34 = arith.constant 0 : i32
      %dma_wait3A_35 = tpu.memref_slice %arg6[%add3A_27, %dma_wait3A_34] : memref<320000x128xf32, #tpu.memory_space<hbm>> -> memref<80x128xf32, #tpu.memory_space<hbm>>
      %dma_wait3A_36 = arith.constant 0 : i32
      %dma_wait3A_37 = tpu.memref_slice %arg6[%add3A_27, %dma_wait3A_36] : memref<320000x128xf32, #tpu.memory_space<hbm>> -> memref<80x128xf32, #tpu.memory_space<hbm>>
      tpu.wait_dma2 semaphore(%run_scoped3A : memref<!tpu.dma_semaphore, #tpu.memory_space<semaphore_mem>>) src(%arg10 : memref<80x128xf32, #tpu.memory_space<vmem>>) dst(%dma_wait3A_37 : memref<80x128xf32, #tpu.memory_space<hbm>>)
      tpu.yield
    }) : () -> ()
    %add3A_28 = arith.constant 9920 : i32
    %add3A_29 = arith.addi %mul3A_2, %add3A_28 : i32
    "tpu.region"() ({
      %run_scoped3A = tpu.sem_alloc : memref<!tpu.dma_semaphore, #tpu.memory_space<semaphore_mem>>
      %dma_start3A_30 = arith.constant 0 : i32
      %dma_start3A_31 = tpu.memref_slice %arg7[%add3A_29, %dma_start3A_30] : memref<320000x256xf32, #tpu.memory_space<hbm>> -> memref<80x256xf32, #tpu.memory_space<hbm>>
      %dma_start3A_32 = arith.constant 0 : i32
      %dma_start3A_33 = tpu.memref_slice %arg7[%add3A_29, %dma_start3A_32] : memref<320000x256xf32, #tpu.memory_space<hbm>> -> memref<80x256xf32, #tpu.memory_space<hbm>>
      tpu.enqueue_dma source(%arg11 : memref<80x256xf32, #tpu.memory_space<vmem>>) target(%dma_start3A_33 : memref<80x256xf32, #tpu.memory_space<hbm>>) target_semaphore(%run_scoped3A : memref<!tpu.dma_semaphore, #tpu.memory_space<semaphore_mem>>)
      %dma_wait3A_34 = arith.constant 0 : i32
      %dma_wait3A_35 = tpu.memref_slice %arg7[%add3A_29, %dma_wait3A_34] : memref<320000x256xf32, #tpu.memory_space<hbm>> -> memref<80x256xf32, #tpu.memory_space<hbm>>
      %dma_wait3A_36 = arith.constant 0 : i32
      %dma_wait3A_37 = tpu.memref_slice %arg7[%add3A_29, %dma_wait3A_36] : memref<320000x256xf32, #tpu.memory_space<hbm>> -> memref<80x256xf32, #tpu.memory_space<hbm>>
      tpu.wait_dma2 semaphore(%run_scoped3A : memref<!tpu.dma_semaphore, #tpu.memory_space<semaphore_mem>>) src(%arg11 : memref<80x256xf32, #tpu.memory_space<vmem>>) dst(%dma_wait3A_37 : memref<80x256xf32, #tpu.memory_space<hbm>>)
      tpu.yield
    }) : () -> ()
    return
  }
}

module attributes {stable_mosaic.version = 14 : i64} {
  func.func @_node_prep_body(%arg0: i32, %arg1: memref<1000x128xf32, #tpu.memory_space<vmem>>, %arg2: memref<1000x128xf32, #tpu.memory_space<vmem>>, %arg3: memref<128x768xf32, #tpu.memory_space<vmem>>, %arg4: memref<1x768xf32, #tpu.memory_space<vmem>>, %arg5: memref<128x128xf32, #tpu.memory_space<vmem>>, %arg6: memref<128x256xf32, #tpu.memory_space<vmem>>, %arg7: memref<1000x128xf32, #tpu.memory_space<vmem>>, %arg8: memref<1000x256xf32, #tpu.memory_space<vmem>>, %arg9: memref<1000x512xf32, #tpu.memory_space<vmem>>) attributes {dimension_semantics = [#tpu.dimension_semantics<arbitrary>], iteration_bounds = array<i64: 10>, scalar_prefetch = 0 : i64, scratch_operands = 0 : i64, tpu.core_type = #tpu.core_type<tc>, window_params = [{transform_indices = @transform_0, window_bounds = array<i64: 1000, 128>}, {transform_indices = @transform_1, window_bounds = array<i64: 1000, 128>}, {pipeline_mode = #tpu.pipeline_mode<synchronous>, transform_indices = @transform_2, window_bounds = array<i64: 128, 768>}, {pipeline_mode = #tpu.pipeline_mode<synchronous>, transform_indices = @transform_3, window_bounds = array<i64: 1, 768>}, {pipeline_mode = #tpu.pipeline_mode<synchronous>, transform_indices = @transform_4, window_bounds = array<i64: 128, 128>}, {pipeline_mode = #tpu.pipeline_mode<synchronous>, transform_indices = @transform_5, window_bounds = array<i64: 128, 256>}, {transform_indices = @transform_6, window_bounds = array<i64: 1000, 128>}, {transform_indices = @transform_7, window_bounds = array<i64: 1000, 256>}, {transform_indices = @transform_8, window_bounds = array<i64: 1000, 512>}]} {
    %get3A = arith.constant 0 : index
    %get3A_0 = arith.constant 0 : index
    %get3A_1 = vector.load %arg2[%get3A, %get3A_0] : memref<1000x128xf32, #tpu.memory_space<vmem>>, vector<1000x128xf32>
    %neg3A = arith.constant 0.000000e+00 : f32
    %neg3A_2 = vector.broadcast %neg3A : f32 to vector<1000x128xf32>
    %neg3A_3 = arith.subf %neg3A_2, %get3A_1 : vector<1000x128xf32>
    %exp3A = math.exp %neg3A_3 : vector<1000x128xf32>
    %add3A = arith.constant 1.000000e+00 : f32
    %add3A_4 = vector.broadcast %add3A : f32 to vector<1000x128xf32>
    %add3A_5 = arith.addf %add3A_4, %exp3A : vector<1000x128xf32>
    %div3A = arith.divf %get3A_1, %add3A_5 : vector<1000x128xf32>
    %get3A_6 = arith.constant 0 : index
    %get3A_7 = arith.constant 0 : index
    %get3A_8 = vector.load %arg3[%get3A_6, %get3A_7] : memref<128x768xf32, #tpu.memory_space<vmem>>, vector<128x768xf32>
    %dot_general3A = arith.constant dense<0.000000e+00> : vector<1000x768xf32>
    %dot_general3A_9 = tpu.matmul %div3A, %get3A_8, %dot_general3A {dimension_numbers = #tpu.dot_dimension_numbers<[1], [0], [0], [1], [0, 0, 1, 1], [], []>, transpose_lhs_hint = false} : vector<1000x128xf32>, vector<128x768xf32>, vector<1000x768xf32> -> vector<1000x768xf32>
    %get3A_10 = arith.constant 0 : index
    %get3A_11 = arith.constant 0 : index
    %get3A_12 = vector.load %arg4[%get3A_10, %get3A_11] : memref<1x768xf32, #tpu.memory_space<vmem>>, vector<1x768xf32>
    %add3A_13 = vector.broadcast %get3A_12 : vector<1x768xf32> to vector<1000x768xf32>
    %add3A_14 = arith.addf %dot_general3A_9, %add3A_13 : vector<1000x768xf32>
    %get3A_15 = arith.constant 0 : index
    %get3A_16 = arith.constant 0 : index
    %get3A_17 = vector.load %arg1[%get3A_15, %get3A_16] : memref<1000x128xf32, #tpu.memory_space<vmem>>, vector<1000x128xf32>
    %reduce_sum3A = arith.constant dense<0.000000e+00> : vector<1000xf32>
    %reduce_sum3A_18 = vector.multi_reduction <add>, %get3A_17, %reduce_sum3A [1] : vector<1000x128xf32> to vector<1000xf32>
    %broadcast_in_dim3A = vector.shape_cast %reduce_sum3A_18 : vector<1000xf32> to vector<1000x1xf32>
    %div3A_19 = arith.constant 1.280000e+02 : f32
    %div3A_20 = vector.broadcast %div3A_19 : f32 to vector<1000x1xf32>
    %div3A_21 = arith.divf %broadcast_in_dim3A, %div3A_20 : vector<1000x1xf32>
    %jit3A = arith.constant 0 : i32
    %reduce_sum3A_22 = arith.constant dense<0.000000e+00> : vector<1000xf32>
    %reduce_sum3A_23 = vector.multi_reduction <add>, %get3A_17, %reduce_sum3A_22 [1] : vector<1000x128xf32> to vector<1000xf32>
    %broadcast_in_dim3A_24 = vector.shape_cast %reduce_sum3A_23 : vector<1000xf32> to vector<1000x1xf32>
    %div3A_25 = arith.constant 1.280000e+02 : f32
    %div3A_26 = vector.broadcast %div3A_25 : f32 to vector<1000x1xf32>
    %div3A_27 = arith.divf %broadcast_in_dim3A_24, %div3A_26 : vector<1000x1xf32>
    %sub3A = vector.broadcast %div3A_27 : vector<1000x1xf32> to vector<1000x128xf32>
    %sub3A_28 = arith.subf %get3A_17, %sub3A : vector<1000x128xf32>
    %square3A = arith.mulf %sub3A_28, %sub3A_28 : vector<1000x128xf32>
    %convert_element_type3A = arith.sitofp %jit3A : i32 to f32
    %sub3A_29 = arith.constant 1.280000e+02 : f32
    %sub3A_30 = arith.subf %sub3A_29, %convert_element_type3A : f32
    %reduce_sum3A_31 = arith.constant dense<0.000000e+00> : vector<1000xf32>
    %reduce_sum3A_32 = vector.multi_reduction <add>, %square3A, %reduce_sum3A_31 [1] : vector<1000x128xf32> to vector<1000xf32>
    %broadcast_in_dim3A_33 = vector.shape_cast %reduce_sum3A_32 : vector<1000xf32> to vector<1000x1xf32>
    %div3A_34 = vector.broadcast %sub3A_30 : f32 to vector<1000x1xf32>
    %div3A_35 = arith.divf %broadcast_in_dim3A_33, %div3A_34 : vector<1000x1xf32>
    %gt3A = arith.constant 0.000000e+00 : f32
    %gt3A_36 = arith.cmpf ogt, %sub3A_30, %gt3A : f32
    %jit3A_37 = arith.constant 0x7FC00000 : f32
    %broadcast_in_dim3A_38 = vector.broadcast %jit3A_37 : f32 to vector<1000x1xf32>
    %select_n3A = arith.select %gt3A_36, %div3A_35, %broadcast_in_dim3A_38 : vector<1000x1xf32>
    %sub3A_39 = vector.broadcast %div3A_21 : vector<1000x1xf32> to vector<1000x128xf32>
    %sub3A_40 = arith.subf %get3A_17, %sub3A_39 : vector<1000x128xf32>
    %add3A_41 = arith.constant 9.99999997E-7 : f32
    %add3A_42 = vector.broadcast %add3A_41 : f32 to vector<1000x1xf32>
    %add3A_43 = arith.addf %select_n3A, %add3A_42 : vector<1000x1xf32>
    %sqrt3A = math.sqrt %add3A_43 : vector<1000x1xf32>
    %div3A_44 = vector.broadcast %sqrt3A : vector<1000x1xf32> to vector<1000x128xf32>
    %div3A_45 = arith.divf %sub3A_40, %div3A_44 : vector<1000x128xf32>
    %slice3A = vector.extract_strided_slice %add3A_14 {offsets = [0, 128], sizes = [1000, 128], strides = [1, 1]} : vector<1000x768xf32> to vector<1000x128xf32>
    %add3A_46 = arith.constant 1.000000e+00 : f32
    %add3A_47 = vector.broadcast %add3A_46 : f32 to vector<1000x128xf32>
    %add3A_48 = arith.addf %add3A_47, %slice3A : vector<1000x128xf32>
    %mul3A = arith.mulf %div3A_45, %add3A_48 : vector<1000x128xf32>
    %slice3A_49 = vector.extract_strided_slice %add3A_14 {offsets = [0, 0], sizes = [1000, 128], strides = [1, 1]} : vector<1000x768xf32> to vector<1000x128xf32>
    %add3A_50 = arith.addf %mul3A, %slice3A_49 : vector<1000x128xf32>
    %get3A_51 = arith.constant 0 : index
    %get3A_52 = arith.constant 0 : index
    %get3A_53 = vector.load %arg5[%get3A_51, %get3A_52] : memref<128x128xf32, #tpu.memory_space<vmem>>, vector<128x128xf32>
    %dot_general3A_54 = arith.constant dense<0.000000e+00> : vector<1000x128xf32>
    %dot_general3A_55 = tpu.matmul %add3A_50, %get3A_53, %dot_general3A_54 {dimension_numbers = #tpu.dot_dimension_numbers<[1], [0], [0], [1], [0, 0, 1, 1], [], []>, transpose_lhs_hint = false} : vector<1000x128xf32>, vector<128x128xf32>, vector<1000x128xf32> -> vector<1000x128xf32>
    %swap3A = arith.constant 0 : index
    %swap3A_56 = arith.constant 0 : index
    %swap3A_57 = vector.load %arg7[%swap3A, %swap3A_56] : memref<1000x128xf32, #tpu.memory_space<vmem>>, vector<1000x128xf32>
    tpu.vector_store %arg7[%swap3A, %swap3A_56], %dot_general3A_55 {strides = array<i32>} : memref<1000x128xf32, #tpu.memory_space<vmem>>, vector<1000x128xf32>,
    %get3A_58 = arith.constant 0 : index
    %get3A_59 = arith.constant 0 : index
    %get3A_60 = vector.load %arg6[%get3A_58, %get3A_59] : memref<128x256xf32, #tpu.memory_space<vmem>>, vector<128x256xf32>
    %dot_general3A_61 = arith.constant dense<0.000000e+00> : vector<1000x256xf32>
    %dot_general3A_62 = tpu.matmul %add3A_50, %get3A_60, %dot_general3A_61 {dimension_numbers = #tpu.dot_dimension_numbers<[1], [0], [0], [1], [0, 0, 1, 1], [], []>, transpose_lhs_hint = false} : vector<1000x128xf32>, vector<128x256xf32>, vector<1000x256xf32> -> vector<1000x256xf32>
    %swap3A_63 = arith.constant 0 : index
    %swap3A_64 = arith.constant 0 : index
    %swap3A_65 = vector.load %arg8[%swap3A_63, %swap3A_64] : memref<1000x256xf32, #tpu.memory_space<vmem>>, vector<1000x256xf32>
    tpu.vector_store %arg8[%swap3A_63, %swap3A_64], %dot_general3A_62 {strides = array<i32>} : memref<1000x256xf32, #tpu.memory_space<vmem>>, vector<1000x256xf32>,
    %slice3A_66 = vector.extract_strided_slice %add3A_14 {offsets = [0, 256], sizes = [1000, 512], strides = [1, 1]} : vector<1000x768xf32> to vector<1000x512xf32>
    %swap3A_67 = arith.constant 0 : index
    %swap3A_68 = arith.constant 0 : index
    %swap3A_69 = vector.load %arg9[%swap3A_67, %swap3A_68] : memref<1000x512xf32, #tpu.memory_space<vmem>>, vector<1000x512xf32>
    tpu.vector_store %arg9[%swap3A_67, %swap3A_68], %slice3A_66 {strides = array<i32>} : memref<1000x512xf32, #tpu.memory_space<vmem>>, vector<1000x512xf32>,
    return
  }
  func.func @transform_0(%arg0: i32) -> (i32, i32) {
    %c0_i32 = arith.constant 0 : i32
    %c0_i32_0 = arith.constant 0 : i32
    return %arg0, %c0_i32 : i32, i32
  }
  func.func @transform_1(%arg0: i32) -> (i32, i32) {
    %c0_i32 = arith.constant 0 : i32
    %c0_i32_0 = arith.constant 0 : i32
    return %arg0, %c0_i32 : i32, i32
  }
  func.func @transform_2(%arg0: i32) -> (i32, i32) {
    %c0_i32 = arith.constant 0 : i32
    %c0_i32_0 = arith.constant 0 : i32
    %c0_i32_1 = arith.constant 0 : i32
    return %c0_i32, %c0_i32_0 : i32, i32
  }
  func.func @transform_3(%arg0: i32) -> (i32, i32) {
    %c0_i32 = arith.constant 0 : i32
    %c0_i32_0 = arith.constant 0 : i32
    %c0_i32_1 = arith.constant 0 : i32
    return %c0_i32, %c0_i32_0 : i32, i32
  }
  func.func @transform_4(%arg0: i32) -> (i32, i32) {
    %c0_i32 = arith.constant 0 : i32
    %c0_i32_0 = arith.constant 0 : i32
    %c0_i32_1 = arith.constant 0 : i32
    return %c0_i32, %c0_i32_0 : i32, i32
  }
  func.func @transform_5(%arg0: i32) -> (i32, i32) {
    %c0_i32 = arith.constant 0 : i32
    %c0_i32_0 = arith.constant 0 : i32
    %c0_i32_1 = arith.constant 0 : i32
    return %c0_i32, %c0_i32_0 : i32, i32
  }
  func.func @transform_6(%arg0: i32) -> (i32, i32) {
    %c0_i32 = arith.constant 0 : i32
    %c0_i32_0 = arith.constant 0 : i32
    return %arg0, %c0_i32 : i32, i32
  }
  func.func @transform_7(%arg0: i32) -> (i32, i32) {
    %c0_i32 = arith.constant 0 : i32
    %c0_i32_0 = arith.constant 0 : i32
    return %arg0, %c0_i32 : i32, i32
  }
  func.func @transform_8(%arg0: i32) -> (i32, i32) {
    %c0_i32 = arith.constant 0 : i32
    %c0_i32_0 = arith.constant 0 : i32
    return %arg0, %c0_i32 : i32, i32
  }
}

module attributes {stable_mosaic.version = 14 : i64} {
  func.func @_edge_prep_body(%arg0: i32, %arg1: memref<4000x128xf32, #tpu.memory_space<vmem>>, %arg2: memref<128x96xf32, #tpu.memory_space<vmem>>, %arg3: memref<1x96xf32, #tpu.memory_space<vmem>>, %arg4: memref<4000x32xf32, #tpu.memory_space<vmem>>, %arg5: memref<4000x64xf32, #tpu.memory_space<vmem>>) attributes {dimension_semantics = [#tpu.dimension_semantics<arbitrary>], iteration_bounds = array<i64: 80>, scalar_prefetch = 0 : i64, scratch_operands = 0 : i64, tpu.core_type = #tpu.core_type<tc>, window_params = [{transform_indices = @transform_0, window_bounds = array<i64: 4000, 128>}, {pipeline_mode = #tpu.pipeline_mode<synchronous>, transform_indices = @transform_1, window_bounds = array<i64: 128, 96>}, {pipeline_mode = #tpu.pipeline_mode<synchronous>, transform_indices = @transform_2, window_bounds = array<i64: 1, 96>}, {transform_indices = @transform_3, window_bounds = array<i64: 4000, 32>}, {transform_indices = @transform_4, window_bounds = array<i64: 4000, 64>}]} {
    %get3A = arith.constant 0 : index
    %get3A_0 = arith.constant 0 : index
    %get3A_1 = vector.load %arg1[%get3A, %get3A_0] : memref<4000x128xf32, #tpu.memory_space<vmem>>, vector<4000x128xf32>
    %neg3A = arith.constant 0.000000e+00 : f32
    %neg3A_2 = vector.broadcast %neg3A : f32 to vector<4000x128xf32>
    %neg3A_3 = arith.subf %neg3A_2, %get3A_1 : vector<4000x128xf32>
    %exp3A = math.exp %neg3A_3 : vector<4000x128xf32>
    %add3A = arith.constant 1.000000e+00 : f32
    %add3A_4 = vector.broadcast %add3A : f32 to vector<4000x128xf32>
    %add3A_5 = arith.addf %add3A_4, %exp3A : vector<4000x128xf32>
    %div3A = arith.divf %get3A_1, %add3A_5 : vector<4000x128xf32>
    %get3A_6 = arith.constant 0 : index
    %get3A_7 = arith.constant 0 : index
    %get3A_8 = vector.load %arg2[%get3A_6, %get3A_7] : memref<128x96xf32, #tpu.memory_space<vmem>>, vector<128x96xf32>
    %dot_general3A = arith.constant dense<0.000000e+00> : vector<4000x96xf32>
    %dot_general3A_9 = tpu.matmul %div3A, %get3A_8, %dot_general3A {dimension_numbers = #tpu.dot_dimension_numbers<[1], [0], [0], [1], [0, 0, 1, 1], [], []>, transpose_lhs_hint = false} : vector<4000x128xf32>, vector<128x96xf32>, vector<4000x96xf32> -> vector<4000x96xf32>
    %get3A_10 = arith.constant 0 : index
    %get3A_11 = arith.constant 0 : index
    %get3A_12 = vector.load %arg3[%get3A_10, %get3A_11] : memref<1x96xf32, #tpu.memory_space<vmem>>, vector<1x96xf32>
    %add3A_13 = vector.broadcast %get3A_12 : vector<1x96xf32> to vector<4000x96xf32>
    %add3A_14 = arith.addf %dot_general3A_9, %add3A_13 : vector<4000x96xf32>
    %slice3A = vector.extract_strided_slice %add3A_14 {offsets = [0, 0], sizes = [4000, 32], strides = [1, 1]} : vector<4000x96xf32> to vector<4000x32xf32>
    %swap3A = arith.constant 0 : index
    %swap3A_15 = arith.constant 0 : index
    %swap3A_16 = vector.load %arg4[%swap3A, %swap3A_15] : memref<4000x32xf32, #tpu.memory_space<vmem>>, vector<4000x32xf32>
    tpu.vector_store %arg4[%swap3A, %swap3A_15], %slice3A {strides = array<i32>} : memref<4000x32xf32, #tpu.memory_space<vmem>>, vector<4000x32xf32>,
    %slice3A_17 = vector.extract_strided_slice %add3A_14 {offsets = [0, 32], sizes = [4000, 64], strides = [1, 1]} : vector<4000x96xf32> to vector<4000x64xf32>
    %swap3A_18 = arith.constant 0 : index
    %swap3A_19 = arith.constant 0 : index
    %swap3A_20 = vector.load %arg5[%swap3A_18, %swap3A_19] : memref<4000x64xf32, #tpu.memory_space<vmem>>, vector<4000x64xf32>
    tpu.vector_store %arg5[%swap3A_18, %swap3A_19], %slice3A_17 {strides = array<i32>} : memref<4000x64xf32, #tpu.memory_space<vmem>>, vector<4000x64xf32>,
    return
  }
  func.func @transform_0(%arg0: i32) -> (i32, i32) {
    %c0_i32 = arith.constant 0 : i32
    %c0_i32_0 = arith.constant 0 : i32
    return %arg0, %c0_i32 : i32, i32
  }
  func.func @transform_1(%arg0: i32) -> (i32, i32) {
    %c0_i32 = arith.constant 0 : i32
    %c0_i32_0 = arith.constant 0 : i32
    %c0_i32_1 = arith.constant 0 : i32
    return %c0_i32, %c0_i32_0 : i32, i32
  }
  func.func @transform_2(%arg0: i32) -> (i32, i32) {
    %c0_i32 = arith.constant 0 : i32
    %c0_i32_0 = arith.constant 0 : i32
    %c0_i32_1 = arith.constant 0 : i32
    return %c0_i32, %c0_i32_0 : i32, i32
  }
  func.func @transform_3(%arg0: i32) -> (i32, i32) {
    %c0_i32 = arith.constant 0 : i32
    %c0_i32_0 = arith.constant 0 : i32
    return %arg0, %c0_i32 : i32, i32
  }
  func.func @transform_4(%arg0: i32) -> (i32, i32) {
    %c0_i32 = arith.constant 0 : i32
    %c0_i32_0 = arith.constant 0 : i32
    return %arg0, %c0_i32 : i32, i32
  }
}

module attributes {stable_mosaic.version = 14 : i64} {
  func.func @_attn_body(%arg0: i32, %arg1: memref<4000x128xf32, #tpu.memory_space<vmem>>, %arg2: memref<4000x256xf32, #tpu.memory_space<vmem>>, %arg3: memref<4000x16xf32, #tpu.memory_space<vmem>>, %arg4: memref<4000x32xf32, #tpu.memory_space<vmem>>, %arg5: memref<16x128xf32, #tpu.memory_space<vmem>>, %arg6: memref<1x128xf32, #tpu.memory_space<vmem>>, %arg7: memref<16x256xf32, #tpu.memory_space<vmem>>, %arg8: memref<1x256xf32, #tpu.memory_space<vmem>>, %arg9: memref<4000x128xf32, #tpu.memory_space<vmem>>, %arg10: memref<4000x16xf32, #tpu.memory_space<vmem>>) attributes {dimension_semantics = [#tpu.dimension_semantics<arbitrary>], iteration_bounds = array<i64: 80>, scalar_prefetch = 0 : i64, scratch_operands = 0 : i64, tpu.core_type = #tpu.core_type<tc>, window_params = [{transform_indices = @transform_0, window_bounds = array<i64: 4000, 128>}, {transform_indices = @transform_1, window_bounds = array<i64: 4000, 256>}, {transform_indices = @transform_2, window_bounds = array<i64: 4000, 16>}, {transform_indices = @transform_3, window_bounds = array<i64: 4000, 32>}, {pipeline_mode = #tpu.pipeline_mode<synchronous>, transform_indices = @transform_4, window_bounds = array<i64: 16, 128>}, {pipeline_mode = #tpu.pipeline_mode<synchronous>, transform_indices = @transform_5, window_bounds = array<i64: 1, 128>}, {pipeline_mode = #tpu.pipeline_mode<synchronous>, transform_indices = @transform_6, window_bounds = array<i64: 16, 256>}, {pipeline_mode = #tpu.pipeline_mode<synchronous>, transform_indices = @transform_7, window_bounds = array<i64: 1, 256>}, {transform_indices = @transform_8, window_bounds = array<i64: 4000, 128>}, {transform_indices = @transform_9, window_bounds = array<i64: 4000, 16>}]} {
    %get3A = arith.constant 0 : index
    %get3A_0 = arith.constant 0 : index
    %get3A_1 = vector.load %arg3[%get3A, %get3A_0] : memref<4000x16xf32, #tpu.memory_space<vmem>>, vector<4000x16xf32>
    %reduce_sum3A = arith.constant dense<0.000000e+00> : vector<4000xf32>
    %reduce_sum3A_2 = vector.multi_reduction <add>, %get3A_1, %reduce_sum3A [1] : vector<4000x16xf32> to vector<4000xf32>
    %broadcast_in_dim3A = vector.shape_cast %reduce_sum3A_2 : vector<4000xf32> to vector<4000x1xf32>
    %div3A = arith.constant 1.600000e+01 : f32
    %div3A_3 = vector.broadcast %div3A : f32 to vector<4000x1xf32>
    %div3A_4 = arith.divf %broadcast_in_dim3A, %div3A_3 : vector<4000x1xf32>
    %jit3A = arith.constant 0 : i32
    %reduce_sum3A_5 = arith.constant dense<0.000000e+00> : vector<4000xf32>
    %reduce_sum3A_6 = vector.multi_reduction <add>, %get3A_1, %reduce_sum3A_5 [1] : vector<4000x16xf32> to vector<4000xf32>
    %broadcast_in_dim3A_7 = vector.shape_cast %reduce_sum3A_6 : vector<4000xf32> to vector<4000x1xf32>
    %div3A_8 = arith.constant 1.600000e+01 : f32
    %div3A_9 = vector.broadcast %div3A_8 : f32 to vector<4000x1xf32>
    %div3A_10 = arith.divf %broadcast_in_dim3A_7, %div3A_9 : vector<4000x1xf32>
    %sub3A = vector.broadcast %div3A_10 : vector<4000x1xf32> to vector<4000x16xf32>
    %sub3A_11 = arith.subf %get3A_1, %sub3A : vector<4000x16xf32>
    %square3A = arith.mulf %sub3A_11, %sub3A_11 : vector<4000x16xf32>
    %convert_element_type3A = arith.sitofp %jit3A : i32 to f32
    %sub3A_12 = arith.constant 1.600000e+01 : f32
    %sub3A_13 = arith.subf %sub3A_12, %convert_element_type3A : f32
    %reduce_sum3A_14 = arith.constant dense<0.000000e+00> : vector<4000xf32>
    %reduce_sum3A_15 = vector.multi_reduction <add>, %square3A, %reduce_sum3A_14 [1] : vector<4000x16xf32> to vector<4000xf32>
    %broadcast_in_dim3A_16 = vector.shape_cast %reduce_sum3A_15 : vector<4000xf32> to vector<4000x1xf32>
    %div3A_17 = vector.broadcast %sub3A_13 : f32 to vector<4000x1xf32>
    %div3A_18 = arith.divf %broadcast_in_dim3A_16, %div3A_17 : vector<4000x1xf32>
    %gt3A = arith.constant 0.000000e+00 : f32
    %gt3A_19 = arith.cmpf ogt, %sub3A_13, %gt3A : f32
    %jit3A_20 = arith.constant 0x7FC00000 : f32
    %broadcast_in_dim3A_21 = vector.broadcast %jit3A_20 : f32 to vector<4000x1xf32>
    %select_n3A = arith.select %gt3A_19, %div3A_18, %broadcast_in_dim3A_21 : vector<4000x1xf32>
    %sub3A_22 = vector.broadcast %div3A_4 : vector<4000x1xf32> to vector<4000x16xf32>
    %sub3A_23 = arith.subf %get3A_1, %sub3A_22 : vector<4000x16xf32>
    %add3A = arith.constant 9.99999997E-7 : f32
    %add3A_24 = vector.broadcast %add3A : f32 to vector<4000x1xf32>
    %add3A_25 = arith.addf %select_n3A, %add3A_24 : vector<4000x1xf32>
    %sqrt3A = math.sqrt %add3A_25 : vector<4000x1xf32>
    %div3A_26 = vector.broadcast %sqrt3A : vector<4000x1xf32> to vector<4000x16xf32>
    %div3A_27 = arith.divf %sub3A_23, %div3A_26 : vector<4000x16xf32>
    %get3A_28 = arith.constant 0 : index
    %get3A_29 = arith.constant 16 : index
    %get3A_30 = vector.load %arg4[%get3A_28, %get3A_29] : memref<4000x32xf32, #tpu.memory_space<vmem>>, vector<4000x16xf32>
    %add3A_31 = arith.constant 1.000000e+00 : f32
    %add3A_32 = vector.broadcast %add3A_31 : f32 to vector<4000x16xf32>
    %add3A_33 = arith.addf %add3A_32, %get3A_30 : vector<4000x16xf32>
    %mul3A = arith.mulf %div3A_27, %add3A_33 : vector<4000x16xf32>
    %get3A_34 = arith.constant 0 : index
    %get3A_35 = arith.constant 0 : index
    %get3A_36 = vector.load %arg4[%get3A_34, %get3A_35] : memref<4000x32xf32, #tpu.memory_space<vmem>>, vector<4000x16xf32>
    %add3A_37 = arith.addf %mul3A, %get3A_36 : vector<4000x16xf32>
    %get3A_38 = arith.constant 0 : index
    %get3A_39 = arith.constant 0 : index
    %get3A_40 = vector.load %arg5[%get3A_38, %get3A_39] : memref<16x128xf32, #tpu.memory_space<vmem>>, vector<16x128xf32>
    %dot_general3A = arith.constant dense<0.000000e+00> : vector<4000x128xf32>
    %dot_general3A_41 = tpu.matmul %add3A_37, %get3A_40, %dot_general3A {dimension_numbers = #tpu.dot_dimension_numbers<[1], [0], [0], [1], [0, 0, 1, 1], [], []>, transpose_lhs_hint = false} : vector<4000x16xf32>, vector<16x128xf32>, vector<4000x128xf32> -> vector<4000x128xf32>
    %get3A_42 = arith.constant 0 : index
    %get3A_43 = arith.constant 0 : index
    %get3A_44 = vector.load %arg6[%get3A_42, %get3A_43] : memref<1x128xf32, #tpu.memory_space<vmem>>, vector<1x128xf32>
    %add3A_45 = vector.broadcast %get3A_44 : vector<1x128xf32> to vector<4000x128xf32>
    %add3A_46 = arith.addf %dot_general3A_41, %add3A_45 : vector<4000x128xf32>
    %get3A_47 = arith.constant 0 : index
    %get3A_48 = arith.constant 0 : index
    %get3A_49 = vector.load %arg7[%get3A_47, %get3A_48] : memref<16x256xf32, #tpu.memory_space<vmem>>, vector<16x256xf32>
    %dot_general3A_50 = arith.constant dense<0.000000e+00> : vector<4000x256xf32>
    %dot_general3A_51 = tpu.matmul %add3A_37, %get3A_49, %dot_general3A_50 {dimension_numbers = #tpu.dot_dimension_numbers<[1], [0], [0], [1], [0, 0, 1, 1], [], []>, transpose_lhs_hint = false} : vector<4000x16xf32>, vector<16x256xf32>, vector<4000x256xf32> -> vector<4000x256xf32>
    %get3A_52 = arith.constant 0 : index
    %get3A_53 = arith.constant 0 : index
    %get3A_54 = vector.load %arg8[%get3A_52, %get3A_53] : memref<1x256xf32, #tpu.memory_space<vmem>>, vector<1x256xf32>
    %add3A_55 = vector.broadcast %get3A_54 : vector<1x256xf32> to vector<4000x256xf32>
    %add3A_56 = arith.addf %dot_general3A_51, %add3A_55 : vector<4000x256xf32>
    %get3A_57 = arith.constant 0 : index
    %get3A_58 = arith.constant 0 : index
    %get3A_59 = vector.load %arg1[%get3A_57, %get3A_58] : memref<4000x128xf32, #tpu.memory_space<vmem>>, vector<4000x128xf32>
    %get3A_60 = arith.constant 0 : index
    %get3A_61 = arith.constant 0 : index
    %get3A_62 = vector.load %arg2[%get3A_60, %get3A_61] : memref<4000x256xf32, #tpu.memory_space<vmem>>, vector<4000x256xf32>
    %add3A_63 = arith.addf %get3A_59, %add3A_46 : vector<4000x128xf32>
    %slice3A = vector.extract_strided_slice %get3A_62 {offsets = [0, 0], sizes = [4000, 128], strides = [1, 1]} : vector<4000x256xf32> to vector<4000x128xf32>
    %slice3A_64 = vector.extract_strided_slice %add3A_56 {offsets = [0, 0], sizes = [4000, 128], strides = [1, 1]} : vector<4000x256xf32> to vector<4000x128xf32>
    %add3A_65 = arith.addf %slice3A, %slice3A_64 : vector<4000x128xf32>
    %slice3A_66 = vector.extract_strided_slice %get3A_62 {offsets = [0, 128], sizes = [4000, 128], strides = [1, 1]} : vector<4000x256xf32> to vector<4000x128xf32>
    %slice3A_67 = vector.extract_strided_slice %add3A_56 {offsets = [0, 128], sizes = [4000, 128], strides = [1, 1]} : vector<4000x256xf32> to vector<4000x128xf32>
    %add3A_68 = arith.addf %slice3A_66, %slice3A_67 : vector<4000x128xf32>
    %iota3A = tpu.iota {dimensions = array<i32: 0>} : vector<128x8xi32>
    %iota3A_69 = tpu.iota {dimensions = array<i32: 1>} : vector<128x8xi32>
    %jit3A_70 = arith.constant 16 : i32
    %div3A_71 = vector.broadcast %jit3A_70 : i32 to vector<128x8xi32>
    %div3A_72 = arith.divsi %iota3A, %div3A_71 : vector<128x8xi32>
    %sign3A = arith.constant 0 : i32
    %sign3A_73 = vector.broadcast %sign3A : i32 to vector<128x8xi32>
    %sign3A_74 = arith.cmpi sgt, %iota3A, %sign3A_73 : vector<128x8xi32>
    %sign3A_75 = arith.extui %sign3A_74 : vector<128x8xi1> to vector<128x8xi32>
    %sign3A_76 = arith.constant 0 : i32
    %sign3A_77 = vector.broadcast %sign3A_76 : i32 to vector<128x8xi32>
    %sign3A_78 = arith.cmpi slt, %iota3A, %sign3A_77 : vector<128x8xi32>
    %sign3A_79 = arith.extui %sign3A_78 : vector<128x8xi1> to vector<128x8xi32>
    %sign3A_80 = arith.subi %sign3A_75, %sign3A_79 : vector<128x8xi32>
    %sign3A_81 = arith.constant 0 : i32
    %sign3A_82 = arith.cmpi sgt, %jit3A_70, %sign3A_81 : i32
    %sign3A_83 = arith.extui %sign3A_82 : i1 to i32
    %sign3A_84 = arith.constant 0 : i32
    %sign3A_85 = arith.cmpi slt, %jit3A_70, %sign3A_84 : i32
    %sign3A_86 = arith.extui %sign3A_85 : i1 to i32
    %sign3A_87 = arith.subi %sign3A_83, %sign3A_86 : i32
    %ne3A = vector.broadcast %sign3A_87 : i32 to vector<128x8xi32>
    %ne3A_88 = arith.cmpi ne, %sign3A_80, %ne3A : vector<128x8xi32>
    %rem3A = vector.broadcast %jit3A_70 : i32 to vector<128x8xi32>
    %rem3A_89 = arith.remsi %iota3A, %rem3A : vector<128x8xi32>
    %ne3A_90 = arith.constant 0 : i32
    %ne3A_91 = vector.broadcast %ne3A_90 : i32 to vector<128x8xi32>
    %ne3A_92 = arith.cmpi ne, %rem3A_89, %ne3A_91 : vector<128x8xi32>
    %and3A = arith.andi %ne3A_88, %ne3A_92 : vector<128x8xi1>
    %sub3A_93 = arith.constant 1 : i32
    %sub3A_94 = vector.broadcast %sub3A_93 : i32 to vector<128x8xi32>
    %sub3A_95 = arith.subi %div3A_72, %sub3A_94 : vector<128x8xi32>
    %select_n3A_96 = arith.select %and3A, %sub3A_95, %div3A_72 : vector<128x8xi1>, vector<128x8xi32>
    %eq3A = arith.cmpi eq, %select_n3A_96, %iota3A_69 : vector<128x8xi32>
    %convert_element_type3A_97 = arith.extui %eq3A : vector<128x8xi1> to vector<128x8xi32>
    %convert_element_type3A_98 = arith.sitofp %convert_element_type3A_97 : vector<128x8xi32> to vector<128x8xf32>
    %mul3A_99 = arith.mulf %add3A_63, %add3A_65 : vector<4000x128xf32>
    %dot_general3A_100 = arith.constant dense<0.000000e+00> : vector<4000x8xf32>
    %dot_general3A_101 = tpu.matmul %mul3A_99, %convert_element_type3A_98, %dot_general3A_100 {dimension_numbers = #tpu.dot_dimension_numbers<[1], [0], [0], [1], [0, 0, 1, 1], [], []>, transpose_lhs_hint = false} : vector<4000x128xf32>, vector<128x8xf32>, vector<4000x8xf32> -> vector<4000x8xf32>
    %mul3A_102 = arith.constant 2.500000e-01 : f32
    %mul3A_103 = vector.broadcast %mul3A_102 : f32 to vector<4000x8xf32>
    %mul3A_104 = arith.mulf %dot_general3A_101, %mul3A_103 : vector<4000x8xf32>
    %exp3A = math.exp %mul3A_104 : vector<4000x8xf32>
    %transpose3A = tpu.transpose %convert_element_type3A_98, [1, 0] : vector<128x8xf32> -> vector<8x128xf32>
    %dot_general3A_105 = arith.constant dense<0.000000e+00> : vector<4000x128xf32>
    %dot_general3A_106 = tpu.matmul %exp3A, %transpose3A, %dot_general3A_105 {dimension_numbers = #tpu.dot_dimension_numbers<[1], [0], [0], [1], [0, 0, 1, 1], [], []>, transpose_lhs_hint = false} : vector<4000x8xf32>, vector<8x128xf32>, vector<4000x128xf32> -> vector<4000x128xf32>
    %mul3A_107 = arith.mulf %add3A_68, %dot_general3A_106 : vector<4000x128xf32>
    %swap3A = arith.constant 0 : index
    %swap3A_108 = arith.constant 0 : index
    %swap3A_109 = vector.load %arg9[%swap3A, %swap3A_108] : memref<4000x128xf32, #tpu.memory_space<vmem>>, vector<4000x128xf32>
    tpu.vector_store %arg9[%swap3A, %swap3A_108], %mul3A_107 {strides = array<i32>} : memref<4000x128xf32, #tpu.memory_space<vmem>>, vector<4000x128xf32>,
    %broadcast_in_dim3A_110 = arith.constant 0.000000e+00 : f32
    %broadcast_in_dim3A_111 = vector.broadcast %broadcast_in_dim3A_110 : f32 to vector<4000x8xf32>
    %concatenate3A = tpu.concatenate %exp3A, %broadcast_in_dim3A_111 in 1 : vector<4000x8xf32>, vector<4000x8xf32> -> vector<4000x16xf32>
    %swap3A_112 = arith.constant 0 : index
    %swap3A_113 = arith.constant 0 : index
    %swap3A_114 = vector.load %arg10[%swap3A_112, %swap3A_113] : memref<4000x16xf32, #tpu.memory_space<vmem>>, vector<4000x16xf32>
    tpu.vector_store %arg10[%swap3A_112, %swap3A_113], %concatenate3A {strides = array<i32>} : memref<4000x16xf32, #tpu.memory_space<vmem>>, vector<4000x16xf32>,
    return
  }
  func.func @transform_0(%arg0: i32) -> (i32, i32) {
    %c0_i32 = arith.constant 0 : i32
    %c0_i32_0 = arith.constant 0 : i32
    return %arg0, %c0_i32 : i32, i32
  }
  func.func @transform_1(%arg0: i32) -> (i32, i32) {
    %c0_i32 = arith.constant 0 : i32
    %c0_i32_0 = arith.constant 0 : i32
    return %arg0, %c0_i32 : i32, i32
  }
  func.func @transform_2(%arg0: i32) -> (i32, i32) {
    %c0_i32 = arith.constant 0 : i32
    %c0_i32_0 = arith.constant 0 : i32
    return %arg0, %c0_i32 : i32, i32
  }
  func.func @transform_3(%arg0: i32) -> (i32, i32) {
    %c0_i32 = arith.constant 0 : i32
    %c0_i32_0 = arith.constant 0 : i32
    return %arg0, %c0_i32 : i32, i32
  }
  func.func @transform_4(%arg0: i32) -> (i32, i32) {
    %c0_i32 = arith.constant 0 : i32
    %c0_i32_0 = arith.constant 0 : i32
    %c0_i32_1 = arith.constant 0 : i32
    return %c0_i32, %c0_i32_0 : i32, i32
  }
  func.func @transform_5(%arg0: i32) -> (i32, i32) {
    %c0_i32 = arith.constant 0 : i32
    %c0_i32_0 = arith.constant 0 : i32
    %c0_i32_1 = arith.constant 0 : i32
    return %c0_i32, %c0_i32_0 : i32, i32
  }
  func.func @transform_6(%arg0: i32) -> (i32, i32) {
    %c0_i32 = arith.constant 0 : i32
    %c0_i32_0 = arith.constant 0 : i32
    %c0_i32_1 = arith.constant 0 : i32
    return %c0_i32, %c0_i32_0 : i32, i32
  }
  func.func @transform_7(%arg0: i32) -> (i32, i32) {
    %c0_i32 = arith.constant 0 : i32
    %c0_i32_0 = arith.constant 0 : i32
    %c0_i32_1 = arith.constant 0 : i32
    return %c0_i32, %c0_i32_0 : i32, i32
  }
  func.func @transform_8(%arg0: i32) -> (i32, i32) {
    %c0_i32 = arith.constant 0 : i32
    %c0_i32_0 = arith.constant 0 : i32
    return %arg0, %c0_i32 : i32, i32
  }
  func.func @transform_9(%arg0: i32) -> (i32, i32) {
    %c0_i32 = arith.constant 0 : i32
    %c0_i32_0 = arith.constant 0 : i32
    return %arg0, %c0_i32 : i32, i32
  }
}

module attributes {stable_mosaic.version = 14 : i64} {
  func.func @_node_final_body(%arg0: i32, %arg1: memref<2x1000x128xf32, #tpu.memory_space<vmem>>, %arg2: memref<2x1000x16xf32, #tpu.memory_space<vmem>>, %arg3: memref<1000x128xf32, #tpu.memory_space<vmem>>, %arg4: memref<1000x512xf32, #tpu.memory_space<vmem>>, %arg5: memref<128x128xf32, #tpu.memory_space<vmem>>, %arg6: memref<1x128xf32, #tpu.memory_space<vmem>>, %arg7: memref<128x512xf32, #tpu.memory_space<vmem>>, %arg8: memref<1x512xf32, #tpu.memory_space<vmem>>, %arg9: memref<512x128xf32, #tpu.memory_space<vmem>>, %arg10: memref<1x128xf32, #tpu.memory_space<vmem>>, %arg11: memref<128x16xf32, #tpu.memory_space<vmem>>, %arg12: memref<128x16xf32, #tpu.memory_space<vmem>>, %arg13: memref<1000x128xf32, #tpu.memory_space<vmem>>, %arg14: memref<1000x16xf32, #tpu.memory_space<vmem>>, %arg15: memref<1000x16xf32, #tpu.memory_space<vmem>>) attributes {dimension_semantics = [#tpu.dimension_semantics<arbitrary>], iteration_bounds = array<i64: 10>, scalar_prefetch = 0 : i64, scratch_operands = 0 : i64, tpu.core_type = #tpu.core_type<tc>, window_params = [{transform_indices = @transform_0, window_bounds = array<i64: 2, 1000, 128>}, {transform_indices = @transform_1, window_bounds = array<i64: 2, 1000, 16>}, {transform_indices = @transform_2, window_bounds = array<i64: 1000, 128>}, {transform_indices = @transform_3, window_bounds = array<i64: 1000, 512>}, {pipeline_mode = #tpu.pipeline_mode<synchronous>, transform_indices = @transform_4, window_bounds = array<i64: 128, 128>}, {pipeline_mode = #tpu.pipeline_mode<synchronous>, transform_indices = @transform_5, window_bounds = array<i64: 1, 128>}, {pipeline_mode = #tpu.pipeline_mode<synchronous>, transform_indices = @transform_6, window_bounds = array<i64: 128, 512>}, {pipeline_mode = #tpu.pipeline_mode<synchronous>, transform_indices = @transform_7, window_bounds = array<i64: 1, 512>}, {pipeline_mode = #tpu.pipeline_mode<synchronous>, transform_indices = @transform_8, window_bounds = array<i64: 512, 128>}, {pipeline_mode = #tpu.pipeline_mode<synchronous>, transform_indices = @transform_9, window_bounds = array<i64: 1, 128>}, {pipeline_mode = #tpu.pipeline_mode<synchronous>, transform_indices = @transform_10, window_bounds = array<i64: 128, 16>}, {pipeline_mode = #tpu.pipeline_mode<synchronous>, transform_indices = @transform_11, window_bounds = array<i64: 128, 16>}, {transform_indices = @transform_12, window_bounds = array<i64: 1000, 128>}, {transform_indices = @transform_13, window_bounds = array<i64: 1000, 16>}, {transform_indices = @transform_14, window_bounds = array<i64: 1000, 16>}]} {
    %get3A = arith.constant 0 : index
    %get3A_0 = arith.constant 0 : index
    %get3A_1 = arith.constant 0 : index
    %get3A_2 = vector.load %arg1[%get3A, %get3A_0, %get3A_1] : memref<2x1000x128xf32, #tpu.memory_space<vmem>>, vector<1x1000x128xf32>
    %get3A_3 = vector.shape_cast %get3A_2 : vector<1x1000x128xf32> to vector<1000x128xf32>
    %get3A_4 = arith.constant 1 : index
    %get3A_5 = arith.constant 0 : index
    %get3A_6 = arith.constant 0 : index
    %get3A_7 = vector.load %arg1[%get3A_4, %get3A_5, %get3A_6] : memref<2x1000x128xf32, #tpu.memory_space<vmem>>, vector<1x1000x128xf32>
    %get3A_8 = vector.shape_cast %get3A_7 : vector<1x1000x128xf32> to vector<1000x128xf32>
    %add3A = arith.addf %get3A_3, %get3A_8 : vector<1000x128xf32>
    %get3A_9 = arith.constant 0 : index
    %get3A_10 = arith.constant 0 : index
    %get3A_11 = arith.constant 0 : index
    %get3A_12 = vector.load %arg2[%get3A_9, %get3A_10, %get3A_11] : memref<2x1000x16xf32, #tpu.memory_space<vmem>>, vector<1x1000x16xf32>
    %get3A_13 = vector.shape_cast %get3A_12 : vector<1x1000x16xf32> to vector<1000x16xf32>
    %get3A_14 = arith.constant 1 : index
    %get3A_15 = arith.constant 0 : index
    %get3A_16 = arith.constant 0 : index
    %get3A_17 = vector.load %arg2[%get3A_14, %get3A_15, %get3A_16] : memref<2x1000x16xf32, #tpu.memory_space<vmem>>, vector<1x1000x16xf32>
    %get3A_18 = vector.shape_cast %get3A_17 : vector<1x1000x16xf32> to vector<1000x16xf32>
    %add3A_19 = arith.addf %get3A_13, %get3A_18 : vector<1000x16xf32>
    %slice3A = vector.extract_strided_slice %add3A_19 {offsets = [0, 0], sizes = [1000, 8], strides = [1, 1]} : vector<1000x16xf32> to vector<1000x8xf32>
    %iota3A = tpu.iota {dimensions = array<i32: 0>} : vector<128x8xi32>
    %iota3A_20 = tpu.iota {dimensions = array<i32: 1>} : vector<128x8xi32>
    %jit3A = arith.constant 16 : i32
    %div3A = vector.broadcast %jit3A : i32 to vector<128x8xi32>
    %div3A_21 = arith.divsi %iota3A, %div3A : vector<128x8xi32>
    %sign3A = arith.constant 0 : i32
    %sign3A_22 = vector.broadcast %sign3A : i32 to vector<128x8xi32>
    %sign3A_23 = arith.cmpi sgt, %iota3A, %sign3A_22 : vector<128x8xi32>
    %sign3A_24 = arith.extui %sign3A_23 : vector<128x8xi1> to vector<128x8xi32>
    %sign3A_25 = arith.constant 0 : i32
    %sign3A_26 = vector.broadcast %sign3A_25 : i32 to vector<128x8xi32>
    %sign3A_27 = arith.cmpi slt, %iota3A, %sign3A_26 : vector<128x8xi32>
    %sign3A_28 = arith.extui %sign3A_27 : vector<128x8xi1> to vector<128x8xi32>
    %sign3A_29 = arith.subi %sign3A_24, %sign3A_28 : vector<128x8xi32>
    %sign3A_30 = arith.constant 0 : i32
    %sign3A_31 = arith.cmpi sgt, %jit3A, %sign3A_30 : i32
    %sign3A_32 = arith.extui %sign3A_31 : i1 to i32
    %sign3A_33 = arith.constant 0 : i32
    %sign3A_34 = arith.cmpi slt, %jit3A, %sign3A_33 : i32
    %sign3A_35 = arith.extui %sign3A_34 : i1 to i32
    %sign3A_36 = arith.subi %sign3A_32, %sign3A_35 : i32
    %ne3A = vector.broadcast %sign3A_36 : i32 to vector<128x8xi32>
    %ne3A_37 = arith.cmpi ne, %sign3A_29, %ne3A : vector<128x8xi32>
    %rem3A = vector.broadcast %jit3A : i32 to vector<128x8xi32>
    %rem3A_38 = arith.remsi %iota3A, %rem3A : vector<128x8xi32>
    %ne3A_39 = arith.constant 0 : i32
    %ne3A_40 = vector.broadcast %ne3A_39 : i32 to vector<128x8xi32>
    %ne3A_41 = arith.cmpi ne, %rem3A_38, %ne3A_40 : vector<128x8xi32>
    %and3A = arith.andi %ne3A_37, %ne3A_41 : vector<128x8xi1>
    %sub3A = arith.constant 1 : i32
    %sub3A_42 = vector.broadcast %sub3A : i32 to vector<128x8xi32>
    %sub3A_43 = arith.subi %div3A_21, %sub3A_42 : vector<128x8xi32>
    %select_n3A = arith.select %and3A, %sub3A_43, %div3A_21 : vector<128x8xi1>, vector<128x8xi32>
    %eq3A = arith.cmpi eq, %select_n3A, %iota3A_20 : vector<128x8xi32>
    %convert_element_type3A = arith.extui %eq3A : vector<128x8xi1> to vector<128x8xi32>
    %convert_element_type3A_44 = arith.sitofp %convert_element_type3A : vector<128x8xi32> to vector<128x8xf32>
    %transpose3A = tpu.transpose %convert_element_type3A_44, [1, 0] : vector<128x8xf32> -> vector<8x128xf32>
    %dot_general3A = arith.constant dense<0.000000e+00> : vector<1000x128xf32>
    %dot_general3A_45 = tpu.matmul %slice3A, %transpose3A, %dot_general3A {dimension_numbers = #tpu.dot_dimension_numbers<[1], [0], [0], [1], [0, 0, 1, 1], [], []>, transpose_lhs_hint = false} : vector<1000x8xf32>, vector<8x128xf32>, vector<1000x128xf32> -> vector<1000x128xf32>
    %add3A_46 = arith.constant 1.000000e-16 : f32
    %add3A_47 = vector.broadcast %add3A_46 : f32 to vector<1000x128xf32>
    %add3A_48 = arith.addf %dot_general3A_45, %add3A_47 : vector<1000x128xf32>
    %div3A_49 = arith.divf %add3A, %add3A_48 : vector<1000x128xf32>
    %get3A_50 = arith.constant 0 : index
    %get3A_51 = arith.constant 0 : index
    %get3A_52 = vector.load %arg5[%get3A_50, %get3A_51] : memref<128x128xf32, #tpu.memory_space<vmem>>, vector<128x128xf32>
    %dot_general3A_53 = arith.constant dense<0.000000e+00> : vector<1000x128xf32>
    %dot_general3A_54 = tpu.matmul %div3A_49, %get3A_52, %dot_general3A_53 {dimension_numbers = #tpu.dot_dimension_numbers<[1], [0], [0], [1], [0, 0, 1, 1], [], []>, transpose_lhs_hint = false} : vector<1000x128xf32>, vector<128x128xf32>, vector<1000x128xf32> -> vector<1000x128xf32>
    %get3A_55 = arith.constant 0 : index
    %get3A_56 = arith.constant 0 : index
    %get3A_57 = vector.load %arg6[%get3A_55, %get3A_56] : memref<1x128xf32, #tpu.memory_space<vmem>>, vector<1x128xf32>
    %add3A_58 = vector.broadcast %get3A_57 : vector<1x128xf32> to vector<1000x128xf32>
    %add3A_59 = arith.addf %dot_general3A_54, %add3A_58 : vector<1000x128xf32>
    %get3A_60 = arith.constant 0 : index
    %get3A_61 = arith.constant 0 : index
    %get3A_62 = vector.load %arg4[%get3A_60, %get3A_61] : memref<1000x512xf32, #tpu.memory_space<vmem>>, vector<1000x512xf32>
    %get3A_63 = arith.constant 0 : index
    %get3A_64 = arith.constant 0 : index
    %get3A_65 = vector.load %arg3[%get3A_63, %get3A_64] : memref<1000x128xf32, #tpu.memory_space<vmem>>, vector<1000x128xf32>
    %slice3A_66 = vector.extract_strided_slice %get3A_62 {offsets = [0, 0], sizes = [1000, 128], strides = [1, 1]} : vector<1000x512xf32> to vector<1000x128xf32>
    %mul3A = arith.mulf %slice3A_66, %add3A_59 : vector<1000x128xf32>
    %add3A_67 = arith.addf %get3A_65, %mul3A : vector<1000x128xf32>
    %reduce_sum3A = arith.constant dense<0.000000e+00> : vector<1000xf32>
    %reduce_sum3A_68 = vector.multi_reduction <add>, %add3A_67, %reduce_sum3A [1] : vector<1000x128xf32> to vector<1000xf32>
    %broadcast_in_dim3A = vector.shape_cast %reduce_sum3A_68 : vector<1000xf32> to vector<1000x1xf32>
    %div3A_69 = arith.constant 1.280000e+02 : f32
    %div3A_70 = vector.broadcast %div3A_69 : f32 to vector<1000x1xf32>
    %div3A_71 = arith.divf %broadcast_in_dim3A, %div3A_70 : vector<1000x1xf32>
    %jit3A_72 = arith.constant 0 : i32
    %reduce_sum3A_73 = arith.constant dense<0.000000e+00> : vector<1000xf32>
    %reduce_sum3A_74 = vector.multi_reduction <add>, %add3A_67, %reduce_sum3A_73 [1] : vector<1000x128xf32> to vector<1000xf32>
    %broadcast_in_dim3A_75 = vector.shape_cast %reduce_sum3A_74 : vector<1000xf32> to vector<1000x1xf32>
    %div3A_76 = arith.constant 1.280000e+02 : f32
    %div3A_77 = vector.broadcast %div3A_76 : f32 to vector<1000x1xf32>
    %div3A_78 = arith.divf %broadcast_in_dim3A_75, %div3A_77 : vector<1000x1xf32>
    %sub3A_79 = vector.broadcast %div3A_78 : vector<1000x1xf32> to vector<1000x128xf32>
    %sub3A_80 = arith.subf %add3A_67, %sub3A_79 : vector<1000x128xf32>
    %square3A = arith.mulf %sub3A_80, %sub3A_80 : vector<1000x128xf32>
    %convert_element_type3A_81 = arith.sitofp %jit3A_72 : i32 to f32
    %sub3A_82 = arith.constant 1.280000e+02 : f32
    %sub3A_83 = arith.subf %sub3A_82, %convert_element_type3A_81 : f32
    %reduce_sum3A_84 = arith.constant dense<0.000000e+00> : vector<1000xf32>
    %reduce_sum3A_85 = vector.multi_reduction <add>, %square3A, %reduce_sum3A_84 [1] : vector<1000x128xf32> to vector<1000xf32>
    %broadcast_in_dim3A_86 = vector.shape_cast %reduce_sum3A_85 : vector<1000xf32> to vector<1000x1xf32>
    %div3A_87 = vector.broadcast %sub3A_83 : f32 to vector<1000x1xf32>
    %div3A_88 = arith.divf %broadcast_in_dim3A_86, %div3A_87 : vector<1000x1xf32>
    %gt3A = arith.constant 0.000000e+00 : f32
    %gt3A_89 = arith.cmpf ogt, %sub3A_83, %gt3A : f32
    %jit3A_90 = arith.constant 0x7FC00000 : f32
    %broadcast_in_dim3A_91 = vector.broadcast %jit3A_90 : f32 to vector<1000x1xf32>
    %select_n3A_92 = arith.select %gt3A_89, %div3A_88, %broadcast_in_dim3A_91 : vector<1000x1xf32>
    %sub3A_93 = vector.broadcast %div3A_71 : vector<1000x1xf32> to vector<1000x128xf32>
    %sub3A_94 = arith.subf %add3A_67, %sub3A_93 : vector<1000x128xf32>
    %add3A_95 = arith.constant 9.99999997E-7 : f32
    %add3A_96 = vector.broadcast %add3A_95 : f32 to vector<1000x1xf32>
    %add3A_97 = arith.addf %select_n3A_92, %add3A_96 : vector<1000x1xf32>
    %sqrt3A = math.sqrt %add3A_97 : vector<1000x1xf32>
    %div3A_98 = vector.broadcast %sqrt3A : vector<1000x1xf32> to vector<1000x128xf32>
    %div3A_99 = arith.divf %sub3A_94, %div3A_98 : vector<1000x128xf32>
    %slice3A_100 = vector.extract_strided_slice %get3A_62 {offsets = [0, 256], sizes = [1000, 128], strides = [1, 1]} : vector<1000x512xf32> to vector<1000x128xf32>
    %add3A_101 = arith.constant 1.000000e+00 : f32
    %add3A_102 = vector.broadcast %add3A_101 : f32 to vector<1000x128xf32>
    %add3A_103 = arith.addf %add3A_102, %slice3A_100 : vector<1000x128xf32>
    %mul3A_104 = arith.mulf %div3A_99, %add3A_103 : vector<1000x128xf32>
    %slice3A_105 = vector.extract_strided_slice %get3A_62 {offsets = [0, 128], sizes = [1000, 128], strides = [1, 1]} : vector<1000x512xf32> to vector<1000x128xf32>
    %add3A_106 = arith.addf %mul3A_104, %slice3A_105 : vector<1000x128xf32>
    %get3A_107 = arith.constant 0 : index
    %get3A_108 = arith.constant 0 : index
    %get3A_109 = vector.load %arg7[%get3A_107, %get3A_108] : memref<128x512xf32, #tpu.memory_space<vmem>>, vector<128x512xf32>
    %dot_general3A_110 = arith.constant dense<0.000000e+00> : vector<1000x512xf32>
    %dot_general3A_111 = tpu.matmul %add3A_106, %get3A_109, %dot_general3A_110 {dimension_numbers = #tpu.dot_dimension_numbers<[1], [0], [0], [1], [0, 0, 1, 1], [], []>, transpose_lhs_hint = false} : vector<1000x128xf32>, vector<128x512xf32>, vector<1000x512xf32> -> vector<1000x512xf32>
    %get3A_112 = arith.constant 0 : index
    %get3A_113 = arith.constant 0 : index
    %get3A_114 = vector.load %arg8[%get3A_112, %get3A_113] : memref<1x512xf32, #tpu.memory_space<vmem>>, vector<1x512xf32>
    %add3A_115 = vector.broadcast %get3A_114 : vector<1x512xf32> to vector<1000x512xf32>
    %add3A_116 = arith.addf %dot_general3A_111, %add3A_115 : vector<1000x512xf32>
    %mul3A_117 = arith.constant 5.000000e-01 : f32
    %mul3A_118 = vector.broadcast %mul3A_117 : f32 to vector<1000x512xf32>
    %mul3A_119 = arith.mulf %mul3A_118, %add3A_116 : vector<1000x512xf32>
    %div3A_120 = arith.constant 1.41421354 : f32
    %div3A_121 = vector.broadcast %div3A_120 : f32 to vector<1000x512xf32>
    %div3A_122 = arith.divf %add3A_116, %div3A_121 : vector<1000x512xf32>
    %erf3A = math.erf %div3A_122 : vector<1000x512xf32>
    %add3A_123 = arith.constant 1.000000e+00 : f32
    %add3A_124 = vector.broadcast %add3A_123 : f32 to vector<1000x512xf32>
    %add3A_125 = arith.addf %add3A_124, %erf3A : vector<1000x512xf32>
    %mul3A_126 = arith.mulf %mul3A_119, %add3A_125 : vector<1000x512xf32>
    %get3A_127 = arith.constant 0 : index
    %get3A_128 = arith.constant 0 : index
    %get3A_129 = vector.load %arg9[%get3A_127, %get3A_128] : memref<512x128xf32, #tpu.memory_space<vmem>>, vector<512x128xf32>
    %dot_general3A_130 = arith.constant dense<0.000000e+00> : vector<1000x128xf32>
    %dot_general3A_131 = tpu.matmul %mul3A_126, %get3A_129, %dot_general3A_130 {dimension_numbers = #tpu.dot_dimension_numbers<[1], [0], [0], [1], [0, 0, 1, 1], [], []>, transpose_lhs_hint = false} : vector<1000x512xf32>, vector<512x128xf32>, vector<1000x128xf32> -> vector<1000x128xf32>
    %get3A_132 = arith.constant 0 : index
    %get3A_133 = arith.constant 0 : index
    %get3A_134 = vector.load %arg10[%get3A_132, %get3A_133] : memref<1x128xf32, #tpu.memory_space<vmem>>, vector<1x128xf32>
    %add3A_135 = vector.broadcast %get3A_134 : vector<1x128xf32> to vector<1000x128xf32>
    %add3A_136 = arith.addf %dot_general3A_131, %add3A_135 : vector<1000x128xf32>
    %slice3A_137 = vector.extract_strided_slice %get3A_62 {offsets = [0, 384], sizes = [1000, 128], strides = [1, 1]} : vector<1000x512xf32> to vector<1000x128xf32>
    %mul3A_138 = arith.mulf %slice3A_137, %add3A_136 : vector<1000x128xf32>
    %add3A_139 = arith.addf %add3A_67, %mul3A_138 : vector<1000x128xf32>
    %swap3A = arith.constant 0 : index
    %swap3A_140 = arith.constant 0 : index
    %swap3A_141 = vector.load %arg13[%swap3A, %swap3A_140] : memref<1000x128xf32, #tpu.memory_space<vmem>>, vector<1000x128xf32>
    tpu.vector_store %arg13[%swap3A, %swap3A_140], %add3A_139 {strides = array<i32>} : memref<1000x128xf32, #tpu.memory_space<vmem>>, vector<1000x128xf32>,
    %get3A_142 = arith.constant 0 : index
    %get3A_143 = arith.constant 0 : index
    %get3A_144 = vector.load %arg11[%get3A_142, %get3A_143] : memref<128x16xf32, #tpu.memory_space<vmem>>, vector<128x16xf32>
    %dot_general3A_145 = arith.constant dense<0.000000e+00> : vector<1000x16xf32>
    %dot_general3A_146 = tpu.matmul %add3A_59, %get3A_144, %dot_general3A_145 {dimension_numbers = #tpu.dot_dimension_numbers<[1], [0], [0], [1], [0, 0, 1, 1], [], []>, transpose_lhs_hint = false} : vector<1000x128xf32>, vector<128x16xf32>, vector<1000x16xf32> -> vector<1000x16xf32>
    %swap3A_147 = arith.constant 0 : index
    %swap3A_148 = arith.constant 0 : index
    %swap3A_149 = vector.load %arg14[%swap3A_147, %swap3A_148] : memref<1000x16xf32, #tpu.memory_space<vmem>>, vector<1000x16xf32>
    tpu.vector_store %arg14[%swap3A_147, %swap3A_148], %dot_general3A_146 {strides = array<i32>} : memref<1000x16xf32, #tpu.memory_space<vmem>>, vector<1000x16xf32>,
    %get3A_150 = arith.constant 0 : index
    %get3A_151 = arith.constant 0 : index
    %get3A_152 = vector.load %arg12[%get3A_150, %get3A_151] : memref<128x16xf32, #tpu.memory_space<vmem>>, vector<128x16xf32>
    %dot_general3A_153 = arith.constant dense<0.000000e+00> : vector<1000x16xf32>
    %dot_general3A_154 = tpu.matmul %add3A_59, %get3A_152, %dot_general3A_153 {dimension_numbers = #tpu.dot_dimension_numbers<[1], [0], [0], [1], [0, 0, 1, 1], [], []>, transpose_lhs_hint = false} : vector<1000x128xf32>, vector<128x16xf32>, vector<1000x16xf32> -> vector<1000x16xf32>
    %swap3A_155 = arith.constant 0 : index
    %swap3A_156 = arith.constant 0 : index
    %swap3A_157 = vector.load %arg15[%swap3A_155, %swap3A_156] : memref<1000x16xf32, #tpu.memory_space<vmem>>, vector<1000x16xf32>
    tpu.vector_store %arg15[%swap3A_155, %swap3A_156], %dot_general3A_154 {strides = array<i32>} : memref<1000x16xf32, #tpu.memory_space<vmem>>, vector<1000x16xf32>,
    return
  }
  func.func @transform_0(%arg0: i32) -> (i32, i32, i32) {
    %c0_i32 = arith.constant 0 : i32
    %c0_i32_0 = arith.constant 0 : i32
    %c0_i32_1 = arith.constant 0 : i32
    return %c0_i32, %arg0, %c0_i32_0 : i32, i32, i32
  }
  func.func @transform_1(%arg0: i32) -> (i32, i32, i32) {
    %c0_i32 = arith.constant 0 : i32
    %c0_i32_0 = arith.constant 0 : i32
    %c0_i32_1 = arith.constant 0 : i32
    return %c0_i32, %arg0, %c0_i32_0 : i32, i32, i32
  }
  func.func @transform_2(%arg0: i32) -> (i32, i32) {
    %c0_i32 = arith.constant 0 : i32
    %c0_i32_0 = arith.constant 0 : i32
    return %arg0, %c0_i32 : i32, i32
  }
  func.func @transform_3(%arg0: i32) -> (i32, i32) {
    %c0_i32 = arith.constant 0 : i32
    %c0_i32_0 = arith.constant 0 : i32
    return %arg0, %c0_i32 : i32, i32
  }
  func.func @transform_4(%arg0: i32) -> (i32, i32) {
    %c0_i32 = arith.constant 0 : i32
    %c0_i32_0 = arith.constant 0 : i32
    %c0_i32_1 = arith.constant 0 : i32
    return %c0_i32, %c0_i32_0 : i32, i32
  }
  func.func @transform_5(%arg0: i32) -> (i32, i32) {
    %c0_i32 = arith.constant 0 : i32
    %c0_i32_0 = arith.constant 0 : i32
    %c0_i32_1 = arith.constant 0 : i32
    return %c0_i32, %c0_i32_0 : i32, i32
  }
  func.func @transform_6(%arg0: i32) -> (i32, i32) {
    %c0_i32 = arith.constant 0 : i32
    %c0_i32_0 = arith.constant 0 : i32
    %c0_i32_1 = arith.constant 0 : i32
    return %c0_i32, %c0_i32_0 : i32, i32
  }
  func.func @transform_7(%arg0: i32) -> (i32, i32) {
    %c0_i32 = arith.constant 0 : i32
    %c0_i32_0 = arith.constant 0 : i32
    %c0_i32_1 = arith.constant 0 : i32
    return %c0_i32, %c0_i32_0 : i32, i32
  }
  func.func @transform_8(%arg0: i32) -> (i32, i32) {
    %c0_i32 = arith.constant 0 : i32
    %c0_i32_0 = arith.constant 0 : i32
    %c0_i32_1 = arith.constant 0 : i32
    return %c0_i32, %c0_i32_0 : i32, i32
  }
  func.func @transform_9(%arg0: i32) -> (i32, i32) {
    %c0_i32 = arith.constant 0 : i32
    %c0_i32_0 = arith.constant 0 : i32
    %c0_i32_1 = arith.constant 0 : i32
    return %c0_i32, %c0_i32_0 : i32, i32
  }
  func.func @transform_10(%arg0: i32) -> (i32, i32) {
    %c0_i32 = arith.constant 0 : i32
    %c0_i32_0 = arith.constant 0 : i32
    %c0_i32_1 = arith.constant 0 : i32
    return %c0_i32, %c0_i32_0 : i32, i32
  }
  func.func @transform_11(%arg0: i32) -> (i32, i32) {
    %c0_i32 = arith.constant 0 : i32
    %c0_i32_0 = arith.constant 0 : i32
    %c0_i32_1 = arith.constant 0 : i32
    return %c0_i32, %c0_i32_0 : i32, i32
  }
  func.func @transform_12(%arg0: i32) -> (i32, i32) {
    %c0_i32 = arith.constant 0 : i32
    %c0_i32_0 = arith.constant 0 : i32
    return %arg0, %c0_i32 : i32, i32
  }
  func.func @transform_13(%arg0: i32) -> (i32, i32) {
    %c0_i32 = arith.constant 0 : i32
    %c0_i32_0 = arith.constant 0 : i32
    return %arg0, %c0_i32 : i32, i32
  }
  func.func @transform_14(%arg0: i32) -> (i32, i32) {
    %c0_i32 = arith.constant 0 : i32
    %c0_i32_0 = arith.constant 0 : i32
    return %arg0, %c0_i32 : i32, i32
  }
}

module attributes {stable_mosaic.version = 14 : i64} {
  func.func @_edge_final_body(%arg0: i32, %arg1: memref<4000x16xf32, #tpu.memory_space<vmem>>, %arg2: memref<4000x16xf32, #tpu.memory_space<vmem>>, %arg3: memref<4000x16xf32, #tpu.memory_space<vmem>>, %arg4: memref<4000x64xf32, #tpu.memory_space<vmem>>, %arg5: memref<16x16xf32, #tpu.memory_space<vmem>>, %arg6: memref<1x16xf32, #tpu.memory_space<vmem>>, %arg7: memref<16x64xf32, #tpu.memory_space<vmem>>, %arg8: memref<1x64xf32, #tpu.memory_space<vmem>>, %arg9: memref<64x16xf32, #tpu.memory_space<vmem>>, %arg10: memref<1x16xf32, #tpu.memory_space<vmem>>, %arg11: memref<4000x16xf32, #tpu.memory_space<vmem>>) attributes {dimension_semantics = [#tpu.dimension_semantics<arbitrary>], iteration_bounds = array<i64: 80>, scalar_prefetch = 0 : i64, scratch_operands = 0 : i64, tpu.core_type = #tpu.core_type<tc>, window_params = [{transform_indices = @transform_0, window_bounds = array<i64: 4000, 16>}, {transform_indices = @transform_1, window_bounds = array<i64: 4000, 16>}, {transform_indices = @transform_2, window_bounds = array<i64: 4000, 16>}, {transform_indices = @transform_3, window_bounds = array<i64: 4000, 64>}, {pipeline_mode = #tpu.pipeline_mode<synchronous>, transform_indices = @transform_4, window_bounds = array<i64: 16, 16>}, {pipeline_mode = #tpu.pipeline_mode<synchronous>, transform_indices = @transform_5, window_bounds = array<i64: 1, 16>}, {pipeline_mode = #tpu.pipeline_mode<synchronous>, transform_indices = @transform_6, window_bounds = array<i64: 16, 64>}, {pipeline_mode = #tpu.pipeline_mode<synchronous>, transform_indices = @transform_7, window_bounds = array<i64: 1, 64>}, {pipeline_mode = #tpu.pipeline_mode<synchronous>, transform_indices = @transform_8, window_bounds = array<i64: 64, 16>}, {pipeline_mode = #tpu.pipeline_mode<synchronous>, transform_indices = @transform_9, window_bounds = array<i64: 1, 16>}, {transform_indices = @transform_10, window_bounds = array<i64: 4000, 16>}]} {
    %get3A = arith.constant 0 : index
    %get3A_0 = arith.constant 0 : index
    %get3A_1 = vector.load %arg3[%get3A, %get3A_0] : memref<4000x16xf32, #tpu.memory_space<vmem>>, vector<4000x16xf32>
    %get3A_2 = arith.constant 0 : index
    %get3A_3 = arith.constant 0 : index
    %get3A_4 = vector.load %arg4[%get3A_2, %get3A_3] : memref<4000x64xf32, #tpu.memory_space<vmem>>, vector<4000x64xf32>
    %get3A_5 = arith.constant 0 : index
    %get3A_6 = arith.constant 0 : index
    %get3A_7 = vector.load %arg1[%get3A_5, %get3A_6] : memref<4000x16xf32, #tpu.memory_space<vmem>>, vector<4000x16xf32>
    %get3A_8 = arith.constant 0 : index
    %get3A_9 = arith.constant 0 : index
    %get3A_10 = vector.load %arg2[%get3A_8, %get3A_9] : memref<4000x16xf32, #tpu.memory_space<vmem>>, vector<4000x16xf32>
    %add3A = arith.addf %get3A_7, %get3A_10 : vector<4000x16xf32>
    %get3A_11 = arith.constant 0 : index
    %get3A_12 = arith.constant 0 : index
    %get3A_13 = vector.load %arg5[%get3A_11, %get3A_12] : memref<16x16xf32, #tpu.memory_space<vmem>>, vector<16x16xf32>
    %dot_general3A = arith.constant dense<0.000000e+00> : vector<4000x16xf32>
    %dot_general3A_14 = tpu.matmul %get3A_1, %get3A_13, %dot_general3A {dimension_numbers = #tpu.dot_dimension_numbers<[1], [0], [0], [1], [0, 0, 1, 1], [], []>, transpose_lhs_hint = false} : vector<4000x16xf32>, vector<16x16xf32>, vector<4000x16xf32> -> vector<4000x16xf32>
    %add3A_15 = arith.addf %add3A, %dot_general3A_14 : vector<4000x16xf32>
    %get3A_16 = arith.constant 0 : index
    %get3A_17 = arith.constant 0 : index
    %get3A_18 = vector.load %arg6[%get3A_16, %get3A_17] : memref<1x16xf32, #tpu.memory_space<vmem>>, vector<1x16xf32>
    %add3A_19 = vector.broadcast %get3A_18 : vector<1x16xf32> to vector<4000x16xf32>
    %add3A_20 = arith.addf %add3A_15, %add3A_19 : vector<4000x16xf32>
    %slice3A = vector.extract_strided_slice %get3A_4 {offsets = [0, 0], sizes = [4000, 16], strides = [1, 1]} : vector<4000x64xf32> to vector<4000x16xf32>
    %mul3A = arith.mulf %slice3A, %add3A_20 : vector<4000x16xf32>
    %add3A_21 = arith.addf %get3A_1, %mul3A : vector<4000x16xf32>
    %reduce_sum3A = arith.constant dense<0.000000e+00> : vector<4000xf32>
    %reduce_sum3A_22 = vector.multi_reduction <add>, %add3A_21, %reduce_sum3A [1] : vector<4000x16xf32> to vector<4000xf32>
    %broadcast_in_dim3A = vector.shape_cast %reduce_sum3A_22 : vector<4000xf32> to vector<4000x1xf32>
    %div3A = arith.constant 1.600000e+01 : f32
    %div3A_23 = vector.broadcast %div3A : f32 to vector<4000x1xf32>
    %div3A_24 = arith.divf %broadcast_in_dim3A, %div3A_23 : vector<4000x1xf32>
    %jit3A = arith.constant 0 : i32
    %reduce_sum3A_25 = arith.constant dense<0.000000e+00> : vector<4000xf32>
    %reduce_sum3A_26 = vector.multi_reduction <add>, %add3A_21, %reduce_sum3A_25 [1] : vector<4000x16xf32> to vector<4000xf32>
    %broadcast_in_dim3A_27 = vector.shape_cast %reduce_sum3A_26 : vector<4000xf32> to vector<4000x1xf32>
    %div3A_28 = arith.constant 1.600000e+01 : f32
    %div3A_29 = vector.broadcast %div3A_28 : f32 to vector<4000x1xf32>
    %div3A_30 = arith.divf %broadcast_in_dim3A_27, %div3A_29 : vector<4000x1xf32>
    %sub3A = vector.broadcast %div3A_30 : vector<4000x1xf32> to vector<4000x16xf32>
    %sub3A_31 = arith.subf %add3A_21, %sub3A : vector<4000x16xf32>
    %square3A = arith.mulf %sub3A_31, %sub3A_31 : vector<4000x16xf32>
    %convert_element_type3A = arith.sitofp %jit3A : i32 to f32
    %sub3A_32 = arith.constant 1.600000e+01 : f32
    %sub3A_33 = arith.subf %sub3A_32, %convert_element_type3A : f32
    %reduce_sum3A_34 = arith.constant dense<0.000000e+00> : vector<4000xf32>
    %reduce_sum3A_35 = vector.multi_reduction <add>, %square3A, %reduce_sum3A_34 [1] : vector<4000x16xf32> to vector<4000xf32>
    %broadcast_in_dim3A_36 = vector.shape_cast %reduce_sum3A_35 : vector<4000xf32> to vector<4000x1xf32>
    %div3A_37 = vector.broadcast %sub3A_33 : f32 to vector<4000x1xf32>
    %div3A_38 = arith.divf %broadcast_in_dim3A_36, %div3A_37 : vector<4000x1xf32>
    %gt3A = arith.constant 0.000000e+00 : f32
    %gt3A_39 = arith.cmpf ogt, %sub3A_33, %gt3A : f32
    %jit3A_40 = arith.constant 0x7FC00000 : f32
    %broadcast_in_dim3A_41 = vector.broadcast %jit3A_40 : f32 to vector<4000x1xf32>
    %select_n3A = arith.select %gt3A_39, %div3A_38, %broadcast_in_dim3A_41 : vector<4000x1xf32>
    %sub3A_42 = vector.broadcast %div3A_24 : vector<4000x1xf32> to vector<4000x16xf32>
    %sub3A_43 = arith.subf %add3A_21, %sub3A_42 : vector<4000x16xf32>
    %add3A_44 = arith.constant 9.99999997E-7 : f32
    %add3A_45 = vector.broadcast %add3A_44 : f32 to vector<4000x1xf32>
    %add3A_46 = arith.addf %select_n3A, %add3A_45 : vector<4000x1xf32>
    %sqrt3A = math.sqrt %add3A_46 : vector<4000x1xf32>
    %div3A_47 = vector.broadcast %sqrt3A : vector<4000x1xf32> to vector<4000x16xf32>
    %div3A_48 = arith.divf %sub3A_43, %div3A_47 : vector<4000x16xf32>
    %slice3A_49 = vector.extract_strided_slice %get3A_4 {offsets = [0, 32], sizes = [4000, 16], strides = [1, 1]} : vector<4000x64xf32> to vector<4000x16xf32>
    %add3A_50 = arith.constant 1.000000e+00 : f32
    %add3A_51 = vector.broadcast %add3A_50 : f32 to vector<4000x16xf32>
    %add3A_52 = arith.addf %add3A_51, %slice3A_49 : vector<4000x16xf32>
    %mul3A_53 = arith.mulf %div3A_48, %add3A_52 : vector<4000x16xf32>
    %slice3A_54 = vector.extract_strided_slice %get3A_4 {offsets = [0, 16], sizes = [4000, 16], strides = [1, 1]} : vector<4000x64xf32> to vector<4000x16xf32>
    %add3A_55 = arith.addf %mul3A_53, %slice3A_54 : vector<4000x16xf32>
    %get3A_56 = arith.constant 0 : index
    %get3A_57 = arith.constant 0 : index
    %get3A_58 = vector.load %arg7[%get3A_56, %get3A_57] : memref<16x64xf32, #tpu.memory_space<vmem>>, vector<16x64xf32>
    %dot_general3A_59 = arith.constant dense<0.000000e+00> : vector<4000x64xf32>
    %dot_general3A_60 = tpu.matmul %add3A_55, %get3A_58, %dot_general3A_59 {dimension_numbers = #tpu.dot_dimension_numbers<[1], [0], [0], [1], [0, 0, 1, 1], [], []>, transpose_lhs_hint = false} : vector<4000x16xf32>, vector<16x64xf32>, vector<4000x64xf32> -> vector<4000x64xf32>
    %get3A_61 = arith.constant 0 : index
    %get3A_62 = arith.constant 0 : index
    %get3A_63 = vector.load %arg8[%get3A_61, %get3A_62] : memref<1x64xf32, #tpu.memory_space<vmem>>, vector<1x64xf32>
    %add3A_64 = vector.broadcast %get3A_63 : vector<1x64xf32> to vector<4000x64xf32>
    %add3A_65 = arith.addf %dot_general3A_60, %add3A_64 : vector<4000x64xf32>
    %mul3A_66 = arith.constant 5.000000e-01 : f32
    %mul3A_67 = vector.broadcast %mul3A_66 : f32 to vector<4000x64xf32>
    %mul3A_68 = arith.mulf %mul3A_67, %add3A_65 : vector<4000x64xf32>
    %div3A_69 = arith.constant 1.41421354 : f32
    %div3A_70 = vector.broadcast %div3A_69 : f32 to vector<4000x64xf32>
    %div3A_71 = arith.divf %add3A_65, %div3A_70 : vector<4000x64xf32>
    %erf3A = math.erf %div3A_71 : vector<4000x64xf32>
    %add3A_72 = arith.constant 1.000000e+00 : f32
    %add3A_73 = vector.broadcast %add3A_72 : f32 to vector<4000x64xf32>
    %add3A_74 = arith.addf %add3A_73, %erf3A : vector<4000x64xf32>
    %mul3A_75 = arith.mulf %mul3A_68, %add3A_74 : vector<4000x64xf32>
    %get3A_76 = arith.constant 0 : index
    %get3A_77 = arith.constant 0 : index
    %get3A_78 = vector.load %arg9[%get3A_76, %get3A_77] : memref<64x16xf32, #tpu.memory_space<vmem>>, vector<64x16xf32>
    %dot_general3A_79 = arith.constant dense<0.000000e+00> : vector<4000x16xf32>
    %dot_general3A_80 = tpu.matmul %mul3A_75, %get3A_78, %dot_general3A_79 {dimension_numbers = #tpu.dot_dimension_numbers<[1], [0], [0], [1], [0, 0, 1, 1], [], []>, transpose_lhs_hint = false} : vector<4000x64xf32>, vector<64x16xf32>, vector<4000x16xf32> -> vector<4000x16xf32>
    %get3A_81 = arith.constant 0 : index
    %get3A_82 = arith.constant 0 : index
    %get3A_83 = vector.load %arg10[%get3A_81, %get3A_82] : memref<1x16xf32, #tpu.memory_space<vmem>>, vector<1x16xf32>
    %add3A_84 = vector.broadcast %get3A_83 : vector<1x16xf32> to vector<4000x16xf32>
    %add3A_85 = arith.addf %dot_general3A_80, %add3A_84 : vector<4000x16xf32>
    %slice3A_86 = vector.extract_strided_slice %get3A_4 {offsets = [0, 48], sizes = [4000, 16], strides = [1, 1]} : vector<4000x64xf32> to vector<4000x16xf32>
    %mul3A_87 = arith.mulf %slice3A_86, %add3A_85 : vector<4000x16xf32>
    %add3A_88 = arith.addf %add3A_21, %mul3A_87 : vector<4000x16xf32>
    %swap3A = arith.constant 0 : index
    %swap3A_89 = arith.constant 0 : index
    %swap3A_90 = vector.load %arg11[%swap3A, %swap3A_89] : memref<4000x16xf32, #tpu.memory_space<vmem>>, vector<4000x16xf32>
    tpu.vector_store %arg11[%swap3A, %swap3A_89], %add3A_88 {strides = array<i32>} : memref<4000x16xf32, #tpu.memory_space<vmem>>, vector<4000x16xf32>,
    return
  }
  func.func @transform_0(%arg0: i32) -> (i32, i32) {
    %c0_i32 = arith.constant 0 : i32
    %c0_i32_0 = arith.constant 0 : i32
    return %arg0, %c0_i32 : i32, i32
  }
  func.func @transform_1(%arg0: i32) -> (i32, i32) {
    %c0_i32 = arith.constant 0 : i32
    %c0_i32_0 = arith.constant 0 : i32
    return %arg0, %c0_i32 : i32, i32
  }
  func.func @transform_2(%arg0: i32) -> (i32, i32) {
    %c0_i32 = arith.constant 0 : i32
    %c0_i32_0 = arith.constant 0 : i32
    return %arg0, %c0_i32 : i32, i32
  }
  func.func @transform_3(%arg0: i32) -> (i32, i32) {
    %c0_i32 = arith.constant 0 : i32
    %c0_i32_0 = arith.constant 0 : i32
    return %arg0, %c0_i32 : i32, i32
  }
  func.func @transform_4(%arg0: i32) -> (i32, i32) {
    %c0_i32 = arith.constant 0 : i32
    %c0_i32_0 = arith.constant 0 : i32
    %c0_i32_1 = arith.constant 0 : i32
    return %c0_i32, %c0_i32_0 : i32, i32
  }
  func.func @transform_5(%arg0: i32) -> (i32, i32) {
    %c0_i32 = arith.constant 0 : i32
    %c0_i32_0 = arith.constant 0 : i32
    %c0_i32_1 = arith.constant 0 : i32
    return %c0_i32, %c0_i32_0 : i32, i32
  }
  func.func @transform_6(%arg0: i32) -> (i32, i32) {
    %c0_i32 = arith.constant 0 : i32
    %c0_i32_0 = arith.constant 0 : i32
    %c0_i32_1 = arith.constant 0 : i32
    return %c0_i32, %c0_i32_0 : i32, i32
  }
  func.func @transform_7(%arg0: i32) -> (i32, i32) {
    %c0_i32 = arith.constant 0 : i32
    %c0_i32_0 = arith.constant 0 : i32
    %c0_i32_1 = arith.constant 0 : i32
    return %c0_i32, %c0_i32_0 : i32, i32
  }
  func.func @transform_8(%arg0: i32) -> (i32, i32) {
    %c0_i32 = arith.constant 0 : i32
    %c0_i32_0 = arith.constant 0 : i32
    %c0_i32_1 = arith.constant 0 : i32
    return %c0_i32, %c0_i32_0 : i32, i32
  }
  func.func @transform_9(%arg0: i32) -> (i32, i32) {
    %c0_i32 = arith.constant 0 : i32
    %c0_i32_0 = arith.constant 0 : i32
    %c0_i32_1 = arith.constant 0 : i32
    return %c0_i32, %c0_i32_0 : i32, i32
  }
  func.func @transform_10(%arg0: i32) -> (i32, i32) {
    %c0_i32 = arith.constant 0 : i32
    %c0_i32_0 = arith.constant 0 : i32
    return %arg0, %c0_i32 : i32, i32
  }
}

</mosaic_0001>

<sc_bundles>
// kernel: kernel.11.cloned.1.call-start
scs
__scs_entry_jumppad:
0x0: {  	(pc) =	sbr.rel $0x88, $3  }
0x1: {  	(tag) =	ssettag $0x0;
	lr =	simm.s32 $0x1  }
0x2: {  	[smem:$0x3F88] =	sst lr;
	_ =	strace $0xD0000000  }
0x3: {  	_ = 	snop  }
0x4: {  	_ = 	snop  }
0x5: {  	_ = 	snop  }
0x6: {  	_ = 	snop  }
0x7: {  	_ = 	snop  }
__scs_overlays_trampoline_lowered:
0x8: {  	[smem:$0x3F97] =	sst s0  }
0x9: {  	[smem:$0x3F98] =	sst s1  }
0xa: {  	[smem:$0x3F99] =	sst s2  }
0xb: {  	[smem:$0x3F9A] =	sst s3  }
0xc: {  	[smem:$0x3F9B] =	sst s4  }
0xd: {  	[smem:$0x3F9C] =	sst s5  }
0xe: {  	[smem:$0x3F9D] =	sst s6  }
0xf: {  	[smem:$0x3F9E] =	sst s7  }
0x10: {  	[smem:$0x3F9F] =	sst s8  }
0x11: {  	[smem:$0x3FA0] =	sst s9;
	s0 =	simm.s32 @!p0 $0x0  }
0x12: {  	s1 =	sld [smem:$0x3F86];
	s0 =	simm.s32 @p0 $0x1  }
0x13: {  	[smem:$0x3FA1] =	sst s0;
	s0 =	simm.s32 @!p1 $0x0  }
0x14: {  	s2 =	sld [smem:$0x3F85];
	s0 =	simm.s32 @p1 $0x1  }
0x15: {  	[smem:$0x3FA2] =	sst s0;
	s0 =	simm.s32 @!p2 $0x0  }
0x16: {  	s3 =	sld [smem:$0x3FDB];
	s0 =	simm.s32 @p2 $0x1  }
0x17: {  	s4 =	simm.s32 $0x1BF5;
	[smem:$0x3FA4] =	sst s0  }
0x18: {  	s0 =	sld [smem:$0x3F87];
	_ =	swait.ge [sflag:s4], $0x0  }
0x19: {  	s7 =	sld [smem:$0x3F88]  }
0x1a: {  	s8 =	sadd.s32 $0xFFFFE003, lr  }
0x1b: {  	s9 =	sadd.s32 $0xFFFFFEF7, lr;
	s5 =	simm.s32 $0xFFFFFFFF;
	p2 =	slt.u32 s8, $0xFFFFF086  }
0x1c: {  	p1 =	slt.u32 s9, $0xF7A;
	s5 =	simm.s32 @!p2 $0x0  }
0x1d: {  	s5 =	simm.s32 @p1 $0x1;
	p0 =	seq.s32 s7, s2  }
0x1e: {  	s7 =	smul.u32 @!p0 $0xF7A, s2;
	p2 =	seq.s32 @!p0 s5, $0x0  }
0x1f: {  	s9 =	smul.u32 $0xF7A, s1;
	s8 =	simm.s32 @!p0 $0x1BF5;
	p2 =	por !p2, p0  }
0x20: {  	[sflag:s8] =	ssyncset.s32 @!p0 $0xFFFFF086;
	s6 =	sadd.s32 @!p0 s3, s7;
	s7 =	simm.s32 @!p0 $0x108  }
0x21: {  	s3 =	sadd.s32 s3, s9;
	s6 =	sadd.s32 @!p0 $0x88, s6;
	s7 =	simm.s32 @p2 $0x1082  }
0x22: {  	[simem:s7], [sflag:s8] =	dma.local @!p0 [hbm:s6], $0xF7A  }
0x23: {  	s9 =	sor.u32 $0xD0000000, s2;
	s6 =	simm.s32 $0x108;
	_ =	swait.ge @!p0 [sflag:s8], $0x0  }
0x24: {  	s3 =	sadd.s32 $0x88, s3;
	s6 =	simm.s32 @!p1 $0x1082;
	[sflag:s4] =	ssyncset.s32 $0xFFFFF086  }
0x25: {  	[simem:s6], [sflag:s4] =	dma.local [hbm:s3], $0xF7A  }
0x26: {  	[smem:$0x3F88] =	sst s1;
	(tag) =	ssettag s2;
	_ =	strace s9  }
0x27: {  	s1 =	sld [smem:$0x3F98]  }
0x28: {  	s2 =	sld [smem:$0x3F99]  }
0x29: {  	s4 =	sld [smem:$0x3F9B]  }
0x2a: {  	p0 =	seq.s32 s5, $0x0;
	s5 =	sld [smem:$0x3F9C]  }
0x2b: {  	s6 =	sld [smem:$0x3F9D]  }
0x2c: {  	s7 =	sld [smem:$0x3F9E]  }
0x2d: {  	s3 =	simm.s32 $0x108;
	s8 =	sld [smem:$0x3F9F]  }
0x2e: {  	s3 =	simm.s32 @!p0 $0x1082;
	s9 =	sld [smem:$0x3FA0]  }
0x2f: {  	lr =	sadd.s32 s0, s3;
	s0 =	sld [smem:$0x3F97]  }
0x30: {  	s3 =	sld [smem:$0x3F9A]  }
0x31: {  	[smem:$0x3FA3] =	sst s10  }
0x32: {  	s10 =	sld [smem:$0x3FA1];
	_ =	sdelay $0x3  }
0x33: {  	p0 =	seq.s32 s10, $0x1;
	s10 =	sld [smem:$0x3FA3];
	_ =	sdelay $0x3  }
0x34: {  	[smem:$0x3FA3] =	sst s10  }
0x35: {  	s10 =	sld [smem:$0x3FA2];
	_ =	sdelay $0x3  }
0x36: {  	p1 =	seq.s32 s10, $0x1;
	s10 =	sld [smem:$0x3FA3];
	_ =	sdelay $0x3  }
0x37: {  	[smem:$0x3FA3] =	sst s10  }
0x38: {  	s10 =	sld [smem:$0x3FA4]  }
0x39: {  	_ = 	snop;
	(pc) =	sbr.ind lr, $3  }
0x3a: {  	_ = 	snop  }
0x3b: {  	_ = 	snop  }
0x3c: {  	p2 =	seq.s32 s10, $0x1;
	s10 =	sld [smem:$0x3FA3]  }
0x3d: {  	_ =	shalt  }
0x3e: {  	_ =	shalt  }
0x3f: {  	_ =	shalt  }
0x40: {  	_ =	shalt  }
0x41: {  	_ =	shalt  }
0x42: {  	_ =	shalt  }
0x43: {  	_ =	shalt  }
0x44: {  	_ =	shalt  }
0x45: {  	_ =	shalt  }
0x46: {  	_ =	shalt  }
0x47: {  	_ =	shalt  }
0x48: {  	_ =	shalt  }
0x49: {  	_ =	shalt  }
0x4a: {  	_ =	shalt  }
0x4b: {  	_ =	shalt  }
0x4c: {  	_ =	shalt  }
0x4d: {  	_ =	shalt  }
0x4e: {  	_ =	shalt  }
0x4f: {  	_ =	shalt  }
0x50: {  	_ =	shalt  }
0x51: {  	_ =	shalt  }
0x52: {  	_ =	shalt  }
0x53: {  	_ =	shalt  }
0x54: {  	_ =	shalt  }
0x55: {  	_ =	shalt  }
0x56: {  	_ =	shalt  }
0x57: {  	_ =	shalt  }
0x58: {  	_ =	shalt  }
0x59: {  	_ =	shalt  }
0x5a: {  	_ =	shalt  }
0x5b: {  	_ =	shalt  }
0x5c: {  	_ =	shalt  }
0x5d: {  	_ =	shalt  }
0x5e: {  	_ =	shalt  }
0x5f: {  	_ =	shalt  }
0x60: {  	_ =	shalt  }
0x61: {  	_ =	shalt  }
0x62: {  	_ =	shalt  }
0x63: {  	_ =	shalt  }
0x64: {  	_ =	shalt  }
0x65: {  	_ =	shalt  }
0x66: {  	_ =	shalt  }
0x67: {  	_ =	shalt  }
0x68: {  	_ =	shalt  }
0x69: {  	_ =	shalt  }
0x6a: {  	_ =	shalt  }
0x6b: {  	_ =	shalt  }
0x6c: {  	_ =	shalt  }
0x6d: {  	_ =	shalt  }
0x6e: {  	_ =	shalt  }
0x6f: {  	_ =	shalt  }
0x70: {  	_ =	shalt  }
0x71: {  	_ =	shalt  }
0x72: {  	_ =	shalt  }
0x73: {  	_ =	shalt  }
0x74: {  	_ =	shalt  }
0x75: {  	_ =	shalt  }
0x76: {  	_ =	shalt  }
0x77: {  	_ =	shalt  }
0x78: {  	_ =	shalt  }
0x79: {  	_ =	shalt  }
0x7a: {  	_ =	shalt  }
0x7b: {  	_ =	shalt  }
0x7c: {  	_ =	shalt  }
0x7d: {  	_ =	shalt  }
0x7e: {  	_ =	shalt  }
0x7f: {  	_ =	shalt  }
0x80: {  	_ =	shalt  }
0x81: {  	_ =	shalt  }
0x82: {  	_ =	shalt  }
0x83: {  	_ =	shalt  }
0x84: {  	_ =	shalt  }
0x85: {  	_ =	shalt  }
0x86: {  	_ =	shalt  }
0x87: {  	_ =	shalt  }
.Lfunc_end0:
.L_simem_size_0:
called_computation_lowered:
.L_overlay_start_0:
0x88: {  	s2 =	sld [smem:$0x3FD9]  }
0x89: {  	s3 =	sld [smem:$0x3FFE];
	_ =	sdelay $0x1  }
0x8a: {  	s1 =	srdreg.scid  }
0x8b: {  	s0 =	sand.u32 $0x1, s1  }
0x8c: {  	s14 =	sshll.u32 s0, $0xA;
	s2 =	sadd.s32 s3, s2  }
0x8d: {  	s2 =	sadd.s32 s2, s14  }
0x8e: {  	[smem:$0x3FAF] =	sst s2  }
0x8f: {  	_ = 	snop  }
0x90: {  	s2 =	sld [smem:$0x3FD0];
	_ =	sdelay $0x2  }
0x91: {  	s15 =	simm.s32 $0xB;
	s4 =	simm.s32 $0x10  }
0x92: {  	[smem:s4], [sflag:s15] =	dma.local [hbm:s2], $0x1  }
0x93: {  	_ =	swait.eq [sflag:s15], $0x1  }
0x94: {  	[sflag:s15] =	ssyncset.done $0x0  }
0x95: {  	[sflag:s15] =	ssyncadd.s32 $0xFFFFFFFF  }
0x96: {  	s16 =	sld [smem:$0x10];
	(tm) =	ssettm $0x1  }
0x97: {  	s17 =	sld [smem:$0x3FFB];
	_ =	sdelay $0x3  }
0x98: {  	_ =	strace s17  }
0x99: {  	s3 =	sld [smem:$0x3FFC];
	_ =	sdelay $0x3  }
0x9a: {  	_ =	strace s3  }
0x9b: {  	s3 =	sld [smem:$0x3FFD];
	_ =	sdelay $0x3  }
0x9c: {  	_ =	strace s3  }
0x9d: {  	_ =	strace $0x8FFFFFFF  }
0x9e: {  	s18 =	sld [smem:$0x3FDB];
	_ =	sdelay $0x1  }
0x9f: {  	s19 =	simm.s32 $_scs_section_size  }
0xa0: {  	s5 =	simm.s32 $_size__tile_overlayer_lowered;
	s6 =	simm.s32 $_tile_overlayer_lowered  }
0xa1: {  	s22 =	simm.s32 $0x1BFF;
	s21 =	sshll.u32 s6, $0x1;
	s3 =	sadd.s32 s19, s18  }
0xa2: {  	s7 =	simm.s32 $0x0;
	s20 =	sshll.u32 s5, $0x1;
	s5 =	sadd.s32 s21, s3  }
0xa3: {  	[timem:s7], [sflag:s22] =	dma.local [hbm:s5], s20  }
0xa4: {  	_ =	swait.ge [sflag:s22], s20  }
0xa5: {  	s4 =	ssub.s32 $0x0, s20;
	[sflag:s22] =	ssyncset.done $0x0  }
0xa6: {  	[sflag:s22] =	ssyncadd.s32 s4;
	_ =	sdelay $0x1  }
0xa7: {  	s23 =	simm.s32 $0x1B8B  }
0xa8: {  	_ =	swait.ge [sflag:s23], $0x1  }
0xa9: {  	[sflag:s23] =	ssyncset.done $0x0  }
0xaa: {  	s25 =	simm.s32 $0x1B8E;
	s24 =	sld [smem:$0x3FFE];
	[sflag:s23] =	ssyncadd.s32 $0xFFFFFFFF  }
0xab: {  	s26 =	simm.s32 $execute0_lowered;
	[smem:$0x3FD2] =	sst s25  }
0xac: {  	s5 =	sshll.u32 s26, $0x1;
	_ =	strace $0x80000046;
	[dreg:$0x1] =	wrdreg $0xFFFFFFFF  }
0xad: {  	s28 =	simm.s32 $_size_execute0_lowered;
	s3 =	sadd.s32 s3, s5;
	[dreg:$0x0] =	wrdreg $0x0  }
0xae: {  	s5 =	sshll.u32 s28, $0x1;
	[dreg:$0x2] =	wrdreg s3  }
0xaf: {  	[dreg:$0x3] =	wrdreg s5  }
0xb0: {  	[dreg:$0x4] =	wrdreg $0xC0  }
0xb1: {  	_ =	task [dreg:s7], $0x5FFFF  }
0xb2: {  	[dreg:$0x1] =	wrdreg $0xFFFFFFFF  }
0xb3: {  	[dreg:$0x0] =	wrdreg $0x60  }
0xb4: {  	[dreg:$0x2] =	wrdreg s16  }
0xb5: {  	[dreg:$0x3] =	wrdreg s24  }
0xb6: {  	[dreg:$0x4] =	wrdreg $0x9  }
0xb7: {  	_ =	task.clear_ibuf [dreg:s7], $0x5FFFF;
	_ =	strace $0x90000046  }
0xb8: {  	s29 =	simm.s32 $0x9;
	_ =	strace $0x80000048  }
0xb9: {  	_ =	swait.ge [sflag:s29], $0x1  }
0xba: {  	[sflag:s29] =	ssyncadd.s32 $0xFFFFFFFF  }
0xbb: {  	_ =	strace $0x90000048  }
0xbc: {  	_ =	sfence  }
0xbd: {  	s30 =	sld [smem:$0x0];
	_ =	sdelay $0x2  }
0xbe: {  	s31 =	sshll.u32 s1, $0xD;
	s1 =	sshrl.u32 s1, $0x2  }
0xbf: {  	s3 =	sand.u32 $0x4000, s31;
	s1 =	sadd.s32 s1, s30  }
0xc0: {  	s0 =	sor.u32 s3, s0;
	s1 =	sshll.u32 s1, $0x11  }
0xc1: {  	s0 =	sor.u32 s1, s0  }
0xc2: {  	s0 =	sadd.s32 $0x8F2B, s0  }
0xc3: {  	[sflag:s0] =	ssyncadd.remote.s32 $0x1  }
0xc4: {  	_ =	sfence.sel $0xFFFF  }
0xc5: {  	[dreg:$0x0] =	wrdreg $0xFFFFFFFF;
	(pc) =	sbr.abs _section_cstart, $3  }
0xc6: {  	[dreg:$0x1] =	wrdreg $0xFFFFFFFF  }
0xc7: {  	_ =	task.clear_ibuf [dreg:s7], $0x2FFFF;
	_ =	strace $0x9FFFFFFF  }
0xc8: {  	(tm) =	ssettm $0x7FFFFFFF  }
0xc9: {  	_ =	shalt  }
tec
execute0_lowered:
.L_overlay_start_1:
0x0: {  	(tag) =	ssettag $0x1  }
0x1: {  	s2 =	rddreg [dreg:$0x0]  }
0x2: {  	s0 =	srdreg.scid;
	s1 =	rddreg [dreg:$0x1]  }
0x3: {  	s11 =	stileid.u32;
	s3 =	simm.s32 $0x0;
	s12 =	simm.s32 $0x4  }
0x4: {  	s20 =	simm.s32 $0xF700;
	s21 =	simm.s32 $0xFF00;
	s22 =	simm.s32 $0x10700  }
0x5: {  	s23 =	simm.s32 $0x10F00;
	s24 =	simm.s32 $0x11700;
	s25 =	simm.s32 $0x11F00  }
0x6: {  	s26 =	simm.s32 $0x12700;
	s28 =	simm.s32 $0xEF00;
	s29 =	simm.s32 $0x12F00  }
0x7: {  	s30 =	simm.s32 $0x13700;
	s31 =	simm.s32 $0x1;
	[smem:$0x7FF] =	sst s3  }
0x8: {  	s0 =	sand.u32 $0x1, s0;
	_ =	strace $0x80000047;
	[dreg:$0x3] =	wrdreg s20  }
0x9: {  	s8 =	sadd.s32 $0x68200, s1;
	s14 =	smul.u32 $0x27100, s11;
	[dreg:$0x4] =	wrdreg s21  }
0xa: {  	s16 =	smul.u32 $0x4E200, s11;
	s4 =	sshll.u32 s0, $0x4;
	[dreg:$0x5] =	wrdreg s22  }
0xb: {  	s7 =	ssub.s32 $0x2, s0;
	s13 =	smul.u32 $0x271000, s0;
	[dreg:$0x6] =	wrdreg s23  }
0xc: {  	s0 =	smul.u32 $0x4E2000, s0;
	s20 =	simm.s32 $0x9700;
	[dreg:$0x7] =	wrdreg s24  }
0xd: {  	s21 =	simm.s32 $0x9F00;
	s22 =	simm.s32 $0xA700;
	[dreg:$0x8] =	wrdreg s25  }
0xe: {  	s23 =	simm.s32 $0xAF00;
	s24 =	simm.s32 $0xB700;
	[dreg:$0x9] =	wrdreg s26  }
0xf: {  	s25 =	simm.s32 $0xBF00;
	s26 =	simm.s32 $0xC700;
	s4 =	sor.u32 s11, s4  }
0x10: {  	s9 =	sshrl.u32 s7, $0x1;
	s5 =	smul.u32 $0x2710, s4;
	s4 =	sadd.s32 $0x1A000, s1  }
0x11: {  	s7 =	ssub.s32 s7, s9;
	s17 =	sadd.s32 s13, s8;
	s13 =	simm.s32 $0x0  }
0x12: {  	s18 =	smax.u32 s7, $0x1;
	s19 =	sadd.s32 s14, s17;
	s14 =	simm.s32 $0x50  }
0x13: {  	s17 =	simm.s32 $0x7F00;
	s6 =	sshrl.u32 s5, $0x3;
	s5 =	sadd.s32 $0x26C0, s5  }
0x14: {  	[dreg:$0xe] =	wrdreg s18;
	s18 =	simm.s32 $0x8700;
	s6 =	sadd.s32 s6, s1  }
0x15: {  	s1 =	sadd.s32 $0x54A200, s1;
	s15 =	sshll.u32 s5, $0x4;
	s10 =	sadd.s32 $0x10200, s6  }
0x16: {  	s5 =	sshll.u32 s5, $0x5;
	s6 =	sadd.s32 $0x6400, s6;
	[dreg:$0xa] =	wrdreg s10  }
0x17: {  	s5 =	sadd.s32 s1, s5;
	s0 =	sadd.s32 s0, s1;
	[dreg:$0xb] =	wrdreg s6  }
0x18: {  	s1 =	sadd.s32 $0x500, s19;
	s19 =	simm.s32 $0x8F00;
	[dreg:$0xd] =	wrdreg s5  }
0x19: {  	v2 =	vlaneseq.u32;
	s6 =	sadd.s32 s8, s15;
	s0 =	sadd.s32 s16, s0;
	[dreg:$0xf] =	wrdreg s1  }
0x1a: {  	vm0 =	vmmov $0xffff;
	v1 =	vshrl.u32 v2, $0x3;
	s15 =	simm.s32 $0x4F00;
	s16 =	simm.s32 $0x7700;
	s1 =	simm.s32 $0x3  }
0x1b: {  	v0 =	vand.u32 $0x7, v2;
	v2 =	vor.u32 $0x8, v2;
	v1 =	vmul.u32 $0x8, v1;
	[dreg:$0xc] =	wrdreg s6;
	s5 =	sadd.s32 $0xA00, s0;
	s0 =	simm.s32 $0x2  }
.LBB2_1:
0x1c: {  	s6 =	rddreg [dreg:$0xa]  }
0x1d: {  	[tilespmem:s3], [sflag:$0x4] =	stream.linear.gather [hbm4b:s6+s3], $0x2710, $0x38;
	[tilespmem:$0x13F00] =	vst v63  }
0x1e: {  	_ =	swait.ge [sflag:s12], $0x2710  }
0x1f: {  	[sflag:s12] =	ssyncset.done $0x0  }
0x20: {  	s7 =	simm.s32 $0x2780;
	s11 =	rddreg [dreg:$0xb];
	[sflag:s12] =	ssyncadd.s32 $0xFFFFD8F0  }
0x21: {  	[tilespmem:s7], [sflag:$0x4] =	stream.linear.gather [hbm4b:s11+s3], $0x2710, $0x38;
	[tilespmem:$0x13F00] =	vst v63  }
0x22: {  	_ =	swait.ge [sflag:s12], $0x2710  }
0x23: {  	s11 =	smov.u32 s5;
	[sflag:s12] =	ssyncset.done $0x0  }
0x24: {  	s7 =	simm.s32 $0x0;
	s10 =	rddreg [dreg:$0xf];
	[sflag:s12] =	ssyncadd.s32 $0xFFFFD8F0  }
.LBB2_2:
0x25: {  	s8 =	sshra.s32 s7, $0x2  }
0x26: {  	[tilespmem:s15], [sflag:$0x1] =	stream.indirect.gather [hbm4b:s2+s14], $0x80, s8, s14, $0xb8;
	[tilespmem:$0x13F00] =	vst v63  }
0x27: {  	v3 =	vld [tilespmem:s8+$0x2780];
	_ =	sdelay $0x4  }
0x28: {  	v4 =	vshll.u32 v3, $0x1  }
0x29: {  	v3 =	vand.u32 $0x7, v3;
	v4 =	vand.u32 $0xFFFFFFF0, v4  }
0x2a: {  	v3 =	vor.u32 v3, v4  }
0x2b: {  	v4 =	vperm.xlane v3, v0;
	_ =	sdelay $0x1  }
0x2c: {  	v3 =	vperm.xlane v3, v2;
	v4 =	vadd.s32 v1, v4;
	_ =	sdelay $0x1  }
0x2d: {  	v3 =	vadd.s32 v1, v3;
	_ =	sdelay $0x2  }
0x2e: {  	[tilespmem:s16], [sflag:$0x1] =	stream.indirect_vreg.gather [hbm4b:s4+s3], $0x80, v4, vm0, $0xb8;
	[tilespmem:$0x13F00] =	vst v63  }
0x2f: {  	_ = 	snop  }
0x30: {  	[tilespmem:s17], [sflag:$0x1] =	stream.indirect_vreg.gather [hbm4b:s4+s3], $0x80, v3, vm0, $0xb8;
	[tilespmem:$0x13F00] =	vst v63  }
0x31: {  	v3 =	vld [tilespmem:s8+$0x2790];
	_ =	sdelay $0x4  }
0x32: {  	v55 =	vshll.u32 v3, $0x1  }
0x33: {  	v3 =	vand.u32 $0x7, v3;
	v4 =	vand.u32 $0xFFFFFFF0, v55  }
0x34: {  	v3 =	vor.u32 v3, v4  }
0x35: {  	v4 =	vperm.xlane v3, v0;
	_ =	sdelay $0x1  }
0x36: {  	v3 =	vperm.xlane v3, v2;
	v4 =	vadd.s32 v1, v4;
	_ =	sdelay $0x1  }
0x37: {  	v3 =	vadd.s32 v1, v3;
	_ =	sdelay $0x2  }
0x38: {  	[tilespmem:s18], [sflag:$0x1] =	stream.indirect_vreg.gather [hbm4b:s4+s3], $0x80, v4, vm0, $0xb8;
	[tilespmem:$0x13F00] =	vst v63  }
0x39: {  	_ = 	snop  }
0x3a: {  	[tilespmem:s19], [sflag:$0x1] =	stream.indirect_vreg.gather [hbm4b:s4+s3], $0x80, v3, vm0, $0xb8;
	[tilespmem:$0x13F00] =	vst v63  }
0x3b: {  	v3 =	vld [tilespmem:s8+$0x27A0];
	_ =	sdelay $0x4  }
0x3c: {  	v56 =	vshll.u32 v3, $0x1  }
0x3d: {  	v3 =	vand.u32 $0x7, v3;
	v4 =	vand.u32 $0xFFFFFFF0, v56  }
0x3e: {  	v3 =	vor.u32 v3, v4  }
0x3f: {  	v4 =	vperm.xlane v3, v0;
	_ =	sdelay $0x1  }
0x40: {  	v3 =	vperm.xlane v3, v2;
	v4 =	vadd.s32 v1, v4;
	_ =	sdelay $0x1  }
0x41: {  	v3 =	vadd.s32 v1, v3;
	_ =	sdelay $0x2  }
0x42: {  	[tilespmem:s20], [sflag:$0x1] =	stream.indirect_vreg.gather [hbm4b:s4+s3], $0x80, v4, vm0, $0xb8;
	[tilespmem:$0x13F00] =	vst v63  }
0x43: {  	_ = 	snop  }
0x44: {  	[tilespmem:s21], [sflag:$0x1] =	stream.indirect_vreg.gather [hbm4b:s4+s3], $0x80, v3, vm0, $0xb8;
	[tilespmem:$0x13F00] =	vst v63  }
0x45: {  	v3 =	vld [tilespmem:s8+$0x27B0];
	_ =	sdelay $0x4  }
0x46: {  	v57 =	vshll.u32 v3, $0x1  }
0x47: {  	v3 =	vand.u32 $0x7, v3;
	v4 =	vand.u32 $0xFFFFFFF0, v57  }
0x48: {  	v3 =	vor.u32 v3, v4  }
0x49: {  	v4 =	vperm.xlane v3, v0;
	_ =	sdelay $0x1  }
0x4a: {  	v3 =	vperm.xlane v3, v2;
	v4 =	vadd.s32 v1, v4;
	_ =	sdelay $0x1  }
0x4b: {  	v3 =	vadd.s32 v1, v3;
	_ =	sdelay $0x2  }
0x4c: {  	[tilespmem:s22], [sflag:$0x1] =	stream.indirect_vreg.gather [hbm4b:s4+s3], $0x80, v4, vm0, $0xb8;
	[tilespmem:$0x13F00] =	vst v63  }
0x4d: {  	_ = 	snop  }
0x4e: {  	[tilespmem:s23], [sflag:$0x1] =	stream.indirect_vreg.gather [hbm4b:s4+s3], $0x80, v3, vm0, $0xb8;
	[tilespmem:$0x13F00] =	vst v63  }
0x4f: {  	v3 =	vld [tilespmem:s8+$0x27C0];
	_ =	sdelay $0x4  }
0x50: {  	v58 =	vshll.u32 v3, $0x1  }
0x51: {  	v3 =	vand.u32 $0x7, v3;
	v4 =	vand.u32 $0xFFFFFFF0, v58  }
0x52: {  	v3 =	vor.u32 v3, v4  }
0x53: {  	v4 =	vperm.xlane v3, v0;
	_ =	sdelay $0x1  }
0x54: {  	v3 =	vperm.xlane v3, v2;
	v4 =	vadd.s32 v1, v4;
	_ =	sdelay $0x1  }
0x55: {  	v3 =	vadd.s32 v1, v3;
	_ =	sdelay $0x2  }
0x56: {  	[tilespmem:s24], [sflag:$0x1] =	stream.indirect_vreg.gather [hbm4b:s4+s3], $0x80, v4, vm0, $0xb8;
	[tilespmem:$0x13F00] =	vst v63  }
0x57: {  	_ = 	snop  }
0x58: {  	[tilespmem:s25], [sflag:$0x1] =	stream.indirect_vreg.gather [hbm4b:s4+s3], $0x80, v3, vm0, $0xb8;
	[tilespmem:$0x13F00] =	vst v63  }
0x59: {  	s9 =	sadd.s32 $0x50, s8  }
0x5a: {  	[tilespmem:s26], [sflag:$0x2] =	stream.indirect.gather [hbm4b:s2+s14], $0x80, s9, s14, $0xb8;
	[tilespmem:$0x13F00] =	vst v63  }
0x5b: {  	v3 =	vld [tilespmem:s8+$0x27D0];
	_ =	sdelay $0x4  }
0x5c: {  	v59 =	vshll.u32 v3, $0x1  }
0x5d: {  	v3 =	vand.u32 $0x7, v3;
	v4 =	vand.u32 $0xFFFFFFF0, v59  }
0x5e: {  	v3 =	vor.u32 v3, v4  }
0x5f: {  	v4 =	vperm.xlane v3, v0;
	_ =	sdelay $0x1  }
0x60: {  	v3 =	vperm.xlane v3, v2;
	v4 =	vadd.s32 v1, v4;
	_ =	sdelay $0x1  }
0x61: {  	v3 =	vadd.s32 v1, v3;
	_ =	sdelay $0x2  }
0x62: {  	[tilespmem:s28], [sflag:$0x2] =	stream.indirect_vreg.gather [hbm4b:s4+s3], $0x80, v4, vm0, $0xb8;
	[tilespmem:$0x13F00] =	vst v63  }
0x63: {  	s6 =	rddreg [dreg:$0x3]  }
0x64: {  	[tilespmem:s6], [sflag:$0x2] =	stream.indirect_vreg.gather [hbm4b:s4+s3], $0x80, v3, vm0, $0xb8;
	[tilespmem:$0x13F00] =	vst v63  }
0x65: {  	v3 =	vld [tilespmem:s8+$0x27E0];
	_ =	sdelay $0x4  }
0x66: {  	v60 =	vshll.u32 v3, $0x1  }
0x67: {  	v3 =	vand.u32 $0x7, v3;
	v4 =	vand.u32 $0xFFFFFFF0, v60  }
0x68: {  	v3 =	vor.u32 v3, v4  }
0x69: {  	v4 =	vperm.xlane v3, v0;
	_ =	sdelay $0x1  }
0x6a: {  	v3 =	vperm.xlane v3, v2;
	v4 =	vadd.s32 v1, v4;
	_ =	sdelay $0x1  }
0x6b: {  	v3 =	vadd.s32 v1, v3;
	_ =	sdelay $0x1  }
0x6c: {  	s9 =	rddreg [dreg:$0x4]  }
0x6d: {  	[tilespmem:s9], [sflag:$0x2] =	stream.indirect_vreg.gather [hbm4b:s4+s3], $0x80, v4, vm0, $0xb8;
	[tilespmem:$0x13F00] =	vst v63  }
0x6e: {  	s6 =	rddreg [dreg:$0x5]  }
0x6f: {  	[tilespmem:s6], [sflag:$0x2] =	stream.indirect_vreg.gather [hbm4b:s4+s3], $0x80, v3, vm0, $0xb8;
	[tilespmem:$0x13F00] =	vst v63  }
0x70: {  	v3 =	vld [tilespmem:s8+$0x27F0];
	_ =	sdelay $0x4  }
0x71: {  	v61 =	vshll.u32 v3, $0x1  }
0x72: {  	v3 =	vand.u32 $0x7, v3;
	v4 =	vand.u32 $0xFFFFFFF0, v61  }
0x73: {  	v3 =	vor.u32 v3, v4  }
0x74: {  	v4 =	vperm.xlane v3, v0;
	_ =	sdelay $0x1  }
0x75: {  	v3 =	vperm.xlane v3, v2;
	v4 =	vadd.s32 v1, v4;
	_ =	sdelay $0x1  }
0x76: {  	v3 =	vadd.s32 v1, v3;
	_ =	sdelay $0x1  }
0x77: {  	s6 =	rddreg [dreg:$0x6]  }
0x78: {  	[tilespmem:s6], [sflag:$0x2] =	stream.indirect_vreg.gather [hbm4b:s4+s3], $0x80, v4, vm0, $0xb8;
	[tilespmem:$0x13F00] =	vst v63  }
0x79: {  	s9 =	rddreg [dreg:$0x7]  }
0x7a: {  	[tilespmem:s9], [sflag:$0x2] =	stream.indirect_vreg.gather [hbm4b:s4+s3], $0x80, v3, vm0, $0xb8;
	[tilespmem:$0x13F00] =	vst v63  }
0x7b: {  	v3 =	vld [tilespmem:s8+$0x2800];
	_ =	sdelay $0x4  }
0x7c: {  	v62 =	vshll.u32 v3, $0x1  }
0x7d: {  	v3 =	vand.u32 $0x7, v3;
	v4 =	vand.u32 $0xFFFFFFF0, v62  }
0x7e: {  	v3 =	vor.u32 v3, v4  }
0x7f: {  	v4 =	vperm.xlane v3, v0;
	_ =	sdelay $0x1  }
0x80: {  	v3 =	vperm.xlane v3, v2;
	v4 =	vadd.s32 v1, v4;
	_ =	sdelay $0x1  }
0x81: {  	v3 =	vadd.s32 v1, v3;
	_ =	sdelay $0x1  }
0x82: {  	s6 =	rddreg [dreg:$0x8]  }
0x83: {  	[tilespmem:s6], [sflag:$0x2] =	stream.indirect_vreg.gather [hbm4b:s4+s3], $0x80, v4, vm0, $0xb8;
	[tilespmem:$0x13F00] =	vst v63  }
0x84: {  	s9 =	rddreg [dreg:$0x9]  }
0x85: {  	[tilespmem:s9], [sflag:$0x2] =	stream.indirect_vreg.gather [hbm4b:s4+s3], $0x80, v3, vm0, $0xb8;
	[tilespmem:$0x13F00] =	vst v63  }
0x86: {  	v3 =	vld [tilespmem:s8+$0x2810];
	_ =	sdelay $0x4  }
0x87: {  	v63 =	vshll.u32 v3, $0x1  }
0x88: {  	v3 =	vand.u32 $0x7, v3;
	v4 =	vand.u32 $0xFFFFFFF0, v63  }
0x89: {  	v3 =	vor.u32 v3, v4  }
0x8a: {  	v4 =	vperm.xlane v3, v0;
	_ =	sdelay $0x1  }
0x8b: {  	v3 =	vperm.xlane v3, v2;
	v4 =	vadd.s32 v1, v4;
	_ =	sdelay $0x1  }
0x8c: {  	v3 =	vadd.s32 v1, v3;
	_ =	sdelay $0x2  }
0x8d: {  	[tilespmem:s29], [sflag:$0x2] =	stream.indirect_vreg.gather [hbm4b:s4+s3], $0x80, v4, vm0, $0xb8;
	[tilespmem:$0x13F00] =	vst v63  }
0x8e: {  	_ = 	snop  }
0x8f: {  	[tilespmem:s30], [sflag:$0x2] =	stream.indirect_vreg.gather [hbm4b:s4+s3], $0x80, v3, vm0, $0xb8;
	[tilespmem:$0x13F00] =	vst v63  }
0x90: {  	_ =	swait.ge [sflag:s31], $0x2800  }
0x91: {  	[sflag:s31] =	ssyncset.done $0x0  }
0x92: {  	[sflag:s31] =	ssyncadd.s32 $0xFFFFD800  }
0x93: {  	_ =	swait.ge [sflag:s31], $0x5000  }
0x94: {  	[sflag:s31] =	ssyncset.done $0x0  }
0x95: {  	s8 =	sadd.s32 $0xFFFFFB00, s10;
	[sflag:s31] =	ssyncadd.s32 $0xFFFFB000  }
0x96: {  	[hbm4b:s8+s3] =	stream.linear.scatter [tilespmem:s15], [sflag:$0x3], $0x2800, $0x38;
	[tilespmem:$0x13F00] =	vst v63  }
0x97: {  	s9 =	sadd.s32 $0xFFFFF600, s11  }
0x98: {  	[hbm4b:s9+s3] =	stream.linear.scatter [tilespmem:s16], [sflag:$0x3], $0x5000, $0x38;
	[tilespmem:$0x13F00] =	vst v63  }
0x99: {  	_ =	swait.ge [sflag:s0], $0x2800  }
0x9a: {  	[sflag:s0] =	ssyncset.done $0x0  }
0x9b: {  	[sflag:s0] =	ssyncadd.s32 $0xFFFFD800  }
0x9c: {  	_ =	swait.ge [sflag:s0], $0x5000  }
0x9d: {  	[sflag:s0] =	ssyncset.done $0x0  }
0x9e: {  	[sflag:s0] =	ssyncadd.s32 $0xFFFFB000  }
0x9f: {  	[hbm4b:s10+s3] =	stream.linear.scatter [tilespmem:s26], [sflag:$0x3], $0x2800, $0x38;
	[tilespmem:$0x13F00] =	vst v63  }
0xa0: {  	_ = 	snop  }
0xa1: {  	[hbm4b:s11+s3] =	stream.linear.scatter [tilespmem:s28], [sflag:$0x3], $0x5000, $0x38;
	[tilespmem:$0x13F00] =	vst v63  }
0xa2: {  	_ =	swait.ge [sflag:s1], $0x2800  }
0xa3: {  	[sflag:s1] =	ssyncset.done $0x0  }
0xa4: {  	[sflag:s1] =	ssyncadd.s32 $0xFFFFD800  }
0xa5: {  	_ =	swait.ge [sflag:s1], $0x5000  }
0xa6: {  	[sflag:s1] =	ssyncset.done $0x0  }
0xa7: {  	[sflag:s1] =	ssyncadd.s32 $0xFFFFB000  }
0xa8: {  	p0 =	sne.s32 s7, $0x9880;
	_ =	swait.ge [sflag:s1], $0x2800  }
.Ltmp0:
0xa9: {  	[sflag:s1] =	ssyncset.done $0x0;
	(pc) =	sbr.rel @p0 .LBB2_2-.Ltmp0, $4  }
0xaa: {  	[sflag:s1] =	ssyncadd.s32 $0xFFFFD800  }
0xab: {  	_ =	swait.ge [sflag:s1], $0x5000  }
0xac: {  	s7 =	sadd.s32 $0x280, s7;
	[sflag:s1] =	ssyncset.done $0x0  }
0xad: {  	s10 =	sadd.s32 $0xA00, s10;
	s11 =	sadd.s32 $0x1400, s11;
	[sflag:s1] =	ssyncadd.s32 $0xFFFFB000  }
0xae: {  	s6 =	simm.s32 $0x26C0  }
0xaf: {  	[tilespmem:s15], [sflag:$0x1] =	stream.indirect.gather [hbm4b:s2+s14], $0x80, s6, s14, $0xb8;
	[tilespmem:$0x13F00] =	vst v63  }
0xb0: {  	v3 =	vld [tilespmem:$0x4E40];
	_ =	sdelay $0x4  }
0xb1: {  	v4 =	vshll.u32 v3, $0x1  }
0xb2: {  	v3 =	vand.u32 $0x7, v3;
	v4 =	vand.u32 $0xFFFFFFF0, v4  }
0xb3: {  	v3 =	vor.u32 v3, v4  }
0xb4: {  	v4 =	vperm.xlane v3, v0;
	_ =	sdelay $0x1  }
0xb5: {  	v3 =	vperm.xlane v3, v2;
	v4 =	vadd.s32 v1, v4;
	_ =	sdelay $0x1  }
0xb6: {  	v3 =	vadd.s32 v1, v3;
	_ =	sdelay $0x2  }
0xb7: {  	[tilespmem:s16], [sflag:$0x1] =	stream.indirect_vreg.gather [hbm4b:s4+s3], $0x80, v4, vm0, $0xb8;
	[tilespmem:$0x13F00] =	vst v63  }
0xb8: {  	_ = 	snop  }
0xb9: {  	[tilespmem:s17], [sflag:$0x1] =	stream.indirect_vreg.gather [hbm4b:s4+s3], $0x80, v3, vm0, $0xb8;
	[tilespmem:$0x13F00] =	vst v63  }
0xba: {  	v3 =	vld [tilespmem:$0x4E50];
	_ =	sdelay $0x4  }
0xbb: {  	v60 =	vshll.u32 v3, $0x1  }
0xbc: {  	v3 =	vand.u32 $0x7, v3;
	v4 =	vand.u32 $0xFFFFFFF0, v60  }
0xbd: {  	v3 =	vor.u32 v3, v4  }
0xbe: {  	v4 =	vperm.xlane v3, v0;
	_ =	sdelay $0x1  }
0xbf: {  	v3 =	vperm.xlane v3, v2;
	v4 =	vadd.s32 v1, v4;
	_ =	sdelay $0x1  }
0xc0: {  	v3 =	vadd.s32 v1, v3;
	_ =	sdelay $0x2  }
0xc1: {  	[tilespmem:s18], [sflag:$0x1] =	stream.indirect_vreg.gather [hbm4b:s4+s3], $0x80, v4, vm0, $0xb8;
	[tilespmem:$0x13F00] =	vst v63  }
0xc2: {  	_ = 	snop  }
0xc3: {  	[tilespmem:s19], [sflag:$0x1] =	stream.indirect_vreg.gather [hbm4b:s4+s3], $0x80, v3, vm0, $0xb8;
	[tilespmem:$0x13F00] =	vst v63  }
0xc4: {  	v3 =	vld [tilespmem:$0x4E60];
	_ =	sdelay $0x4  }
0xc5: {  	v61 =	vshll.u32 v3, $0x1  }
0xc6: {  	v3 =	vand.u32 $0x7, v3;
	v4 =	vand.u32 $0xFFFFFFF0, v61  }
0xc7: {  	v3 =	vor.u32 v3, v4  }
0xc8: {  	v4 =	vperm.xlane v3, v0;
	_ =	sdelay $0x1  }
0xc9: {  	v3 =	vperm.xlane v3, v2;
	v4 =	vadd.s32 v1, v4;
	_ =	sdelay $0x1  }
0xca: {  	v3 =	vadd.s32 v1, v3;
	_ =	sdelay $0x2  }
0xcb: {  	[tilespmem:s20], [sflag:$0x1] =	stream.indirect_vreg.gather [hbm4b:s4+s3], $0x80, v4, vm0, $0xb8;
	[tilespmem:$0x13F00] =	vst v63  }
0xcc: {  	_ = 	snop  }
0xcd: {  	[tilespmem:s21], [sflag:$0x1] =	stream.indirect_vreg.gather [hbm4b:s4+s3], $0x80, v3, vm0, $0xb8;
	[tilespmem:$0x13F00] =	vst v63  }
0xce: {  	v3 =	vld [tilespmem:$0x4E70];
	_ =	sdelay $0x4  }
0xcf: {  	v62 =	vshll.u32 v3, $0x1  }
0xd0: {  	v3 =	vand.u32 $0x7, v3;
	v4 =	vand.u32 $0xFFFFFFF0, v62  }
0xd1: {  	v3 =	vor.u32 v3, v4  }
0xd2: {  	v4 =	vperm.xlane v3, v0;
	_ =	sdelay $0x1  }
0xd3: {  	v3 =	vperm.xlane v3, v2;
	v4 =	vadd.s32 v1, v4;
	_ =	sdelay $0x1  }
0xd4: {  	v3 =	vadd.s32 v1, v3;
	_ =	sdelay $0x2  }
0xd5: {  	[tilespmem:s22], [sflag:$0x1] =	stream.indirect_vreg.gather [hbm4b:s4+s3], $0x80, v4, vm0, $0xb8;
	[tilespmem:$0x13F00] =	vst v63  }
0xd6: {  	_ = 	snop  }
0xd7: {  	[tilespmem:s23], [sflag:$0x1] =	stream.indirect_vreg.gather [hbm4b:s4+s3], $0x80, v3, vm0, $0xb8;
	[tilespmem:$0x13F00] =	vst v63  }
0xd8: {  	v3 =	vld [tilespmem:$0x4E80];
	_ =	sdelay $0x4  }
0xd9: {  	v63 =	vshll.u32 v3, $0x1  }
0xda: {  	v3 =	vand.u32 $0x7, v3;
	v4 =	vand.u32 $0xFFFFFFF0, v63  }
0xdb: {  	v3 =	vor.u32 v3, v4  }
0xdc: {  	v4 =	vperm.xlane v3, v0;
	_ =	sdelay $0x1  }
0xdd: {  	v3 =	vperm.xlane v3, v2;
	v4 =	vadd.s32 v1, v4;
	_ =	sdelay $0x1  }
0xde: {  	v3 =	vadd.s32 v1, v3;
	_ =	sdelay $0x2  }
0xdf: {  	[tilespmem:s24], [sflag:$0x1] =	stream.indirect_vreg.gather [hbm4b:s4+s3], $0x80, v4, vm0, $0xb8;
	[tilespmem:$0x13F00] =	vst v63  }
0xe0: {  	_ = 	snop  }
0xe1: {  	[tilespmem:s25], [sflag:$0x1] =	stream.indirect_vreg.gather [hbm4b:s4+s3], $0x80, v3, vm0, $0xb8;
	[tilespmem:$0x13F00] =	vst v63  }
0xe2: {  	_ =	swait.ge [sflag:s31], $0x2800  }
0xe3: {  	[sflag:s31] =	ssyncset.done $0x0  }
0xe4: {  	[sflag:s31] =	ssyncadd.s32 $0xFFFFD800  }
0xe5: {  	_ =	swait.ge [sflag:s31], $0x5000  }
0xe6: {  	[sflag:s31] =	ssyncset.done $0x0  }
0xe7: {  	s9 =	rddreg [dreg:$0xc];
	[sflag:s31] =	ssyncadd.s32 $0xFFFFB000  }
0xe8: {  	[hbm4b:s9+s3] =	stream.linear.scatter [tilespmem:s15], [sflag:$0x4], $0x2800, $0x38;
	[tilespmem:$0x13F00] =	vst v63  }
0xe9: {  	_ =	swait.ge [sflag:s12], $0x2800  }
0xea: {  	[sflag:s12] =	ssyncset.done $0x0  }
0xeb: {  	s10 =	rddreg [dreg:$0xd];
	[sflag:s12] =	ssyncadd.s32 $0xFFFFD800  }
0xec: {  	[hbm4b:s10+s3] =	stream.linear.scatter [tilespmem:s16], [sflag:$0x4], $0x5000, $0x38;
	[tilespmem:$0x13F00] =	vst v63  }
0xed: {  	_ =	swait.ge [sflag:s12], $0x5000  }
0xee: {  	s13 =	sadd.s32 $0x1, s13;
	s11 =	rddreg [dreg:$0xe]  }
0xef: {  	p0 =	sne.s32 s13, s11  }
.Ltmp1:
0xf0: {  	_ = 	snop;
	(pc) =	sbr.rel @p0 .LBB2_1-.Ltmp1, $3  }
0xf1: {  	_ =	sdelay $0x1  }
0xf2: {  	[sflag:s12] =	ssyncset.done $0x0  }
0xf3: {  	[sflag:s12] =	ssyncadd.s32 $0xFFFFB000  }
0xf4: {  	_ =	sfence.sel $0x180000  }
0xf5: {  	[bflag:$0x0] =	sbarrier.arrive $0xFFFF  }
0xf6: {  	_ =	strace $0x90000047  }
0xf7: {  	s0 =	stileid.u32;
	[bflag:$0x2] =	sbarrier.arrive $0xFFFF  }
0xf8: {  	p0 =	sne.s32 s0, $0x0;
	s0 =	rddreg [dreg:$0x2]  }
0xf9: {  	s0 =	sadd.s32 @!p0 $0x100000, s0  }
0xfa: {  	[sflag:s0] =	ssyncadd.tile.s32 @!p0 $0x1;
	_ =	shalt  }
.Lfunc_end2:
_tile_overlayer_lowered:
.L_overlay_start_2:
0xfb: {  	(tag) =	ssettag $0x2  }
0xfc: {  	s0 =	rddreg [dreg:$0x0];
	s2 =	stileid.u32  }
0xfd: {  	s1 =	rddreg [dreg:$0x1];
	p0 =	sne.s32 s2, $0x0  }
0xfe: {  	s3 =	rddreg [dreg:$0x2];
	[bflag:$0x3] =	sbarrier.arrive $0xFFFF;
	s2 =	simm.s32 @!p0 $0x1C04  }
0xff: {  	[timem:s3], [sflag:s2] =	dma.local @!p0 [hbm:s0], s1  }
0x100: {  	s0 =	simm.s32 @!p0 $0x4  }
0x101: {  	_ =	swait.ge @!p0 [sflag:s0], s1  }
0x102: {  	s1 =	ssub.s32 @!p0 $0x0, s1;
	[sflag:s0] =	ssyncset.done @!p0 $0x0  }
0x103: {  	[sflag:s0] =	ssyncadd.s32 @!p0 s1  }
0x104: {  	[bflag:$0x3] =	sbarrier.arrive $0xFFFF  }
0x105: {  	_ =	shalt  }

// kernel: kernel.14.cloned.1.call-start
scs
__scs_entry_jumppad:
0x0: {  	(pc) =	sbr.rel $0x88, $3  }
0x1: {  	(tag) =	ssettag $0x0;
	lr =	simm.s32 $0x1  }
0x2: {  	[smem:$0x3F88] =	sst lr;
	_ =	strace $0xD0000000  }
0x3: {  	_ = 	snop  }
0x4: {  	_ = 	snop  }
0x5: {  	_ = 	snop  }
0x6: {  	_ = 	snop  }
0x7: {  	_ = 	snop  }
__scs_overlays_trampoline_lowered:
0x8: {  	[smem:$0x3F97] =	sst s0  }
0x9: {  	[smem:$0x3F98] =	sst s1  }
0xa: {  	[smem:$0x3F99] =	sst s2  }
0xb: {  	[smem:$0x3F9A] =	sst s3  }
0xc: {  	[smem:$0x3F9B] =	sst s4  }
0xd: {  	[smem:$0x3F9C] =	sst s5  }
0xe: {  	[smem:$0x3F9D] =	sst s6  }
0xf: {  	[smem:$0x3F9E] =	sst s7  }
0x10: {  	[smem:$0x3F9F] =	sst s8  }
0x11: {  	[smem:$0x3FA0] =	sst s9;
	s0 =	simm.s32 @!p0 $0x0  }
0x12: {  	s1 =	sld [smem:$0x3F86];
	s0 =	simm.s32 @p0 $0x1  }
0x13: {  	[smem:$0x3FA1] =	sst s0;
	s0 =	simm.s32 @!p1 $0x0  }
0x14: {  	s2 =	sld [smem:$0x3F85];
	s0 =	simm.s32 @p1 $0x1  }
0x15: {  	[smem:$0x3FA2] =	sst s0;
	s0 =	simm.s32 @!p2 $0x0  }
0x16: {  	s3 =	sld [smem:$0x3FDB];
	s0 =	simm.s32 @p2 $0x1  }
0x17: {  	s4 =	simm.s32 $0x1BF5;
	[smem:$0x3FA4] =	sst s0  }
0x18: {  	s0 =	sld [smem:$0x3F87];
	_ =	swait.ge [sflag:s4], $0x0  }
0x19: {  	s7 =	sld [smem:$0x3F88]  }
0x1a: {  	s8 =	sadd.s32 $0xFFFFE003, lr  }
0x1b: {  	s9 =	sadd.s32 $0xFFFFFEF7, lr;
	s5 =	simm.s32 $0xFFFFFFFF;
	p2 =	slt.u32 s8, $0xFFFFF086  }
0x1c: {  	p1 =	slt.u32 s9, $0xF7A;
	s5 =	simm.s32 @!p2 $0x0  }
0x1d: {  	s5 =	simm.s32 @p1 $0x1;
	p0 =	seq.s32 s7, s2  }
0x1e: {  	s7 =	smul.u32 @!p0 $0xF7A, s2;
	p2 =	seq.s32 @!p0 s5, $0x0  }
0x1f: {  	s9 =	smul.u32 $0xF7A, s1;
	s8 =	simm.s32 @!p0 $0x1BF5;
	p2 =	por !p2, p0  }
0x20: {  	[sflag:s8] =	ssyncset.s32 @!p0 $0xFFFFF086;
	s6 =	sadd.s32 @!p0 s3, s7;
	s7 =	simm.s32 @!p0 $0x108  }
0x21: {  	s3 =	sadd.s32 s3, s9;
	s6 =	sadd.s32 @!p0 $0x88, s6;
	s7 =	simm.s32 @p2 $0x1082  }
0x22: {  	[simem:s7], [sflag:s8] =	dma.local @!p0 [hbm:s6], $0xF7A  }
0x23: {  	s9 =	sor.u32 $0xD0000000, s2;
	s6 =	simm.s32 $0x108;
	_ =	swait.ge @!p0 [sflag:s8], $0x0  }
0x24: {  	s3 =	sadd.s32 $0x88, s3;
	s6 =	simm.s32 @!p1 $0x1082;
	[sflag:s4] =	ssyncset.s32 $0xFFFFF086  }
0x25: {  	[simem:s6], [sflag:s4] =	dma.local [hbm:s3], $0xF7A  }
0x26: {  	[smem:$0x3F88] =	sst s1;
	(tag) =	ssettag s2;
	_ =	strace s9  }
0x27: {  	s1 =	sld [smem:$0x3F98]  }
0x28: {  	s2 =	sld [smem:$0x3F99]  }
0x29: {  	s4 =	sld [smem:$0x3F9B]  }
0x2a: {  	p0 =	seq.s32 s5, $0x0;
	s5 =	sld [smem:$0x3F9C]  }
0x2b: {  	s6 =	sld [smem:$0x3F9D]  }
0x2c: {  	s7 =	sld [smem:$0x3F9E]  }
0x2d: {  	s3 =	simm.s32 $0x108;
	s8 =	sld [smem:$0x3F9F]  }
0x2e: {  	s3 =	simm.s32 @!p0 $0x1082;
	s9 =	sld [smem:$0x3FA0]  }
0x2f: {  	lr =	sadd.s32 s0, s3;
	s0 =	sld [smem:$0x3F97]  }
0x30: {  	s3 =	sld [smem:$0x3F9A]  }
0x31: {  	[smem:$0x3FA3] =	sst s10  }
0x32: {  	s10 =	sld [smem:$0x3FA1];
	_ =	sdelay $0x3  }
0x33: {  	p0 =	seq.s32 s10, $0x1;
	s10 =	sld [smem:$0x3FA3];
	_ =	sdelay $0x3  }
0x34: {  	[smem:$0x3FA3] =	sst s10  }
0x35: {  	s10 =	sld [smem:$0x3FA2];
	_ =	sdelay $0x3  }
0x36: {  	p1 =	seq.s32 s10, $0x1;
	s10 =	sld [smem:$0x3FA3];
	_ =	sdelay $0x3  }
0x37: {  	[smem:$0x3FA3] =	sst s10  }
0x38: {  	s10 =	sld [smem:$0x3FA4]  }
0x39: {  	_ = 	snop;
	(pc) =	sbr.ind lr, $3  }
0x3a: {  	_ = 	snop  }
0x3b: {  	_ = 	snop  }
0x3c: {  	p2 =	seq.s32 s10, $0x1;
	s10 =	sld [smem:$0x3FA3]  }
0x3d: {  	_ =	shalt  }
0x3e: {  	_ =	shalt  }
0x3f: {  	_ =	shalt  }
0x40: {  	_ =	shalt  }
0x41: {  	_ =	shalt  }
0x42: {  	_ =	shalt  }
0x43: {  	_ =	shalt  }
0x44: {  	_ =	shalt  }
0x45: {  	_ =	shalt  }
0x46: {  	_ =	shalt  }
0x47: {  	_ =	shalt  }
0x48: {  	_ =	shalt  }
0x49: {  	_ =	shalt  }
0x4a: {  	_ =	shalt  }
0x4b: {  	_ =	shalt  }
0x4c: {  	_ =	shalt  }
0x4d: {  	_ =	shalt  }
0x4e: {  	_ =	shalt  }
0x4f: {  	_ =	shalt  }
0x50: {  	_ =	shalt  }
0x51: {  	_ =	shalt  }
0x52: {  	_ =	shalt  }
0x53: {  	_ =	shalt  }
0x54: {  	_ =	shalt  }
0x55: {  	_ =	shalt  }
0x56: {  	_ =	shalt  }
0x57: {  	_ =	shalt  }
0x58: {  	_ =	shalt  }
0x59: {  	_ =	shalt  }
0x5a: {  	_ =	shalt  }
0x5b: {  	_ =	shalt  }
0x5c: {  	_ =	shalt  }
0x5d: {  	_ =	shalt  }
0x5e: {  	_ =	shalt  }
0x5f: {  	_ =	shalt  }
0x60: {  	_ =	shalt  }
0x61: {  	_ =	shalt  }
0x62: {  	_ =	shalt  }
0x63: {  	_ =	shalt  }
0x64: {  	_ =	shalt  }
0x65: {  	_ =	shalt  }
0x66: {  	_ =	shalt  }
0x67: {  	_ =	shalt  }
0x68: {  	_ =	shalt  }
0x69: {  	_ =	shalt  }
0x6a: {  	_ =	shalt  }
0x6b: {  	_ =	shalt  }
0x6c: {  	_ =	shalt  }
0x6d: {  	_ =	shalt  }
0x6e: {  	_ =	shalt  }
0x6f: {  	_ =	shalt  }
0x70: {  	_ =	shalt  }
0x71: {  	_ =	shalt  }
0x72: {  	_ =	shalt  }
0x73: {  	_ =	shalt  }
0x74: {  	_ =	shalt  }
0x75: {  	_ =	shalt  }
0x76: {  	_ =	shalt  }
0x77: {  	_ =	shalt  }
0x78: {  	_ =	shalt  }
0x79: {  	_ =	shalt  }
0x7a: {  	_ =	shalt  }
0x7b: {  	_ =	shalt  }
0x7c: {  	_ =	shalt  }
0x7d: {  	_ =	shalt  }
0x7e: {  	_ =	shalt  }
0x7f: {  	_ =	shalt  }
0x80: {  	_ =	shalt  }
0x81: {  	_ =	shalt  }
0x82: {  	_ =	shalt  }
0x83: {  	_ =	shalt  }
0x84: {  	_ =	shalt  }
0x85: {  	_ =	shalt  }
0x86: {  	_ =	shalt  }
0x87: {  	_ =	shalt  }
.Lfunc_end0:
.L_simem_size_0:
called_computation.1_lowered:
.L_overlay_start_0:
0x88: {  	s2 =	sld [smem:$0x3FD9]  }
0x89: {  	s3 =	sld [smem:$0x3FFE];
	_ =	sdelay $0x1  }
0x8a: {  	s1 =	srdreg.scid  }
0x8b: {  	s0 =	sand.u32 $0x1, s1  }
0x8c: {  	s17 =	sshll.u32 s0, $0xA;
	s2 =	sadd.s32 s3, s2  }
0x8d: {  	s2 =	sadd.s32 s2, s17  }
0x8e: {  	[smem:$0x3FAF] =	sst s2  }
0x8f: {  	_ = 	snop  }
0x90: {  	(tm) =	ssettm $0x1  }
0x91: {  	s18 =	sld [smem:$0x3FFB];
	_ =	sdelay $0x3  }
0x92: {  	_ =	strace s18  }
0x93: {  	s2 =	sld [smem:$0x3FFC];
	_ =	sdelay $0x3  }
0x94: {  	_ =	strace s2  }
0x95: {  	s2 =	sld [smem:$0x3FFD];
	_ =	sdelay $0x3  }
0x96: {  	_ =	strace s2  }
0x97: {  	_ =	strace $0x8FFFFFFF  }
0x98: {  	s19 =	sld [smem:$0x3FDB];
	_ =	sdelay $0x1  }
0x99: {  	s20 =	simm.s32 $_scs_section_size  }
0x9a: {  	s4 =	simm.s32 $_size__tile_overlayer_lowered;
	s5 =	simm.s32 $_tile_overlayer_lowered  }
0x9b: {  	s6 =	simm.s32 $0x1BFF;
	s21 =	sshll.u32 s5, $0x1;
	s3 =	sadd.s32 s20, s19  }
0x9c: {  	s22 =	simm.s32 $0x0;
	s4 =	sshll.u32 s4, $0x1;
	s5 =	sadd.s32 s21, s3  }
0x9d: {  	[timem:s22], [sflag:s6] =	dma.local [hbm:s5], s4  }
0x9e: {  	_ =	swait.ge [sflag:s6], s4  }
0x9f: {  	s4 =	ssub.s32 $0x0, s4;
	[sflag:s6] =	ssyncset.done $0x0  }
0xa0: {  	[sflag:s6] =	ssyncadd.s32 s4;
	_ =	sdelay $0x1  }
0xa1: {  	s23 =	simm.s32 $0x1B8B  }
0xa2: {  	_ =	swait.ge [sflag:s23], $0x1  }
0xa3: {  	[sflag:s23] =	ssyncset.done $0x0  }
0xa4: {  	[sflag:s23] =	ssyncadd.s32 $0xFFFFFFFF  }
0xa5: {  	s4 =	sld [smem:$0x0]  }
0xa6: {  	s5 =	sand.u32 $0xFFFFFFFE, s1  }
0xa7: {  	p0 =	sne.s32 s1, s5  }
0xa8: {  	s5 =	sshll.u32 @p0 s5, $0xE  }
0xa9: {  	s5 =	sadd.s32 @p0 $0x11B8D, s5;
	s6 =	sshll.u32 @p0 s4, $0x11  }
0xaa: {  	s5 =	sor.u32 @p0 s6, s5  }
0xab: {  	[sflag:s5] =	ssyncadd.remote.s32 @p0 $0x1;
	_ =	sdelay $0x1  }
0xac: {  	s5 =	simm.s32 @p0 $0x1B8D  }
0xad: {  	_ =	swait.eq @p0 [sflag:s5], $0x1  }
0xae: {  	[sflag:s5] =	ssyncadd.s32 @p0 $0xFFFFFFFF  }
0xaf: {  	s6 =	sshll.u32 @!p0 s1, $0xE  }
0xb0: {  	s6 =	sor.u32 @!p0 $0x4000, s6;
	s5 =	simm.s32 @!p0 $0x1B8D  }
0xb1: {  	s4 =	sshll.u32 @!p0 s4, $0x11;
	s6 =	sadd.s32 @!p0 $0x11B8D, s6;
	_ =	swait.eq @!p0 [sflag:s5], $0x1  }
0xb2: {  	s4 =	sor.u32 @!p0 s4, s6;
	[sflag:s5] =	ssyncadd.s32 @!p0 $0xFFFFFFFF  }
0xb3: {  	s25 =	simm.s32 $0x1B8E;
	s24 =	sld [smem:$0x3FFE];
	[sflag:s4] =	ssyncadd.remote.s32 @!p0 $0x1  }
0xb4: {  	s26 =	simm.s32 $execute0_lowered;
	[smem:$0x3FD2] =	sst s25  }
0xb5: {  	s5 =	sshll.u32 s26, $0x1;
	_ =	strace $0x8000004C;
	[dreg:$0x1] =	wrdreg $0xFFFFFFFF  }
0xb6: {  	s28 =	simm.s32 $_size_execute0_lowered;
	s3 =	sadd.s32 s3, s5;
	[dreg:$0x0] =	wrdreg $0x0  }
0xb7: {  	s5 =	sshll.u32 s28, $0x1;
	[dreg:$0x2] =	wrdreg s3  }
0xb8: {  	[dreg:$0x3] =	wrdreg s5  }
0xb9: {  	[dreg:$0x4] =	wrdreg $0xC0  }
0xba: {  	_ =	task [dreg:s22], $0x5FFFF  }
0xbb: {  	[dreg:$0x1] =	wrdreg $0xFFFFFFFF  }
0xbc: {  	[dreg:$0x0] =	wrdreg $0x60  }
0xbd: {  	[dreg:$0x2] =	wrdreg s24  }
0xbe: {  	[dreg:$0x3] =	wrdreg $0x0  }
0xbf: {  	[dreg:$0x4] =	wrdreg $0x9  }
0xc0: {  	_ =	task.clear_ibuf [dreg:s22], $0x5FFFF;
	_ =	strace $0x9000004C  }
0xc1: {  	s29 =	simm.s32 $0x9;
	_ =	strace $0x8000004E  }
0xc2: {  	_ =	swait.ge [sflag:s29], $0x1  }
0xc3: {  	[sflag:s29] =	ssyncadd.s32 $0xFFFFFFFF  }
0xc4: {  	_ =	strace $0x9000004E  }
0xc5: {  	_ =	sfence  }
0xc6: {  	s30 =	sld [smem:$0x0];
	_ =	sdelay $0x2  }
0xc7: {  	s31 =	sshll.u32 s1, $0xD;
	s1 =	sshrl.u32 s1, $0x2  }
0xc8: {  	s4 =	sand.u32 $0x4000, s31;
	s1 =	sadd.s32 s1, s30  }
0xc9: {  	s0 =	sor.u32 s4, s0;
	s1 =	sshll.u32 s1, $0x11  }
0xca: {  	s0 =	sor.u32 s1, s0  }
0xcb: {  	s0 =	sadd.s32 $0x8F2B, s0  }
0xcc: {  	[sflag:s0] =	ssyncadd.remote.s32 $0x1  }
0xcd: {  	_ =	sfence.sel $0xFFFF  }
0xce: {  	[dreg:$0x0] =	wrdreg $0xFFFFFFFF;
	(pc) =	sbr.abs _section_cstart, $3  }
0xcf: {  	[dreg:$0x1] =	wrdreg $0xFFFFFFFF  }
0xd0: {  	_ =	task.clear_ibuf [dreg:s22], $0x2FFFF;
	_ =	strace $0x9FFFFFFF  }
0xd1: {  	(tm) =	ssettm $0x7FFFFFFF  }
tec
execute0_lowered:
.L_overlay_start_1:
0x0: {  	(tag) =	ssettag $0x1  }
0x1: {  	s0 =	srdreg.scid;
	s5 =	rddreg [dreg:$0x0]  }
0x2: {  	s2 =	rddreg [dreg:$0x1];
	s4 =	sand.u32 $0x1, s0  }
0x3: {  	s1 =	rddreg [dreg:$0x2];
	s3 =	simm.s32 $0x0;
	s6 =	smul.u32 $0x271000, s4  }
0x4: {  	s13 =	simm.s32 $0x16880;
	s0 =	stileid.u32;
	s7 =	smul.u32 $0x27100, s4  }
0x5: {  	s14 =	simm.s32 $0x1;
	s15 =	simm.s32 $0x14000;
	s8 =	smul.u32 $0x2710, s0  }
0x6: {  	s16 =	simm.s32 $0x14080;
	s17 =	simm.s32 $0x50;
	s9 =	smul.u32 $0x140000, s4  }
0x7: {  	s20 =	simm.s32 $0x0;
	[smem:$0x7FF] =	sst s3;
	s10 =	smul.u32 $0x14000, s0  }
0x8: {  	_ =	strace $0x8000004D;
	s26 =	smul.u32 $0x50000, s0;
	s4 =	ssub.s32 $0x2, s4  }
0x9: {  	s31 =	smul.u32 $0x27100, s0;
	s18 =	sshll.u32 s0, $0x6;
	s29 =	sshrl.u32 s4, $0x1  }
0xa: {  	s18 =	sor.u32 $0x1C01, s18;
	s11 =	sadd.s32 s6, s5;
	s24 =	sadd.s32 s8, s7  }
0xb: {  	s25 =	sadd.s32 s10, s9;
	s30 =	sshrl.u32 s26, $0x2;
	s6 =	sshrl.u32 s24, $0x3  }
0xc: {  	s28 =	sshrl.u32 s25, $0x3;
	s11 =	sadd.s32 s31, s11;
	s12 =	sadd.s32 s6, s5  }
0xd: {  	s5 =	sadd.s32 s28, s5;
	s6 =	ssub.s32 s4, s29;
	s4 =	sadd.s32 s30, s2  }
0xe: {  	s11 =	sadd.s32 $0x2296200, s11;
	s5 =	sadd.s32 $0x148C600, s5;
	s6 =	smax.u32 s6, $0x1  }
0xf: {  	s7 =	sadd.s32 $0x4000, s4;
	s8 =	sadd.s32 $0x8000, s4;
	s9 =	sadd.s32 $0xC000, s4  }
0x10: {  	v0 =	vimm.f32 $0.0e+00;
	s10 =	sadd.s32 $0x10000, s4;
	s12 =	sadd.s32 $0x10200, s12;
	s19 =	sshrl.u32 s4, $0x3  }
.LBB2_1:
0x11: {  	s21 =	sand.u32 $0xFE00, s3  }
0x12: {  	s22 =	sand.u32 $0x70, s3;
	s23 =	sshrl.u32 s21, $0x2  }
0x13: {  	s21 =	simm.s32 $0x40;
	s23 =	sor.u32 s22, s23;
	s22 =	simm.s32 $0x0  }
.LBB2_2:
0x14: {  	p0 =	sne.s32 s21, $0xFFC0  }
0x15: {  	[tilespmem:s23+$0x16880] =	vst v0;
	s22 =	sadd.s32 $0x10, s22;
	s23 =	smov.u32 s21;
	s21 =	sadd.s32 $0x40, s21  }
.Ltmp0:
0x16: {  	(pc) =	sbr.rel @p0 .LBB2_2-.Ltmp0, $4  }
0x17: {  	_ = 	snop  }
0x18: {  	s23 =	sand.u32 $0xFE00, s23  }
0x19: {  	s24 =	sand.u32 $0x70, s22;
	s23 =	sshrl.u32 s23, $0x2  }
0x1a: {  	s23 =	sor.u32 s24, s23  }
0x1b: {  	[tilespmem:s23+$0x16880] =	vst v0  }
0x1c: {  	[spmem:s4] =	stream.linear.scatter [tilespmem:s13], [sflag:$0x1], $0x4000, $0x38;
	[tilespmem:$0x1A880] =	vst v63  }
0x1d: {  	_ =	swait.ge [sflag:s14], $0x4000  }
0x1e: {  	[sflag:s14] =	ssyncset.done $0x0  }
0x1f: {  	[sflag:s14] =	ssyncadd.s32 $0xFFFFC000  }
0x20: {  	[spmem:s7] =	stream.linear.scatter [tilespmem:s13], [sflag:$0x1], $0x4000, $0x38;
	[tilespmem:$0x1A880] =	vst v63  }
0x21: {  	_ =	swait.ge [sflag:s14], $0x4000  }
0x22: {  	[sflag:s14] =	ssyncset.done $0x0  }
0x23: {  	[sflag:s14] =	ssyncadd.s32 $0xFFFFC000  }
0x24: {  	[spmem:s8] =	stream.linear.scatter [tilespmem:s13], [sflag:$0x1], $0x4000, $0x38;
	[tilespmem:$0x1A880] =	vst v63  }
0x25: {  	_ =	swait.ge [sflag:s14], $0x4000  }
0x26: {  	[sflag:s14] =	ssyncset.done $0x0  }
0x27: {  	[sflag:s14] =	ssyncadd.s32 $0xFFFFC000  }
0x28: {  	[spmem:s9] =	stream.linear.scatter [tilespmem:s13], [sflag:$0x1], $0x4000, $0x38;
	[tilespmem:$0x1A880] =	vst v63  }
0x29: {  	_ =	swait.ge [sflag:s14], $0x4000  }
0x2a: {  	[sflag:s14] =	ssyncset.done $0x0  }
0x2b: {  	[sflag:s14] =	ssyncadd.s32 $0xFFFFC000  }
0x2c: {  	[spmem:s10] =	stream.linear.scatter [tilespmem:s13], [sflag:$0x1], $0x4000, $0x38;
	[tilespmem:$0x1A880] =	vst v63  }
0x2d: {  	_ =	swait.ge [sflag:s14], $0x4000  }
0x2e: {  	[sflag:s14] =	ssyncset.done $0x0  }
0x2f: {  	[sflag:s14] =	ssyncadd.s32 $0xFFFFC000  }
0x30: {  	s21 =	sadd.s32 $0x0, s12;
	[bflag:$0x0] =	sbarrier.arrive $0xFFFF  }
0x31: {  	[tilespmem:s15], [sflag:$0x1] =	stream.linear.gather [hbm4b:s21+s3], $0x50, $0x38;
	[tilespmem:$0x1A880] =	vst v63  }
0x32: {  	_ =	swait.ge [sflag:s14], $0x50  }
0x33: {  	[sflag:s14] =	ssyncset.done $0x0  }
0x34: {  	[sflag:s14] =	ssyncadd.s32 $0xFFFFFFB0  }
0x35: {  	[tilespmem:s16], [sflag:$0x1] =	stream.linear.gather [hbm4b:s11+s3], $0x2800, $0x38;
	[tilespmem:$0x1A880] =	vst v63  }
0x36: {  	_ =	swait.ge [sflag:s14], $0x2800  }
0x37: {  	[sflag:s14] =	ssyncset.done $0x0  }
0x38: {  	[sflag:s14] =	ssyncadd.s32 $0xFFFFD800  }
0x39: {  	[spmem:s2] =	stream.indirect.scatter.add.f32 [tilespmem:s16], [sflag:$0x1], $0x80, s15, s17, $0xb8;
	[tilespmem:$0x1A880] =	vst v63  }
0x3a: {  	s22 =	simm.s32 $0xA;
	_ =	swait.ge [sflag:s14], $0x2800  }
0x3b: {  	s23 =	simm.s32 $0x14;
	s21 =	sadd.s32 $0x500, s11;
	[sflag:s14] =	ssyncset.done $0x0  }
.LBB2_4:
0x3c: {  	s24 =	sadd.s32 s22, s12  }
0x3d: {  	[sflag:s14] =	ssyncadd.s32 $0xFFFFD800;
	s22 =	smov.u32 s23;
	s25 =	sadd.s32 $0xA, s23  }
0x3e: {  	[tilespmem:s15], [sflag:$0x1] =	stream.linear.gather [hbm4b:s24+s3], $0x50, $0x38;
	[tilespmem:$0x1A880] =	vst v63  }
0x3f: {  	p0 =	sne.s32 s23, $0x4D8;
	_ =	swait.ge [sflag:s14], $0x50  }
0x40: {  	[sflag:s14] =	ssyncset.done $0x0  }
0x41: {  	[sflag:s14] =	ssyncadd.s32 $0xFFFFFFB0  }
0x42: {  	[tilespmem:s16], [sflag:$0x1] =	stream.linear.gather [hbm4b:s21+s3], $0x2800, $0x38;
	[tilespmem:$0x1A880] =	vst v63  }
0x43: {  	_ =	swait.ge [sflag:s14], $0x2800  }
.Ltmp1:
0x44: {  	[sflag:s14] =	ssyncset.done $0x0;
	(pc) =	sbr.rel @p0 .LBB2_4-.Ltmp1, $4  }
0x45: {  	[sflag:s14] =	ssyncadd.s32 $0xFFFFD800  }
0x46: {  	[spmem:s2] =	stream.indirect.scatter.add.f32 [tilespmem:s16], [sflag:$0x1], $0x80, s15, s17, $0xb8;
	[tilespmem:$0x1A880] =	vst v63  }
0x47: {  	_ =	swait.ge [sflag:s14], $0x2800  }
0x48: {  	s23 =	smov.u32 s25;
	s21 =	sadd.s32 $0x500, s21;
	[sflag:s14] =	ssyncset.done $0x0  }
0x49: {  	s22 =	sadd.s32 s22, s12;
	[sflag:s14] =	ssyncadd.s32 $0xFFFFD800  }
0x4a: {  	[tilespmem:s15], [sflag:$0x1] =	stream.linear.gather [hbm4b:s22+s3], $0x50, $0x38;
	[tilespmem:$0x1A880] =	vst v63  }
0x4b: {  	_ =	swait.ge [sflag:s14], $0x50  }
0x4c: {  	[sflag:s14] =	ssyncset.done $0x0  }
0x4d: {  	[sflag:s14] =	ssyncadd.s32 $0xFFFFFFB0  }
0x4e: {  	[tilespmem:s16], [sflag:$0x1] =	stream.linear.gather [hbm4b:s21+s3], $0x2800, $0x38;
	[tilespmem:$0x1A880] =	vst v63  }
0x4f: {  	_ =	swait.ge [sflag:s14], $0x2800  }
0x50: {  	[sflag:s14] =	ssyncset.done $0x0  }
0x51: {  	[sflag:s14] =	ssyncadd.s32 $0xFFFFD800  }
0x52: {  	[spmem:s2] =	stream.indirect.scatter.add.f32 [tilespmem:s16], [sflag:$0x1], $0x80, s15, s17, $0xb8;
	[tilespmem:$0x1A880] =	vst v63  }
0x53: {  	_ =	swait.ge [sflag:s14], $0x2800  }
0x54: {  	s20 =	sadd.s32 $0x1, s20;
	[sflag:s14] =	ssyncset.done $0x0  }
0x55: {  	p0 =	sne.s32 s20, s6;
	[sflag:s14] =	ssyncadd.s32 $0xFFFFD800  }
.Ltmp2:
0x56: {  	[bflag:$0x0] =	sbarrier.arrive $0xFFFF;
	(pc) =	sbr.rel @p0 .LBB2_1-.Ltmp2, $4  }
0x57: {  	[hbm:s5], [sflag:s18] =	dma.local [spmem:s19], $0x2800  }
0x58: {  	_ =	swait.ge [sflag:s14], $0x2800  }
0x59: {  	[sflag:s14] =	ssyncset.done $0x0  }
0x5a: {  	[sflag:s14] =	ssyncadd.s32 $0xFFFFD800  }
0x5b: {  	_ =	sfence.sel $0x180000  }
0x5c: {  	[bflag:$0x0] =	sbarrier.arrive $0xFFFF  }
0x5d: {  	p0 =	sne.s32 s0, $0x0;
	_ =	strace $0x9000004D  }
0x5e: {  	s0 =	sadd.s32 @!p0 $0x100000, s1;
	[bflag:$0x2] =	sbarrier.arrive $0xFFFF  }
0x5f: {  	[sflag:s0] =	ssyncadd.tile.s32 @!p0 $0x1;
	_ =	shalt  }
.Lfunc_end2:
_tile_overlayer_lowered:
.L_overlay_start_2:
0x60: {  	(tag) =	ssettag $0x2  }
0x61: {  	s0 =	rddreg [dreg:$0x0];
	s2 =	stileid.u32  }
0x62: {  	s1 =	rddreg [dreg:$0x1];
	p0 =	sne.s32 s2, $0x0  }
0x63: {  	s3 =	rddreg [dreg:$0x2];
	[bflag:$0x3] =	sbarrier.arrive $0xFFFF;
	s2 =	simm.s32 @!p0 $0x1C01  }
0x64: {  	[timem:s3], [sflag:s2] =	dma.local @!p0 [hbm:s0], s1  }
0x65: {  	s0 =	simm.s32 @!p0 $0x1  }
0x66: {  	_ =	swait.ge @!p0 [sflag:s0], s1  }
0x67: {  	s1 =	ssub.s32 @!p0 $0x0, s1;
	[sflag:s0] =	ssyncset.done @!p0 $0x0  }
0x68: {  	[sflag:s0] =	ssyncadd.s32 @!p0 s1  }
0x69: {  	[bflag:$0x3] =	sbarrier.arrive $0xFFFF  }
0x6a: {  	_ =	shalt  }

// kernel: kernel.17.cloned.1.call-start
scs
__scs_entry_jumppad:
0x0: {  	(pc) =	sbr.rel $0x88, $3  }
0x1: {  	(tag) =	ssettag $0x0;
	lr =	simm.s32 $0x1  }
0x2: {  	[smem:$0x3F88] =	sst lr;
	_ =	strace $0xD0000000  }
0x3: {  	_ = 	snop  }
0x4: {  	_ = 	snop  }
0x5: {  	_ = 	snop  }
0x6: {  	_ = 	snop  }
0x7: {  	_ = 	snop  }
__scs_overlays_trampoline_lowered:
0x8: {  	[smem:$0x3F97] =	sst s0  }
0x9: {  	[smem:$0x3F98] =	sst s1  }
0xa: {  	[smem:$0x3F99] =	sst s2  }
0xb: {  	[smem:$0x3F9A] =	sst s3  }
0xc: {  	[smem:$0x3F9B] =	sst s4  }
0xd: {  	[smem:$0x3F9C] =	sst s5  }
0xe: {  	[smem:$0x3F9D] =	sst s6  }
0xf: {  	[smem:$0x3F9E] =	sst s7  }
0x10: {  	[smem:$0x3F9F] =	sst s8  }
0x11: {  	[smem:$0x3FA0] =	sst s9;
	s0 =	simm.s32 @!p0 $0x0  }
0x12: {  	s1 =	sld [smem:$0x3F86];
	s0 =	simm.s32 @p0 $0x1  }
0x13: {  	[smem:$0x3FA1] =	sst s0;
	s0 =	simm.s32 @!p1 $0x0  }
0x14: {  	s2 =	sld [smem:$0x3F85];
	s0 =	simm.s32 @p1 $0x1  }
0x15: {  	[smem:$0x3FA2] =	sst s0;
	s0 =	simm.s32 @!p2 $0x0  }
0x16: {  	s3 =	sld [smem:$0x3FDB];
	s0 =	simm.s32 @p2 $0x1  }
0x17: {  	s4 =	simm.s32 $0x1BF5;
	[smem:$0x3FA4] =	sst s0  }
0x18: {  	s0 =	sld [smem:$0x3F87];
	_ =	swait.ge [sflag:s4], $0x0  }
0x19: {  	s7 =	sld [smem:$0x3F88]  }
0x1a: {  	s8 =	sadd.s32 $0xFFFFE003, lr  }
0x1b: {  	s9 =	sadd.s32 $0xFFFFFEF7, lr;
	s5 =	simm.s32 $0xFFFFFFFF;
	p2 =	slt.u32 s8, $0xFFFFF086  }
0x1c: {  	p1 =	slt.u32 s9, $0xF7A;
	s5 =	simm.s32 @!p2 $0x0  }
0x1d: {  	s5 =	simm.s32 @p1 $0x1;
	p0 =	seq.s32 s7, s2  }
0x1e: {  	s7 =	smul.u32 @!p0 $0xF7A, s2;
	p2 =	seq.s32 @!p0 s5, $0x0  }
0x1f: {  	s9 =	smul.u32 $0xF7A, s1;
	s8 =	simm.s32 @!p0 $0x1BF5;
	p2 =	por !p2, p0  }
0x20: {  	[sflag:s8] =	ssyncset.s32 @!p0 $0xFFFFF086;
	s6 =	sadd.s32 @!p0 s3, s7;
	s7 =	simm.s32 @!p0 $0x108  }
0x21: {  	s3 =	sadd.s32 s3, s9;
	s6 =	sadd.s32 @!p0 $0x88, s6;
	s7 =	simm.s32 @p2 $0x1082  }
0x22: {  	[simem:s7], [sflag:s8] =	dma.local @!p0 [hbm:s6], $0xF7A  }
0x23: {  	s9 =	sor.u32 $0xD0000000, s2;
	s6 =	simm.s32 $0x108;
	_ =	swait.ge @!p0 [sflag:s8], $0x0  }
0x24: {  	s3 =	sadd.s32 $0x88, s3;
	s6 =	simm.s32 @!p1 $0x1082;
	[sflag:s4] =	ssyncset.s32 $0xFFFFF086  }
0x25: {  	[simem:s6], [sflag:s4] =	dma.local [hbm:s3], $0xF7A  }
0x26: {  	[smem:$0x3F88] =	sst s1;
	(tag) =	ssettag s2;
	_ =	strace s9  }
0x27: {  	s1 =	sld [smem:$0x3F98]  }
0x28: {  	s2 =	sld [smem:$0x3F99]  }
0x29: {  	s4 =	sld [smem:$0x3F9B]  }
0x2a: {  	p0 =	seq.s32 s5, $0x0;
	s5 =	sld [smem:$0x3F9C]  }
0x2b: {  	s6 =	sld [smem:$0x3F9D]  }
0x2c: {  	s7 =	sld [smem:$0x3F9E]  }
0x2d: {  	s3 =	simm.s32 $0x108;
	s8 =	sld [smem:$0x3F9F]  }
0x2e: {  	s3 =	simm.s32 @!p0 $0x1082;
	s9 =	sld [smem:$0x3FA0]  }
0x2f: {  	lr =	sadd.s32 s0, s3;
	s0 =	sld [smem:$0x3F97]  }
0x30: {  	s3 =	sld [smem:$0x3F9A]  }
0x31: {  	[smem:$0x3FA3] =	sst s10  }
0x32: {  	s10 =	sld [smem:$0x3FA1];
	_ =	sdelay $0x3  }
0x33: {  	p0 =	seq.s32 s10, $0x1;
	s10 =	sld [smem:$0x3FA3];
	_ =	sdelay $0x3  }
0x34: {  	[smem:$0x3FA3] =	sst s10  }
0x35: {  	s10 =	sld [smem:$0x3FA2];
	_ =	sdelay $0x3  }
0x36: {  	p1 =	seq.s32 s10, $0x1;
	s10 =	sld [smem:$0x3FA3];
	_ =	sdelay $0x3  }
0x37: {  	[smem:$0x3FA3] =	sst s10  }
0x38: {  	s10 =	sld [smem:$0x3FA4]  }
0x39: {  	_ = 	snop;
	(pc) =	sbr.ind lr, $3  }
0x3a: {  	_ = 	snop  }
0x3b: {  	_ = 	snop  }
0x3c: {  	p2 =	seq.s32 s10, $0x1;
	s10 =	sld [smem:$0x3FA3]  }
0x3d: {  	_ =	shalt  }
0x3e: {  	_ =	shalt  }
0x3f: {  	_ =	shalt  }
0x40: {  	_ =	shalt  }
0x41: {  	_ =	shalt  }
0x42: {  	_ =	shalt  }
0x43: {  	_ =	shalt  }
0x44: {  	_ =	shalt  }
0x45: {  	_ =	shalt  }
0x46: {  	_ =	shalt  }
0x47: {  	_ =	shalt  }
0x48: {  	_ =	shalt  }
0x49: {  	_ =	shalt  }
0x4a: {  	_ =	shalt  }
0x4b: {  	_ =	shalt  }
0x4c: {  	_ =	shalt  }
0x4d: {  	_ =	shalt  }
0x4e: {  	_ =	shalt  }
0x4f: {  	_ =	shalt  }
0x50: {  	_ =	shalt  }
0x51: {  	_ =	shalt  }
0x52: {  	_ =	shalt  }
0x53: {  	_ =	shalt  }
0x54: {  	_ =	shalt  }
0x55: {  	_ =	shalt  }
0x56: {  	_ =	shalt  }
0x57: {  	_ =	shalt  }
0x58: {  	_ =	shalt  }
0x59: {  	_ =	shalt  }
0x5a: {  	_ =	shalt  }
0x5b: {  	_ =	shalt  }
0x5c: {  	_ =	shalt  }
0x5d: {  	_ =	shalt  }
0x5e: {  	_ =	shalt  }
0x5f: {  	_ =	shalt  }
0x60: {  	_ =	shalt  }
0x61: {  	_ =	shalt  }
0x62: {  	_ =	shalt  }
0x63: {  	_ =	shalt  }
0x64: {  	_ =	shalt  }
0x65: {  	_ =	shalt  }
0x66: {  	_ =	shalt  }
0x67: {  	_ =	shalt  }
0x68: {  	_ =	shalt  }
0x69: {  	_ =	shalt  }
0x6a: {  	_ =	shalt  }
0x6b: {  	_ =	shalt  }
0x6c: {  	_ =	shalt  }
0x6d: {  	_ =	shalt  }
0x6e: {  	_ =	shalt  }
0x6f: {  	_ =	shalt  }
0x70: {  	_ =	shalt  }
0x71: {  	_ =	shalt  }
0x72: {  	_ =	shalt  }
0x73: {  	_ =	shalt  }
0x74: {  	_ =	shalt  }
0x75: {  	_ =	shalt  }
0x76: {  	_ =	shalt  }
0x77: {  	_ =	shalt  }
0x78: {  	_ =	shalt  }
0x79: {  	_ =	shalt  }
0x7a: {  	_ =	shalt  }
0x7b: {  	_ =	shalt  }
0x7c: {  	_ =	shalt  }
0x7d: {  	_ =	shalt  }
0x7e: {  	_ =	shalt  }
0x7f: {  	_ =	shalt  }
0x80: {  	_ =	shalt  }
0x81: {  	_ =	shalt  }
0x82: {  	_ =	shalt  }
0x83: {  	_ =	shalt  }
0x84: {  	_ =	shalt  }
0x85: {  	_ =	shalt  }
0x86: {  	_ =	shalt  }
0x87: {  	_ =	shalt  }
.Lfunc_end0:
.L_simem_size_0:
called_computation.2_lowered:
.L_overlay_start_0:
0x88: {  	s2 =	sld [smem:$0x3FD9]  }
0x89: {  	s3 =	sld [smem:$0x3FFE];
	_ =	sdelay $0x1  }
0x8a: {  	s1 =	srdreg.scid  }
0x8b: {  	s0 =	sand.u32 $0x1, s1  }
0x8c: {  	s14 =	sshll.u32 s0, $0xA;
	s2 =	sadd.s32 s3, s2  }
0x8d: {  	s2 =	sadd.s32 s2, s14  }
0x8e: {  	[smem:$0x3FAF] =	sst s2  }
0x8f: {  	_ = 	snop  }
0x90: {  	s2 =	sld [smem:$0x3FD0];
	_ =	sdelay $0x2  }
0x91: {  	s15 =	simm.s32 $0xB;
	s4 =	simm.s32 $0x10  }
0x92: {  	[smem:s4], [sflag:s15] =	dma.local [hbm:s2], $0x1  }
0x93: {  	_ =	swait.eq [sflag:s15], $0x1  }
0x94: {  	[sflag:s15] =	ssyncset.done $0x0  }
0x95: {  	[sflag:s15] =	ssyncadd.s32 $0xFFFFFFFF  }
0x96: {  	s16 =	sld [smem:$0x10];
	(tm) =	ssettm $0x1  }
0x97: {  	s17 =	sld [smem:$0x3FFB];
	_ =	sdelay $0x3  }
0x98: {  	_ =	strace s17  }
0x99: {  	s3 =	sld [smem:$0x3FFC];
	_ =	sdelay $0x3  }
0x9a: {  	_ =	strace s3  }
0x9b: {  	s3 =	sld [smem:$0x3FFD];
	_ =	sdelay $0x3  }
0x9c: {  	_ =	strace s3  }
0x9d: {  	_ =	strace $0x8FFFFFFF  }
0x9e: {  	s18 =	sld [smem:$0x3FDB];
	_ =	sdelay $0x1  }
0x9f: {  	s19 =	simm.s32 $_scs_section_size  }
0xa0: {  	s5 =	simm.s32 $_size__tile_overlayer_lowered;
	s6 =	simm.s32 $_tile_overlayer_lowered  }
0xa1: {  	s22 =	simm.s32 $0x1BFF;
	s21 =	sshll.u32 s6, $0x1;
	s3 =	sadd.s32 s19, s18  }
0xa2: {  	s7 =	simm.s32 $0x0;
	s20 =	sshll.u32 s5, $0x1;
	s5 =	sadd.s32 s21, s3  }
0xa3: {  	[timem:s7], [sflag:s22] =	dma.local [hbm:s5], s20  }
0xa4: {  	_ =	swait.ge [sflag:s22], s20  }
0xa5: {  	s4 =	ssub.s32 $0x0, s20;
	[sflag:s22] =	ssyncset.done $0x0  }
0xa6: {  	[sflag:s22] =	ssyncadd.s32 s4;
	_ =	sdelay $0x1  }
0xa7: {  	s23 =	simm.s32 $0x1B8B  }
0xa8: {  	_ =	swait.ge [sflag:s23], $0x1  }
0xa9: {  	[sflag:s23] =	ssyncset.done $0x0  }
0xaa: {  	s25 =	simm.s32 $0x1B8E;
	s24 =	sld [smem:$0x3FFE];
	[sflag:s23] =	ssyncadd.s32 $0xFFFFFFFF  }
0xab: {  	s26 =	simm.s32 $execute0_lowered;
	[smem:$0x3FD2] =	sst s25  }
0xac: {  	s5 =	sshll.u32 s26, $0x1;
	_ =	strace $0x80000049;
	[dreg:$0x1] =	wrdreg $0xFFFFFFFF  }
0xad: {  	s28 =	simm.s32 $_size_execute0_lowered;
	s3 =	sadd.s32 s3, s5;
	[dreg:$0x0] =	wrdreg $0x0  }
0xae: {  	s5 =	sshll.u32 s28, $0x1;
	[dreg:$0x2] =	wrdreg s3  }
0xaf: {  	[dreg:$0x3] =	wrdreg s5  }
0xb0: {  	[dreg:$0x4] =	wrdreg $0xC0  }
0xb1: {  	_ =	task [dreg:s7], $0x5FFFF  }
0xb2: {  	[dreg:$0x1] =	wrdreg $0xFFFFFFFF  }
0xb3: {  	[dreg:$0x0] =	wrdreg $0x60  }
0xb4: {  	[dreg:$0x2] =	wrdreg s24  }
0xb5: {  	[dreg:$0x3] =	wrdreg s16  }
0xb6: {  	[dreg:$0x4] =	wrdreg $0x0  }
0xb7: {  	[dreg:$0x5] =	wrdreg $0xA  }
0xb8: {  	_ =	task.clear_ibuf [dreg:s7], $0x6FFFF;
	_ =	strace $0x90000049  }
0xb9: {  	s29 =	simm.s32 $0xA;
	_ =	strace $0x8000004B  }
0xba: {  	_ =	swait.ge [sflag:s29], $0x1  }
0xbb: {  	[sflag:s29] =	ssyncadd.s32 $0xFFFFFFFF  }
0xbc: {  	_ =	strace $0x9000004B  }
0xbd: {  	_ =	sfence  }
0xbe: {  	s30 =	sld [smem:$0x0];
	_ =	sdelay $0x2  }
0xbf: {  	s31 =	sshll.u32 s1, $0xD;
	s1 =	sshrl.u32 s1, $0x2  }
0xc0: {  	s3 =	sand.u32 $0x4000, s31;
	s1 =	sadd.s32 s1, s30  }
0xc1: {  	s0 =	sor.u32 s3, s0;
	s1 =	sshll.u32 s1, $0x11  }
0xc2: {  	s0 =	sor.u32 s1, s0  }
0xc3: {  	s0 =	sadd.s32 $0x8F2B, s0  }
0xc4: {  	[sflag:s0] =	ssyncadd.remote.s32 $0x1  }
0xc5: {  	_ =	sfence.sel $0xFFFF  }
0xc6: {  	[dreg:$0x0] =	wrdreg $0xFFFFFFFF;
	(pc) =	sbr.abs _section_cstart, $3  }
0xc7: {  	[dreg:$0x1] =	wrdreg $0xFFFFFFFF  }
0xc8: {  	_ =	task.clear_ibuf [dreg:s7], $0x2FFFF;
	_ =	strace $0x9FFFFFFF  }
0xc9: {  	(tm) =	ssettm $0x7FFFFFFF  }
tec
execute0_lowered:
.L_overlay_start_1:
0x0: {  	(tag) =	ssettag $0x1  }
0x1: {  	s4 =	rddreg [dreg:$0x0]  }
0x2: {  	s5 =	rddreg [dreg:$0x1];
	s0 =	srdreg.scid  }
0x3: {  	s1 =	rddreg [dreg:$0x2];
	s2 =	stileid.u32  }
0x4: {  	s3 =	simm.s32 $0x0;
	s13 =	simm.s32 $0x2D50;
	s9 =	smul.u32 $0x2710, s2  }
0x5: {  	s14 =	simm.s32 $0x1;
	s15 =	simm.s32 $0x2800;
	s25 =	smul.u32 $0x2800, s2  }
0x6: {  	s16 =	simm.s32 $0x2850;
	s17 =	simm.s32 $0x50;
	s26 =	smul.u32 $0xA000, s2  }
0x7: {  	s6 =	sand.u32 $0x1, s0;
	s0 =	rddreg [dreg:$0x3];
	s31 =	smul.u32 $0x4E20, s2  }
0x8: {  	s20 =	simm.s32 $0x0;
	[smem:$0x7FF] =	sst s3;
	s7 =	smul.u32 $0x4E200, s6  }
0x9: {  	s18 =	sshll.u32 s2, $0x6;
	s8 =	smul.u32 $0x27100, s6;
	_ =	strace $0x8000004A  }
0xa: {  	s10 =	smul.u32 $0x28000, s6;
	s6 =	ssub.s32 $0x2, s6;
	s18 =	sor.u32 $0x1C01, s18  }
0xb: {  	s28 =	sshrl.u32 s6, $0x1;
	s30 =	sshrl.u32 s26, $0x2;
	s19 =	sadd.s32 s25, s1  }
0xc: {  	s11 =	sadd.s32 s7, s4;
	s24 =	sadd.s32 s9, s8;
	s29 =	sadd.s32 s25, s10  }
0xd: {  	s6 =	ssub.s32 s6, s28;
	s19 =	sshrl.u32 s19, $0x3;
	s7 =	sshrl.u32 s24, $0x3  }
0xe: {  	s6 =	smax.u32 s6, $0x1;
	s11 =	sadd.s32 s31, s11;
	s12 =	sadd.s32 s7, s4  }
0xf: {  	s7 =	sshrl.u32 s29, $0x3;
	s4 =	sadd.s32 s30, s1;
	s11 =	sadd.s32 $0x13F0200, s11  }
0x10: {  	s5 =	sadd.s32 s5, s7;
	s7 =	sadd.s32 $0x800, s4;
	s8 =	sadd.s32 $0x1000, s4  }
0x11: {  	v0 =	vimm.f32 $0.0e+00;
	s9 =	sadd.s32 $0x1800, s4;
	s10 =	sadd.s32 $0x2000, s4;
	s12 =	sadd.s32 $0x10200, s12  }
.LBB2_1:
0x12: {  	s21 =	simm.s32 $0x40;
	s22 =	simm.s32 $0x0  }
.LBB2_2:
0x13: {  	p0 =	sne.s32 s21, $0x1FC0;
	[tilespmem:s22+$0x2D50] =	vst v0;
	s22 =	smov.u32 s21;
	s21 =	sadd.s32 $0x40, s21  }
.Ltmp0:
0x14: {  	(pc) =	sbr.rel @p0 .LBB2_2-.Ltmp0, $2  }
0x15: {  	_ =	sdelay $0x2  }
0x16: {  	s22 =	sshra.s32 s22, $0x2  }
0x17: {  	[tilespmem:s22+$0x2D50] =	vst v0  }
0x18: {  	[spmem:s4] =	stream.linear.scatter [tilespmem:s13], [sflag:$0x1], $0x800, $0x38;
	[tilespmem:$0x3550] =	vst v63  }
0x19: {  	_ =	swait.ge [sflag:s14], $0x800  }
0x1a: {  	[sflag:s14] =	ssyncset.done $0x0  }
0x1b: {  	[sflag:s14] =	ssyncadd.s32 $0xFFFFF800  }
0x1c: {  	[spmem:s7] =	stream.linear.scatter [tilespmem:s13], [sflag:$0x1], $0x800, $0x38;
	[tilespmem:$0x3550] =	vst v63  }
0x1d: {  	_ =	swait.ge [sflag:s14], $0x800  }
0x1e: {  	[sflag:s14] =	ssyncset.done $0x0  }
0x1f: {  	[sflag:s14] =	ssyncadd.s32 $0xFFFFF800  }
0x20: {  	[spmem:s8] =	stream.linear.scatter [tilespmem:s13], [sflag:$0x1], $0x800, $0x38;
	[tilespmem:$0x3550] =	vst v63  }
0x21: {  	_ =	swait.ge [sflag:s14], $0x800  }
0x22: {  	[sflag:s14] =	ssyncset.done $0x0  }
0x23: {  	[sflag:s14] =	ssyncadd.s32 $0xFFFFF800  }
0x24: {  	[spmem:s9] =	stream.linear.scatter [tilespmem:s13], [sflag:$0x1], $0x800, $0x38;
	[tilespmem:$0x3550] =	vst v63  }
0x25: {  	_ =	swait.ge [sflag:s14], $0x800  }
0x26: {  	[sflag:s14] =	ssyncset.done $0x0  }
0x27: {  	[sflag:s14] =	ssyncadd.s32 $0xFFFFF800  }
0x28: {  	[spmem:s10] =	stream.linear.scatter [tilespmem:s13], [sflag:$0x1], $0x800, $0x38;
	[tilespmem:$0x3550] =	vst v63  }
0x29: {  	_ =	swait.ge [sflag:s14], $0x800  }
0x2a: {  	[sflag:s14] =	ssyncset.done $0x0  }
0x2b: {  	[sflag:s14] =	ssyncadd.s32 $0xFFFFF800  }
0x2c: {  	s21 =	sadd.s32 $0x0, s12;
	[bflag:$0x0] =	sbarrier.arrive $0xFFFF  }
0x2d: {  	[tilespmem:s15], [sflag:$0x1] =	stream.linear.gather [hbm4b:s21+s3], $0x50, $0x38;
	[tilespmem:$0x3550] =	vst v63  }
0x2e: {  	_ =	swait.ge [sflag:s14], $0x50  }
0x2f: {  	[sflag:s14] =	ssyncset.done $0x0  }
0x30: {  	[sflag:s14] =	ssyncadd.s32 $0xFFFFFFB0  }
0x31: {  	[tilespmem:s16], [sflag:$0x1] =	stream.linear.gather [hbm4b:s11+s3], $0x500, $0x38;
	[tilespmem:$0x3550] =	vst v63  }
0x32: {  	_ =	swait.ge [sflag:s14], $0x500  }
0x33: {  	[sflag:s14] =	ssyncset.done $0x0  }
0x34: {  	[sflag:s14] =	ssyncadd.s32 $0xFFFFFB00  }
0x35: {  	[spmem:s1] =	stream.indirect.scatter.add.f32 [tilespmem:s16], [sflag:$0x1], $0x10, s15, s17, $0xb8;
	[tilespmem:$0x3550] =	vst v63  }
0x36: {  	s22 =	simm.s32 $0xA;
	_ =	swait.ge [sflag:s14], $0x500  }
0x37: {  	s23 =	simm.s32 $0x14;
	s21 =	sadd.s32 $0xA0, s11;
	[sflag:s14] =	ssyncset.done $0x0  }
.LBB2_4:
0x38: {  	s24 =	sadd.s32 s22, s12  }
0x39: {  	[sflag:s14] =	ssyncadd.s32 $0xFFFFFB00;
	s22 =	smov.u32 s23;
	s25 =	sadd.s32 $0xA, s23  }
0x3a: {  	[tilespmem:s15], [sflag:$0x1] =	stream.linear.gather [hbm4b:s24+s3], $0x50, $0x38;
	[tilespmem:$0x3550] =	vst v63  }
0x3b: {  	p0 =	sne.s32 s23, $0x4D8;
	_ =	swait.ge [sflag:s14], $0x50  }
0x3c: {  	[sflag:s14] =	ssyncset.done $0x0  }
0x3d: {  	[sflag:s14] =	ssyncadd.s32 $0xFFFFFFB0  }
0x3e: {  	[tilespmem:s16], [sflag:$0x1] =	stream.linear.gather [hbm4b:s21+s3], $0x500, $0x38;
	[tilespmem:$0x3550] =	vst v63  }
0x3f: {  	_ =	swait.ge [sflag:s14], $0x500  }
.Ltmp1:
0x40: {  	[sflag:s14] =	ssyncset.done $0x0;
	(pc) =	sbr.rel @p0 .LBB2_4-.Ltmp1, $4  }
0x41: {  	[sflag:s14] =	ssyncadd.s32 $0xFFFFFB00  }
0x42: {  	[spmem:s1] =	stream.indirect.scatter.add.f32 [tilespmem:s16], [sflag:$0x1], $0x10, s15, s17, $0xb8;
	[tilespmem:$0x3550] =	vst v63  }
0x43: {  	_ =	swait.ge [sflag:s14], $0x500  }
0x44: {  	s23 =	smov.u32 s25;
	s21 =	sadd.s32 $0xA0, s21;
	[sflag:s14] =	ssyncset.done $0x0  }
0x45: {  	s22 =	sadd.s32 s22, s12;
	[sflag:s14] =	ssyncadd.s32 $0xFFFFFB00  }
0x46: {  	[tilespmem:s15], [sflag:$0x1] =	stream.linear.gather [hbm4b:s22+s3], $0x50, $0x38;
	[tilespmem:$0x3550] =	vst v63  }
0x47: {  	_ =	swait.ge [sflag:s14], $0x50  }
0x48: {  	[sflag:s14] =	ssyncset.done $0x0  }
0x49: {  	[sflag:s14] =	ssyncadd.s32 $0xFFFFFFB0  }
0x4a: {  	[tilespmem:s16], [sflag:$0x1] =	stream.linear.gather [hbm4b:s21+s3], $0x500, $0x38;
	[tilespmem:$0x3550] =	vst v63  }
0x4b: {  	_ =	swait.ge [sflag:s14], $0x500  }
0x4c: {  	[sflag:s14] =	ssyncset.done $0x0  }
0x4d: {  	[sflag:s14] =	ssyncadd.s32 $0xFFFFFB00  }
0x4e: {  	[spmem:s1] =	stream.indirect.scatter.add.f32 [tilespmem:s16], [sflag:$0x1], $0x10, s15, s17, $0xb8;
	[tilespmem:$0x3550] =	vst v63  }
0x4f: {  	_ =	swait.ge [sflag:s14], $0x500  }
0x50: {  	s20 =	sadd.s32 $0x1, s20;
	[sflag:s14] =	ssyncset.done $0x0  }
0x51: {  	p0 =	sne.s32 s20, s6;
	[sflag:s14] =	ssyncadd.s32 $0xFFFFFB00  }
.Ltmp2:
0x52: {  	[bflag:$0x0] =	sbarrier.arrive $0xFFFF;
	(pc) =	sbr.rel @p0 .LBB2_1-.Ltmp2, $4  }
0x53: {  	[hbm:s5], [sflag:s18] =	dma.local [spmem:s19], $0x500  }
0x54: {  	_ =	swait.ge [sflag:s14], $0x500  }
0x55: {  	[sflag:s14] =	ssyncset.done $0x0  }
0x56: {  	[sflag:s14] =	ssyncadd.s32 $0xFFFFFB00  }
0x57: {  	_ =	sfence.sel $0x180000  }
0x58: {  	[bflag:$0x0] =	sbarrier.arrive $0xFFFF  }
0x59: {  	p0 =	sne.s32 s2, $0x0;
	_ =	strace $0x9000004A  }
0x5a: {  	s0 =	sadd.s32 @!p0 $0x100000, s0;
	[bflag:$0x2] =	sbarrier.arrive $0xFFFF  }
0x5b: {  	[sflag:s0] =	ssyncadd.tile.s32 @!p0 $0x1;
	_ =	shalt  }
.Lfunc_end2:
_tile_overlayer_lowered:
.L_overlay_start_2:
0x5c: {  	(tag) =	ssettag $0x2  }
0x5d: {  	s0 =	rddreg [dreg:$0x0];
	s2 =	stileid.u32  }
0x5e: {  	s1 =	rddreg [dreg:$0x1];
	p0 =	sne.s32 s2, $0x0  }
0x5f: {  	s3 =	rddreg [dreg:$0x2];
	[bflag:$0x3] =	sbarrier.arrive $0xFFFF;
	s2 =	simm.s32 @!p0 $0x1C01  }
0x60: {  	[timem:s3], [sflag:s2] =	dma.local @!p0 [hbm:s0], s1  }
0x61: {  	s0 =	simm.s32 @!p0 $0x1  }
0x62: {  	_ =	swait.ge @!p0 [sflag:s0], s1  }
0x63: {  	s1 =	ssub.s32 @!p0 $0x0, s1;
	[sflag:s0] =	ssyncset.done @!p0 $0x0  }
0x64: {  	[sflag:s0] =	ssyncadd.s32 @!p0 s1  }
0x65: {  	[bflag:$0x3] =	sbarrier.arrive $0xFFFF  }
0x66: {  	_ =	shalt  }

// kernel: kernel.20.cloned.1.call-start
scs
__scs_entry_jumppad:
0x0: {  	(pc) =	sbr.rel $0x88, $3  }
0x1: {  	(tag) =	ssettag $0x0;
	lr =	simm.s32 $0x1  }
0x2: {  	[smem:$0x3F88] =	sst lr;
	_ =	strace $0xD0000000  }
0x3: {  	_ = 	snop  }
0x4: {  	_ = 	snop  }
0x5: {  	_ = 	snop  }
0x6: {  	_ = 	snop  }
0x7: {  	_ = 	snop  }
__scs_overlays_trampoline_lowered:
0x8: {  	[smem:$0x3F97] =	sst s0  }
0x9: {  	[smem:$0x3F98] =	sst s1  }
0xa: {  	[smem:$0x3F99] =	sst s2  }
0xb: {  	[smem:$0x3F9A] =	sst s3  }
0xc: {  	[smem:$0x3F9B] =	sst s4  }
0xd: {  	[smem:$0x3F9C] =	sst s5  }
0xe: {  	[smem:$0x3F9D] =	sst s6  }
0xf: {  	[smem:$0x3F9E] =	sst s7  }
0x10: {  	[smem:$0x3F9F] =	sst s8  }
0x11: {  	[smem:$0x3FA0] =	sst s9;
	s0 =	simm.s32 @!p0 $0x0  }
0x12: {  	s1 =	sld [smem:$0x3F86];
	s0 =	simm.s32 @p0 $0x1  }
0x13: {  	[smem:$0x3FA1] =	sst s0;
	s0 =	simm.s32 @!p1 $0x0  }
0x14: {  	s2 =	sld [smem:$0x3F85];
	s0 =	simm.s32 @p1 $0x1  }
0x15: {  	[smem:$0x3FA2] =	sst s0;
	s0 =	simm.s32 @!p2 $0x0  }
0x16: {  	s3 =	sld [smem:$0x3FDB];
	s0 =	simm.s32 @p2 $0x1  }
0x17: {  	s4 =	simm.s32 $0x1BF5;
	[smem:$0x3FA4] =	sst s0  }
0x18: {  	s0 =	sld [smem:$0x3F87];
	_ =	swait.ge [sflag:s4], $0x0  }
0x19: {  	s7 =	sld [smem:$0x3F88]  }
0x1a: {  	s8 =	sadd.s32 $0xFFFFE003, lr  }
0x1b: {  	s9 =	sadd.s32 $0xFFFFFEF7, lr;
	s5 =	simm.s32 $0xFFFFFFFF;
	p2 =	slt.u32 s8, $0xFFFFF086  }
0x1c: {  	p1 =	slt.u32 s9, $0xF7A;
	s5 =	simm.s32 @!p2 $0x0  }
0x1d: {  	s5 =	simm.s32 @p1 $0x1;
	p0 =	seq.s32 s7, s2  }
0x1e: {  	s7 =	smul.u32 @!p0 $0xF7A, s2;
	p2 =	seq.s32 @!p0 s5, $0x0  }
0x1f: {  	s9 =	smul.u32 $0xF7A, s1;
	s8 =	simm.s32 @!p0 $0x1BF5;
	p2 =	por !p2, p0  }
0x20: {  	[sflag:s8] =	ssyncset.s32 @!p0 $0xFFFFF086;
	s6 =	sadd.s32 @!p0 s3, s7;
	s7 =	simm.s32 @!p0 $0x108  }
0x21: {  	s3 =	sadd.s32 s3, s9;
	s6 =	sadd.s32 @!p0 $0x88, s6;
	s7 =	simm.s32 @p2 $0x1082  }
0x22: {  	[simem:s7], [sflag:s8] =	dma.local @!p0 [hbm:s6], $0xF7A  }
0x23: {  	s9 =	sor.u32 $0xD0000000, s2;
	s6 =	simm.s32 $0x108;
	_ =	swait.ge @!p0 [sflag:s8], $0x0  }
0x24: {  	s3 =	sadd.s32 $0x88, s3;
	s6 =	simm.s32 @!p1 $0x1082;
	[sflag:s4] =	ssyncset.s32 $0xFFFFF086  }
0x25: {  	[simem:s6], [sflag:s4] =	dma.local [hbm:s3], $0xF7A  }
0x26: {  	[smem:$0x3F88] =	sst s1;
	(tag) =	ssettag s2;
	_ =	strace s9  }
0x27: {  	s1 =	sld [smem:$0x3F98]  }
0x28: {  	s2 =	sld [smem:$0x3F99]  }
0x29: {  	s4 =	sld [smem:$0x3F9B]  }
0x2a: {  	p0 =	seq.s32 s5, $0x0;
	s5 =	sld [smem:$0x3F9C]  }
0x2b: {  	s6 =	sld [smem:$0x3F9D]  }
0x2c: {  	s7 =	sld [smem:$0x3F9E]  }
0x2d: {  	s3 =	simm.s32 $0x108;
	s8 =	sld [smem:$0x3F9F]  }
0x2e: {  	s3 =	simm.s32 @!p0 $0x1082;
	s9 =	sld [smem:$0x3FA0]  }
0x2f: {  	lr =	sadd.s32 s0, s3;
	s0 =	sld [smem:$0x3F97]  }
0x30: {  	s3 =	sld [smem:$0x3F9A]  }
0x31: {  	[smem:$0x3FA3] =	sst s10  }
0x32: {  	s10 =	sld [smem:$0x3FA1];
	_ =	sdelay $0x3  }
0x33: {  	p0 =	seq.s32 s10, $0x1;
	s10 =	sld [smem:$0x3FA3];
	_ =	sdelay $0x3  }
0x34: {  	[smem:$0x3FA3] =	sst s10  }
0x35: {  	s10 =	sld [smem:$0x3FA2];
	_ =	sdelay $0x3  }
0x36: {  	p1 =	seq.s32 s10, $0x1;
	s10 =	sld [smem:$0x3FA3];
	_ =	sdelay $0x3  }
0x37: {  	[smem:$0x3FA3] =	sst s10  }
0x38: {  	s10 =	sld [smem:$0x3FA4]  }
0x39: {  	_ = 	snop;
	(pc) =	sbr.ind lr, $3  }
0x3a: {  	_ = 	snop  }
0x3b: {  	_ = 	snop  }
0x3c: {  	p2 =	seq.s32 s10, $0x1;
	s10 =	sld [smem:$0x3FA3]  }
0x3d: {  	_ =	shalt  }
0x3e: {  	_ =	shalt  }
0x3f: {  	_ =	shalt  }
0x40: {  	_ =	shalt  }
0x41: {  	_ =	shalt  }
0x42: {  	_ =	shalt  }
0x43: {  	_ =	shalt  }
0x44: {  	_ =	shalt  }
0x45: {  	_ =	shalt  }
0x46: {  	_ =	shalt  }
0x47: {  	_ =	shalt  }
0x48: {  	_ =	shalt  }
0x49: {  	_ =	shalt  }
0x4a: {  	_ =	shalt  }
0x4b: {  	_ =	shalt  }
0x4c: {  	_ =	shalt  }
0x4d: {  	_ =	shalt  }
0x4e: {  	_ =	shalt  }
0x4f: {  	_ =	shalt  }
0x50: {  	_ =	shalt  }
0x51: {  	_ =	shalt  }
0x52: {  	_ =	shalt  }
0x53: {  	_ =	shalt  }
0x54: {  	_ =	shalt  }
0x55: {  	_ =	shalt  }
0x56: {  	_ =	shalt  }
0x57: {  	_ =	shalt  }
0x58: {  	_ =	shalt  }
0x59: {  	_ =	shalt  }
0x5a: {  	_ =	shalt  }
0x5b: {  	_ =	shalt  }
0x5c: {  	_ =	shalt  }
0x5d: {  	_ =	shalt  }
0x5e: {  	_ =	shalt  }
0x5f: {  	_ =	shalt  }
0x60: {  	_ =	shalt  }
0x61: {  	_ =	shalt  }
0x62: {  	_ =	shalt  }
0x63: {  	_ =	shalt  }
0x64: {  	_ =	shalt  }
0x65: {  	_ =	shalt  }
0x66: {  	_ =	shalt  }
0x67: {  	_ =	shalt  }
0x68: {  	_ =	shalt  }
0x69: {  	_ =	shalt  }
0x6a: {  	_ =	shalt  }
0x6b: {  	_ =	shalt  }
0x6c: {  	_ =	shalt  }
0x6d: {  	_ =	shalt  }
0x6e: {  	_ =	shalt  }
0x6f: {  	_ =	shalt  }
0x70: {  	_ =	shalt  }
0x71: {  	_ =	shalt  }
0x72: {  	_ =	shalt  }
0x73: {  	_ =	shalt  }
0x74: {  	_ =	shalt  }
0x75: {  	_ =	shalt  }
0x76: {  	_ =	shalt  }
0x77: {  	_ =	shalt  }
0x78: {  	_ =	shalt  }
0x79: {  	_ =	shalt  }
0x7a: {  	_ =	shalt  }
0x7b: {  	_ =	shalt  }
0x7c: {  	_ =	shalt  }
0x7d: {  	_ =	shalt  }
0x7e: {  	_ =	shalt  }
0x7f: {  	_ =	shalt  }
0x80: {  	_ =	shalt  }
0x81: {  	_ =	shalt  }
0x82: {  	_ =	shalt  }
0x83: {  	_ =	shalt  }
0x84: {  	_ =	shalt  }
0x85: {  	_ =	shalt  }
0x86: {  	_ =	shalt  }
0x87: {  	_ =	shalt  }
.Lfunc_end0:
.L_simem_size_0:
called_computation.3_lowered:
.L_overlay_start_0:
0x88: {  	s2 =	sld [smem:$0x3FD9]  }
0x89: {  	s3 =	sld [smem:$0x3FFE];
	_ =	sdelay $0x1  }
0x8a: {  	s1 =	srdreg.scid  }
0x8b: {  	s0 =	sand.u32 $0x1, s1  }
0x8c: {  	s14 =	sshll.u32 s0, $0xA;
	s2 =	sadd.s32 s3, s2  }
0x8d: {  	s2 =	sadd.s32 s2, s14  }
0x8e: {  	[smem:$0x3FAF] =	sst s2  }
0x8f: {  	_ = 	snop  }
0x90: {  	s2 =	sld [smem:$0x3FD0];
	_ =	sdelay $0x2  }
0x91: {  	s15 =	simm.s32 $0xB;
	s4 =	simm.s32 $0x10  }
0x92: {  	[smem:s4], [sflag:s15] =	dma.local [hbm:s2], $0x1  }
0x93: {  	_ =	swait.eq [sflag:s15], $0x1  }
0x94: {  	[sflag:s15] =	ssyncset.done $0x0  }
0x95: {  	[sflag:s15] =	ssyncadd.s32 $0xFFFFFFFF  }
0x96: {  	s16 =	sld [smem:$0x11];
	(tm) =	ssettm $0x1  }
0x97: {  	s17 =	sld [smem:$0x3FFB];
	_ =	sdelay $0x3  }
0x98: {  	_ =	strace s17  }
0x99: {  	s3 =	sld [smem:$0x3FFC];
	_ =	sdelay $0x3  }
0x9a: {  	_ =	strace s3  }
0x9b: {  	s3 =	sld [smem:$0x3FFD];
	_ =	sdelay $0x3  }
0x9c: {  	_ =	strace s3  }
0x9d: {  	_ =	strace $0x8FFFFFFF  }
0x9e: {  	s18 =	sld [smem:$0x3FDB];
	_ =	sdelay $0x1  }
0x9f: {  	s19 =	simm.s32 $_scs_section_size  }
0xa0: {  	s5 =	simm.s32 $_size__tile_overlayer_lowered;
	s6 =	simm.s32 $_tile_overlayer_lowered  }
0xa1: {  	s22 =	simm.s32 $0x1BFF;
	s21 =	sshll.u32 s6, $0x1;
	s3 =	sadd.s32 s19, s18  }
0xa2: {  	s7 =	simm.s32 $0x0;
	s20 =	sshll.u32 s5, $0x1;
	s5 =	sadd.s32 s21, s3  }
0xa3: {  	[timem:s7], [sflag:s22] =	dma.local [hbm:s5], s20  }
0xa4: {  	_ =	swait.ge [sflag:s22], s20  }
0xa5: {  	s4 =	ssub.s32 $0x0, s20;
	[sflag:s22] =	ssyncset.done $0x0  }
0xa6: {  	[sflag:s22] =	ssyncadd.s32 s4;
	_ =	sdelay $0x1  }
0xa7: {  	s23 =	simm.s32 $0x1B8B  }
0xa8: {  	_ =	swait.ge [sflag:s23], $0x1  }
0xa9: {  	[sflag:s23] =	ssyncset.done $0x0  }
0xaa: {  	s25 =	simm.s32 $0x1B8E;
	s24 =	sld [smem:$0x3FFE];
	[sflag:s23] =	ssyncadd.s32 $0xFFFFFFFF  }
0xab: {  	s26 =	simm.s32 $execute0_lowered;
	[smem:$0x3FD2] =	sst s25  }
0xac: {  	s5 =	sshll.u32 s26, $0x1;
	_ =	strace $0x8000004F;
	[dreg:$0x1] =	wrdreg $0xFFFFFFFF  }
0xad: {  	s28 =	simm.s32 $_size_execute0_lowered;
	s3 =	sadd.s32 s3, s5;
	[dreg:$0x0] =	wrdreg $0x0  }
0xae: {  	s5 =	sshll.u32 s28, $0x1;
	[dreg:$0x2] =	wrdreg s3  }
0xaf: {  	[dreg:$0x3] =	wrdreg s5  }
0xb0: {  	[dreg:$0x4] =	wrdreg $0xC0  }
0xb1: {  	_ =	task [dreg:s7], $0x5FFFF  }
0xb2: {  	[dreg:$0x1] =	wrdreg $0xFFFFFFFF  }
0xb3: {  	[dreg:$0x0] =	wrdreg $0x60  }
0xb4: {  	[dreg:$0x2] =	wrdreg s24  }
0xb5: {  	[dreg:$0x3] =	wrdreg s16  }
0xb6: {  	[dreg:$0x4] =	wrdreg $0x9  }
0xb7: {  	_ =	task.clear_ibuf [dreg:s7], $0x5FFFF;
	_ =	strace $0x9000004F  }
0xb8: {  	s29 =	simm.s32 $0x9;
	_ =	strace $0x80000051  }
0xb9: {  	_ =	swait.ge [sflag:s29], $0x1  }
0xba: {  	[sflag:s29] =	ssyncadd.s32 $0xFFFFFFFF  }
0xbb: {  	_ =	strace $0x90000051  }
0xbc: {  	_ =	sfence  }
0xbd: {  	s30 =	sld [smem:$0x0];
	_ =	sdelay $0x2  }
0xbe: {  	s31 =	sshll.u32 s1, $0xD;
	s1 =	sshrl.u32 s1, $0x2  }
0xbf: {  	s3 =	sand.u32 $0x4000, s31;
	s1 =	sadd.s32 s1, s30  }
0xc0: {  	s0 =	sor.u32 s3, s0;
	s1 =	sshll.u32 s1, $0x11  }
0xc1: {  	s0 =	sor.u32 s1, s0  }
0xc2: {  	s0 =	sadd.s32 $0x8F2B, s0  }
0xc3: {  	[sflag:s0] =	ssyncadd.remote.s32 $0x1  }
0xc4: {  	_ =	sfence.sel $0xFFFF  }
0xc5: {  	[dreg:$0x0] =	wrdreg $0xFFFFFFFF;
	(pc) =	sbr.abs _section_cstart, $3  }
0xc6: {  	[dreg:$0x1] =	wrdreg $0xFFFFFFFF  }
0xc7: {  	_ =	task.clear_ibuf [dreg:s7], $0x2FFFF;
	_ =	strace $0x9FFFFFFF  }
0xc8: {  	(tm) =	ssettm $0x7FFFFFFF  }
0xc9: {  	_ =	shalt  }
tec
execute0_lowered:
.L_overlay_start_1:
0x0: {  	(tag) =	ssettag $0x1  }
0x1: {  	s5 =	rddreg [dreg:$0x0]  }
0x2: {  	s7 =	rddreg [dreg:$0x1]  }
0x3: {  	s1 =	srdreg.scid;
	s0 =	rddreg [dreg:$0x2];
	s2 =	simm.s32 $0x0  }
0x4: {  	s13 =	simm.s32 $0x5320;
	s14 =	simm.s32 $0x1;
	s15 =	simm.s32 $0x0  }
0x5: {  	s6 =	sand.u32 $0x1, s1;
	s1 =	stileid.u32;
	[smem:$0x7FF] =	sst s2  }
0x6: {  	s4 =	sadd.s32 $0x13F0200, s5;
	s3 =	sshll.u32 s6, $0x4;
	s9 =	smul.u32 $0x4E200, s6  }
0x7: {  	s6 =	ssub.s32 $0x2, s6;
	s11 =	smul.u32 $0x4E20, s1;
	s3 =	sor.u32 s1, s3  }
0x8: {  	_ =	strace $0x80000050;
	s10 =	sshrl.u32 s6, $0x1;
	s8 =	smul.u32 $0x2710, s3  }
0x9: {  	s3 =	sadd.s32 $0x13F5200, s5;
	s12 =	sadd.s32 s9, s5;
	s10 =	ssub.s32 s6, s10  }
0xa: {  	s9 =	sadd.s32 s9, s7;
	s31 =	sadd.s32 s11, s12;
	s7 =	smax.u32 s10, $0x1  }
0xb: {  	s9 =	sadd.s32 s11, s9;
	s10 =	simm.s32 $0x2;
	s8 =	sshrl.u32 s8, $0x3  }
0xc: {  	s11 =	simm.s32 $0x50;
	s12 =	simm.s32 $0x4E20;
	s8 =	sadd.s32 s8, s5  }
0xd: {  	s5 =	sadd.s32 $0x10200, s8;
	s6 =	sadd.s32 $0x6400, s8;
	s8 =	sadd.s32 $0x13FA200, s31  }
.LBB2_1:
0xe: {  	[tilespmem:s2], [sflag:$0x2] =	stream.linear.gather [hbm4b:s5+s2], $0x2710, $0x38;
	[tilespmem:$0x5820] =	vst v63  }
0xf: {  	_ =	swait.ge [sflag:s10], $0x2710  }
0x10: {  	[sflag:s10] =	ssyncset.done $0x0  }
0x11: {  	s16 =	simm.s32 $0x2710;
	[sflag:s10] =	ssyncadd.s32 $0xFFFFD8F0  }
0x12: {  	[tilespmem:s16], [sflag:$0x2] =	stream.linear.gather [hbm4b:s6+s2], $0x2710, $0x38;
	[tilespmem:$0x5820] =	vst v63  }
0x13: {  	_ =	swait.ge [sflag:s10], $0x2710  }
0x14: {  	[sflag:s10] =	ssyncset.done $0x0  }
0x15: {  	[sflag:s10] =	ssyncadd.s32 $0xFFFFD8F0  }
0x16: {  	[tilespmem:s12], [sflag:$0x1] =	stream.indirect.gather [hbm4b:s3+s11], $0x10, s16, s11, $0xb8;
	[tilespmem:$0x5820] =	vst v63  }
0x17: {  	_ = 	snop  }
0x18: {  	[tilespmem:s13], [sflag:$0x1] =	stream.indirect.gather [hbm4b:s4+s11], $0x10, s2, s11, $0xb8;
	[tilespmem:$0x5820] =	vst v63  }
0x19: {  	_ =	swait.ge [sflag:s14], $0x500  }
0x1a: {  	[sflag:s14] =	ssyncset.done $0x0  }
0x1b: {  	[sflag:s14] =	ssyncadd.s32 $0xFFFFFB00  }
0x1c: {  	_ =	swait.ge [sflag:s14], $0x500  }
0x1d: {  	[sflag:s14] =	ssyncset.done $0x0  }
0x1e: {  	s17 =	sadd.s32 $0x0, s9;
	[sflag:s14] =	ssyncadd.s32 $0xFFFFFB00  }
0x1f: {  	[hbm4b:s17+s2] =	stream.linear.scatter [tilespmem:s12], [sflag:$0x2], $0x500, $0x38;
	[tilespmem:$0x5820] =	vst v63  }
0x20: {  	_ =	swait.ge [sflag:s10], $0x500  }
0x21: {  	[sflag:s10] =	ssyncset.done $0x0  }
0x22: {  	s31 =	sadd.s32 $0x0, s8;
	[sflag:s10] =	ssyncadd.s32 $0xFFFFFB00  }
0x23: {  	[hbm4b:s31+s2] =	stream.linear.scatter [tilespmem:s13], [sflag:$0x2], $0x500, $0x38;
	[tilespmem:$0x5820] =	vst v63  }
0x24: {  	_ =	swait.ge [sflag:s10], $0x500  }
0x25: {  	s18 =	simm.s32 $0x0;
	s17 =	simm.s32 $0xA0;
	[sflag:s10] =	ssyncset.done $0x0  }
.LBB2_2:
0x26: {  	[sflag:s10] =	ssyncadd.s32 $0xFFFFFB00;
	s16 =	sadd.s32 $0x50, s16;
	s18 =	sadd.s32 $0x50, s18  }
0x27: {  	[tilespmem:s12], [sflag:$0x1] =	stream.indirect.gather [hbm4b:s3+s11], $0x10, s16, s11, $0xb8;
	[tilespmem:$0x5820] =	vst v63  }
0x28: {  	p0 =	sne.s32 s17, $0x4D80;
	s19 =	smov.u32 s17;
	s17 =	sadd.s32 $0xA0, s17  }
0x29: {  	[tilespmem:s13], [sflag:$0x1] =	stream.indirect.gather [hbm4b:s4+s11], $0x10, s18, s11, $0xb8;
	[tilespmem:$0x5820] =	vst v63  }
0x2a: {  	_ =	swait.ge [sflag:s14], $0x500  }
0x2b: {  	[sflag:s14] =	ssyncset.done $0x0  }
0x2c: {  	[sflag:s14] =	ssyncadd.s32 $0xFFFFFB00  }
0x2d: {  	_ =	swait.ge [sflag:s14], $0x500  }
0x2e: {  	[sflag:s14] =	ssyncset.done $0x0  }
0x2f: {  	s20 =	sadd.s32 s19, s9;
	[sflag:s14] =	ssyncadd.s32 $0xFFFFFB00  }
0x30: {  	[hbm4b:s20+s2] =	stream.linear.scatter [tilespmem:s12], [sflag:$0x2], $0x500, $0x38;
	[tilespmem:$0x5820] =	vst v63  }
0x31: {  	_ =	swait.ge [sflag:s10], $0x500  }
.Ltmp0:
0x32: {  	[sflag:s10] =	ssyncset.done $0x0;
	(pc) =	sbr.rel @p0 .LBB2_2-.Ltmp0, $4  }
0x33: {  	s19 =	sadd.s32 s19, s8;
	[sflag:s10] =	ssyncadd.s32 $0xFFFFFB00  }
0x34: {  	[hbm4b:s19+s2] =	stream.linear.scatter [tilespmem:s13], [sflag:$0x2], $0x500, $0x38;
	[tilespmem:$0x5820] =	vst v63  }
0x35: {  	_ =	swait.ge [sflag:s10], $0x500  }
0x36: {  	[sflag:s10] =	ssyncset.done $0x0  }
0x37: {  	s15 =	sadd.s32 $0x1, s15  }
0x38: {  	p0 =	sne.s32 s15, s7  }
.Ltmp1:
0x39: {  	_ = 	snop;
	(pc) =	sbr.rel @p0 .LBB2_1-.Ltmp1, $2  }
0x3a: {  	_ =	sdelay $0x2  }
0x3b: {  	[sflag:s10] =	ssyncadd.s32 $0xFFFFFB00  }
0x3c: {  	_ =	sfence.sel $0x180000  }
0x3d: {  	[bflag:$0x0] =	sbarrier.arrive $0xFFFF  }
0x3e: {  	p0 =	sne.s32 s1, $0x0;
	_ =	strace $0x90000050  }
0x3f: {  	s0 =	sadd.s32 @!p0 $0x100000, s0;
	[bflag:$0x2] =	sbarrier.arrive $0xFFFF  }
0x40: {  	[sflag:s0] =	ssyncadd.tile.s32 @!p0 $0x1;
	_ =	shalt  }
.Lfunc_end2:
_tile_overlayer_lowered:
.L_overlay_start_2:
0x41: {  	(tag) =	ssettag $0x2  }
0x42: {  	s0 =	rddreg [dreg:$0x0];
	s2 =	stileid.u32  }
0x43: {  	s1 =	rddreg [dreg:$0x1];
	p0 =	sne.s32 s2, $0x0  }
0x44: {  	s3 =	rddreg [dreg:$0x2];
	[bflag:$0x3] =	sbarrier.arrive $0xFFFF;
	s2 =	simm.s32 @!p0 $0x1C02  }
0x45: {  	[timem:s3], [sflag:s2] =	dma.local @!p0 [hbm:s0], s1  }
0x46: {  	s0 =	simm.s32 @!p0 $0x2  }
0x47: {  	_ =	swait.ge @!p0 [sflag:s0], s1  }
0x48: {  	s1 =	ssub.s32 @!p0 $0x0, s1;
	[sflag:s0] =	ssyncset.done @!p0 $0x0  }
0x49: {  	[sflag:s0] =	ssyncadd.s32 @!p0 s1  }
0x4a: {  	[bflag:$0x3] =	sbarrier.arrive $0xFFFF  }
0x4b: {  	_ =	shalt  }

</sc_bundles>
